<compile_context>
chip_gen: v7x
topology: tpu7x:2x2x1
jax: 0.10.2.dev20260603
libtpu: 0.0.44.dev20260713+nightly
codegen_flags: <defaults>
</compile_context>

<pallas_src>
import functools

import jax
import jax.numpy as jnp
from jax import lax
from jax.experimental import pallas as pl
from jax.experimental.pallas import tpu as pltpu
from jax.experimental.pallas import tpu_sc as plsc

N = 10000
E = 320000
NC, NS = 2, 16
NW = NC * NS
PT = E // NW
W = 8
CH = 10
CL = PT // CH
DEG_C = 2000
RP = N // NS

f32 = jnp.float32


def _mesh():
    return plsc.VectorSubcoreMesh(
        core_axis_name="c", subcore_axis_name="s", num_cores=NC, num_subcores=NS
    )


_SC_PARAMS = pltpu.CompilerParams(use_tc_tiling_on_sc=False)



@functools.partial(
    pl.kernel,
    mesh=_mesh(),
    out_type=jax.ShapeDtypeStruct((NC, N, W), f32),
    compiler_params=_SC_PARAMS,
    scratch_types=[
        pltpu.VMEM((PT // DEG_C, DEG_C), jnp.int32),
        pltpu.VMEM((DEG_C, W), f32),
        pltpu.VMEM_SHARED((N, W), f32),
        pltpu.SemaphoreType.DMA,
    ],
)
def _deg_kernel(ei_hbm, zeros_hbm, ones_hbm, out_hbm, idx_v, ones_v, acc_sh, sem):
    cid = lax.axis_index("c")
    sid = lax.axis_index("s")
    wid = sid * NC + cid
    rows = pl.ds(sid * RP, RP)

    pltpu.sync_copy(zeros_hbm.at[rows], acc_sh.at[rows])
    pltpu.sync_copy(ones_hbm, ones_v)
    pltpu.sync_copy(ei_hbm.at[1].at[wid], idx_v)
    plsc.subcore_barrier()

    for k in range(PT // DEG_C):
        pltpu.async_copy(ones_v, acc_sh.at[idx_v.at[k]], sem, add=True)
    for k in range(PT // DEG_C):
        pltpu.make_async_copy(ones_v, acc_sh.at[idx_v.at[k]], sem).wait()

    plsc.subcore_barrier()
    pltpu.sync_copy(acc_sh.at[rows], out_hbm.at[cid].at[rows])



@functools.partial(
    pl.kernel,
    mesh=_mesh(),
    out_type=jax.ShapeDtypeStruct((NC, N, W), f32),
    compiler_params=_SC_PARAMS,
    scratch_types=[
        pltpu.VMEM((CH, CL), jnp.int32),
        pltpu.VMEM((CH, CL), jnp.int32),
        pltpu.VMEM((2, CL, W), f32),
        pltpu.VMEM_SHARED((N, W), f32),
        pltpu.VMEM_SHARED((N, W), f32),
        pltpu.SemaphoreType.DMA,
        pltpu.SemaphoreType.DMA,
        pltpu.SemaphoreType.DMA,
        pltpu.SemaphoreType.DMA,
    ],
)
def _scat_kernel(ei_hbm, g_hbm, zeros_hbm, out_hbm,
                 src_v, dst_v, msg_v, g_sh, acc_sh, gs0, gs1, ss0, ss1):
    cid = lax.axis_index("c")
    sid = lax.axis_index("s")
    wid = sid * NC + cid
    rows = pl.ds(sid * RP, RP)
    gsem = (gs0, gs1)
    ssem = (ss0, ss1)

    pltpu.sync_copy(zeros_hbm.at[rows], acc_sh.at[rows])
    pltpu.sync_copy(g_hbm.at[rows], g_sh.at[rows])
    pltpu.sync_copy(ei_hbm.at[0].at[wid], src_v)
    pltpu.sync_copy(ei_hbm.at[1].at[wid], dst_v)
    plsc.subcore_barrier()

    def gather(c, b):
        pltpu.async_copy(g_sh.at[src_v.at[c]], msg_v.at[b], gsem[b])

    def scatter(c, b):
        pltpu.async_copy(msg_v.at[b], acc_sh.at[dst_v.at[c]], ssem[b], add=True)

    gather(0, 0)
    for c in range(CH):
        b = c % 2
        pltpu.make_async_copy(g_sh.at[src_v.at[c]], msg_v.at[b], gsem[b]).wait()
        scatter(c, b)
        if c + 1 < CH:
            nb = 1 - b
            if c >= 1:
                pltpu.make_async_copy(
                    msg_v.at[nb], acc_sh.at[dst_v.at[c - 1]], ssem[nb]).wait()
            gather(c + 1, nb)
    pltpu.make_async_copy(
        msg_v.at[(CH - 1) % 2], acc_sh.at[dst_v.at[CH - 1]],
        ssem[(CH - 1) % 2]).wait()
    pltpu.make_async_copy(
        msg_v.at[(CH - 2) % 2], acc_sh.at[dst_v.at[CH - 2]],
        ssem[(CH - 2) % 2]).wait()

    plsc.subcore_barrier()
    pltpu.sync_copy(acc_sh.at[rows], out_hbm.at[cid].at[rows])



def _tc1(x, W1, deg):
    def body(x_ref, w_ref, deg_ref, dis_ref, g_ref):
        h = jnp.dot(x_ref[...], w_ref[...], preferred_element_type=f32)
        dis = lax.rsqrt(deg_ref[0][:, :1] + deg_ref[1][:, :1] + 1.0)
        dis_ref[...] = dis
        g_ref[...] = jnp.concatenate([h * dis, jnp.zeros((N, W - 4), f32)], axis=1)

    return pl.pallas_call(
        body,
        out_shape=(
            jax.ShapeDtypeStruct((N, 1), f32),
            jax.ShapeDtypeStruct((N, W), f32),
        ),
    )(x, W1, deg)


def _tc2(dis, g1, S1, b1, W2):
    def body(dis_ref, g_ref, s_ref, b_ref, w_ref, g2_ref):
        acc = (g_ref[:, :4] + s_ref[0][:, :4] + s_ref[1][:, :4])
        act = jnp.maximum(dis_ref[...] * acc + b_ref[...], 0.0)
        h2 = jnp.dot(act, w_ref[...], preferred_element_type=f32)
        g2_ref[...] = jnp.concatenate(
            [h2 * dis_ref[...], jnp.zeros((N, W - 2), f32)], axis=1)

    return pl.pallas_call(
        body,
        out_shape=jax.ShapeDtypeStruct((N, W), f32),
    )(dis, g1, S1, b1, W2)


def _tc3(dis, g2, S2, b2):
    def body(dis_ref, g_ref, s_ref, b_ref, out_ref):
        acc = g_ref[:, :2] + s_ref[0][:, :2] + s_ref[1][:, :2]
        out_ref[...] = dis_ref[...] * acc + b_ref[...]

    return pl.pallas_call(
        body,
        out_shape=jax.ShapeDtypeStruct((N, 2), f32),
    )(dis, g2, S2, b2)



def kernel(x, edge_index, W1, b1, W2, b2):
    ei = edge_index.astype(jnp.int32)
    ei4 = ei.reshape(2, NW, CH, CL)
    eid = ei.reshape(2, NW, PT // DEG_C, DEG_C)

    zeros_w = jnp.zeros((N, W), f32)
    ones_c = jnp.ones((DEG_C, W), f32)
    deg = _deg_kernel(eid, zeros_w, ones_c)

    dis, g1 = _tc1(x, W1, deg)
    S1 = _scat_kernel(ei4, g1, zeros_w)
    g2 = _tc2(dis, g1, S1, b1.reshape(1, 4), W2)
    S2 = _scat_kernel(ei4, g2, zeros_w)
    out = _tc3(dis, g2, S2, b2.reshape(1, 2))
    return out

# --- scband reference (transcript-rebuilt; emitter-appended) ---
"""Pipeline reference for scband-gcn-43576738185824 (READ-ONLY COPY).

The authoritative reference and input builder live on the scoring server;
editing this copy changes nothing except your own understanding.
"""

import jax, jax.numpy as jnp
import numpy as np

N_NODES = 10000
N_EDGES = 320000
D_FEAT = 128
H1 = 4
H2 = 2


def setup_inputs(seed: int = 0) -> dict:
    key = jax.random.key(seed)
    k_x, k_e, k_w1, k_b1, k_w2, k_b2 = jax.random.split(key, 6)
    x = jax.random.normal(k_x, (N_NODES, D_FEAT), dtype=jnp.float32)
    edge_index = jax.random.randint(k_e, (2, N_EDGES), 0, N_NODES, dtype=jnp.int64)
    # Glorot-style init, matching PyG GCNConv defaults (weight glorot, bias zeros)
    W1 = jax.random.normal(k_w1, (D_FEAT, H1), dtype=jnp.float32) * (1.0 / np.sqrt(D_FEAT))
    b1 = jnp.zeros((H1,), dtype=jnp.float32)
    W2 = jax.random.normal(k_w2, (H1, H2), dtype=jnp.float32) * (1.0 / np.sqrt(H1))
    b2 = jnp.zeros((H2,), dtype=jnp.float32)
    return {"x": x, "edge_index": edge_index, "W1": W1, "b1": b1, "W2": W2, "b2": b2}


def _gcn_conv(x, edge_index, W, b):
    """Faithful GCNConv: add self-loops, symmetric D^-1/2 (A+I) D^-1/2 normalization."""
    n = x.shape[0]
    loop = jnp.arange(n, dtype=edge_index.dtype)
    src = jnp.concatenate([edge_index[0], loop])
    dst = jnp.concatenate([edge_index[1], loop])
    # degree computed on destination nodes (row of \hat{A})
    deg = jnp.zeros((n,), dtype=jnp.float32).at[dst].add(1.0)
    deg_inv_sqrt = jnp.where(deg > 0, jax.lax.rsqrt(deg), 0.0)
    norm = deg_inv_sqrt[src] * deg_inv_sqrt[dst]
    h = x @ W
    msg = h[src] * norm[:, None]
    out = jnp.zeros((n, h.shape[1]), dtype=h.dtype).at[dst].add(msg)
    return out + b


def reference(x, edge_index, W1, b1, W2, b2):
    h = jax.nn.relu(_gcn_conv(x, edge_index, W1, b1))
    out = _gcn_conv(h, edge_index, W2, b2)
    return out

if __name__ == "__main__":
    import jax
    _d = setup_inputs()
    print(jax.jit(kernel)(*tuple(_d.values())))

</pallas_src>

<mosaic_0001>
#map = affine_map<(d0, d1) -> (0, 0, 0, 0)>
#map1 = affine_map<(d0, d1) -> (0, 0)>
#map2 = affine_map<(d0, d1) -> (0, 0, 0)>
module attributes {stable_mosaic.version = 14 : i64} {
  func.func @_scat_kernel(%arg0: i32, %arg1: i32, %arg2: memref<2x32x10x1000xi32, #tpu.memory_space<hbm>>, %arg3: memref<10000x8xf32, #tpu.memory_space<hbm>>, %arg4: memref<10000x8xf32, #tpu.memory_space<hbm>>, %arg5: memref<2x10000x8xf32, #tpu.memory_space<hbm>>, %arg6: memref<10x1000xi32, #tpu.memory_space<vmem>>, %arg7: memref<10x1000xi32, #tpu.memory_space<vmem>>, %arg8: memref<2x1000x8xf32, #tpu.memory_space<vmem>>, %arg9: memref<10000x8xf32, #tpu.memory_space<vmem_shared>>, %arg10: memref<10000x8xf32, #tpu.memory_space<vmem_shared>>, %arg11: memref<!tpu.dma_semaphore, #tpu.memory_space<semaphore_mem>>, %arg12: memref<!tpu.dma_semaphore, #tpu.memory_space<semaphore_mem>>, %arg13: memref<!tpu.dma_semaphore, #tpu.memory_space<semaphore_mem>>, %arg14: memref<!tpu.dma_semaphore, #tpu.memory_space<semaphore_mem>>) attributes {dimension_semantics = [#tpu.dimension_semantics<core_parallel>, #tpu.dimension_semantics<subcore_parallel>], iteration_bounds = array<i64: 2, 16>, scalar_prefetch = 0 : i64, scratch_operands = 9 : i64, tpu.core_type = #tpu.core_type<sc_vector_subcore>, window_params = [{transform_indices = #map}, {transform_indices = #map1}, {transform_indices = #map1}, {transform_indices = #map2}]} {
    %mul3A = arith.constant 2 : i32
    %mul3A_0 = arith.muli %arg1, %mul3A : i32
    %add3A = arith.addi %mul3A_0, %arg0 : i32
    %mul3A_1 = arith.constant 625 : i32
    %mul3A_2 = arith.muli %arg1, %mul3A_1 : i32
    "tpu.region"() ({
      %run_scoped3A_483 = tpu.sem_alloc : memref<!tpu.dma_semaphore, #tpu.memory_space<semaphore_mem>>
      %dma_start3A_484 = arith.constant 0 : i32
      %dma_start3A_485 = tpu.memref_slice %arg10[%mul3A_2, %dma_start3A_484] : memref<10000x8xf32, #tpu.memory_space<vmem_shared>> -> memref<625x8xf32, #tpu.memory_space<vmem_shared>>
      %dma_start3A_486 = arith.constant 0 : i32
      %dma_start3A_487 = tpu.memref_slice %arg4[%mul3A_2, %dma_start3A_486] : memref<10000x8xf32, #tpu.memory_space<hbm>> -> memref<625x8xf32, #tpu.memory_space<hbm>>
      tpu.enqueue_dma source(%dma_start3A_487 : memref<625x8xf32, #tpu.memory_space<hbm>>) target(%dma_start3A_485 : memref<625x8xf32, #tpu.memory_space<vmem_shared>>) target_semaphore(%run_scoped3A_483 : memref<!tpu.dma_semaphore, #tpu.memory_space<semaphore_mem>>)
      %dma_wait3A_488 = arith.constant 0 : i32
      %dma_wait3A_489 = tpu.memref_slice %arg10[%mul3A_2, %dma_wait3A_488] : memref<10000x8xf32, #tpu.memory_space<vmem_shared>> -> memref<625x8xf32, #tpu.memory_space<vmem_shared>>
      %dma_wait3A_490 = arith.constant 0 : i32
      %dma_wait3A_491 = tpu.memref_slice %arg4[%mul3A_2, %dma_wait3A_490] : memref<10000x8xf32, #tpu.memory_space<hbm>> -> memref<625x8xf32, #tpu.memory_space<hbm>>
      tpu.wait_dma2 semaphore(%run_scoped3A_483 : memref<!tpu.dma_semaphore, #tpu.memory_space<semaphore_mem>>) src(%dma_wait3A_491 : memref<625x8xf32, #tpu.memory_space<hbm>>) dst(%dma_wait3A_489 : memref<625x8xf32, #tpu.memory_space<vmem_shared>>)
      tpu.yield
    }) : () -> ()
    "tpu.region"() ({
      %run_scoped3A_483 = tpu.sem_alloc : memref<!tpu.dma_semaphore, #tpu.memory_space<semaphore_mem>>
      %dma_start3A_484 = arith.constant 0 : i32
      %dma_start3A_485 = tpu.memref_slice %arg9[%mul3A_2, %dma_start3A_484] : memref<10000x8xf32, #tpu.memory_space<vmem_shared>> -> memref<625x8xf32, #tpu.memory_space<vmem_shared>>
      %dma_start3A_486 = arith.constant 0 : i32
      %dma_start3A_487 = tpu.memref_slice %arg3[%mul3A_2, %dma_start3A_486] : memref<10000x8xf32, #tpu.memory_space<hbm>> -> memref<625x8xf32, #tpu.memory_space<hbm>>
      tpu.enqueue_dma source(%dma_start3A_487 : memref<625x8xf32, #tpu.memory_space<hbm>>) target(%dma_start3A_485 : memref<625x8xf32, #tpu.memory_space<vmem_shared>>) target_semaphore(%run_scoped3A_483 : memref<!tpu.dma_semaphore, #tpu.memory_space<semaphore_mem>>)
      %dma_wait3A_488 = arith.constant 0 : i32
      %dma_wait3A_489 = tpu.memref_slice %arg9[%mul3A_2, %dma_wait3A_488] : memref<10000x8xf32, #tpu.memory_space<vmem_shared>> -> memref<625x8xf32, #tpu.memory_space<vmem_shared>>
      %dma_wait3A_490 = arith.constant 0 : i32
      %dma_wait3A_491 = tpu.memref_slice %arg3[%mul3A_2, %dma_wait3A_490] : memref<10000x8xf32, #tpu.memory_space<hbm>> -> memref<625x8xf32, #tpu.memory_space<hbm>>
      tpu.wait_dma2 semaphore(%run_scoped3A_483 : memref<!tpu.dma_semaphore, #tpu.memory_space<semaphore_mem>>) src(%dma_wait3A_491 : memref<625x8xf32, #tpu.memory_space<hbm>>) dst(%dma_wait3A_489 : memref<625x8xf32, #tpu.memory_space<vmem_shared>>)
      tpu.yield
    }) : () -> ()
    %run_scoped3A = arith.constant 0 : i32
    "tpu.region"() ({
      %run_scoped3A_483 = tpu.sem_alloc : memref<!tpu.dma_semaphore, #tpu.memory_space<semaphore_mem>>
      %dma_start3A_484 = arith.constant 0 : i32
      %dma_start3A_485 = arith.constant 0 : i32
      %dma_start3A_486 = arith.constant 0 : i32
      %dma_start3A_487 = tpu.memref_slice %arg2[%run_scoped3A, %dma_start3A_484, %dma_start3A_485, %dma_start3A_486] : memref<2x32x10x1000xi32, #tpu.memory_space<hbm>> -> memref<1x32x10x1000xi32, #tpu.memory_space<hbm>>
      %dma_start3A_488 = tpu.memref_squeeze %dma_start3A_487 : memref<1x32x10x1000xi32, #tpu.memory_space<hbm>> -> memref<32x10x1000xi32, #tpu.memory_space<hbm>>
      %dma_start3A_489 = arith.constant 0 : i32
      %dma_start3A_490 = arith.constant 0 : i32
      %dma_start3A_491 = tpu.memref_slice %dma_start3A_488[%add3A, %dma_start3A_489, %dma_start3A_490] : memref<32x10x1000xi32, #tpu.memory_space<hbm>> -> memref<1x10x1000xi32, #tpu.memory_space<hbm>>
      %dma_start3A_492 = tpu.memref_squeeze %dma_start3A_491 : memref<1x10x1000xi32, #tpu.memory_space<hbm>> -> memref<10x1000xi32, #tpu.memory_space<hbm>>
      %dma_start3A_493 = arith.constant 0 : i32
      %dma_start3A_494 = arith.constant 0 : i32
      %dma_start3A_495 = arith.constant 0 : i32
      %dma_start3A_496 = tpu.memref_slice %arg2[%run_scoped3A, %dma_start3A_493, %dma_start3A_494, %dma_start3A_495] : memref<2x32x10x1000xi32, #tpu.memory_space<hbm>> -> memref<1x32x10x1000xi32, #tpu.memory_space<hbm>>
      %dma_start3A_497 = tpu.memref_squeeze %dma_start3A_496 : memref<1x32x10x1000xi32, #tpu.memory_space<hbm>> -> memref<32x10x1000xi32, #tpu.memory_space<hbm>>
      %dma_start3A_498 = arith.constant 0 : i32
      %dma_start3A_499 = arith.constant 0 : i32
      %dma_start3A_500 = tpu.memref_slice %dma_start3A_497[%add3A, %dma_start3A_498, %dma_start3A_499] : memref<32x10x1000xi32, #tpu.memory_space<hbm>> -> memref<1x10x1000xi32, #tpu.memory_space<hbm>>
      %dma_start3A_501 = tpu.memref_squeeze %dma_start3A_500 : memref<1x10x1000xi32, #tpu.memory_space<hbm>> -> memref<10x1000xi32, #tpu.memory_space<hbm>>
      tpu.enqueue_dma source(%dma_start3A_501 : memref<10x1000xi32, #tpu.memory_space<hbm>>) target(%arg6 : memref<10x1000xi32, #tpu.memory_space<vmem>>) target_semaphore(%run_scoped3A_483 : memref<!tpu.dma_semaphore, #tpu.memory_space<semaphore_mem>>)
      %dma_wait3A_502 = arith.constant 0 : i32
      %dma_wait3A_503 = arith.constant 0 : i32
      %dma_wait3A_504 = arith.constant 0 : i32
      %dma_wait3A_505 = tpu.memref_slice %arg2[%run_scoped3A, %dma_wait3A_502, %dma_wait3A_503, %dma_wait3A_504] : memref<2x32x10x1000xi32, #tpu.memory_space<hbm>> -> memref<1x32x10x1000xi32, #tpu.memory_space<hbm>>
      %dma_wait3A_506 = tpu.memref_squeeze %dma_wait3A_505 : memref<1x32x10x1000xi32, #tpu.memory_space<hbm>> -> memref<32x10x1000xi32, #tpu.memory_space<hbm>>
      %dma_wait3A_507 = arith.constant 0 : i32
      %dma_wait3A_508 = arith.constant 0 : i32
      %dma_wait3A_509 = tpu.memref_slice %dma_wait3A_506[%add3A, %dma_wait3A_507, %dma_wait3A_508] : memref<32x10x1000xi32, #tpu.memory_space<hbm>> -> memref<1x10x1000xi32, #tpu.memory_space<hbm>>
      %dma_wait3A_510 = tpu.memref_squeeze %dma_wait3A_509 : memref<1x10x1000xi32, #tpu.memory_space<hbm>> -> memref<10x1000xi32, #tpu.memory_space<hbm>>
      %dma_wait3A_511 = arith.constant 0 : i32
      %dma_wait3A_512 = arith.constant 0 : i32
      %dma_wait3A_513 = arith.constant 0 : i32
      %dma_wait3A_514 = tpu.memref_slice %arg2[%run_scoped3A, %dma_wait3A_511, %dma_wait3A_512, %dma_wait3A_513] : memref<2x32x10x1000xi32, #tpu.memory_space<hbm>> -> memref<1x32x10x1000xi32, #tpu.memory_space<hbm>>
      %dma_wait3A_515 = tpu.memref_squeeze %dma_wait3A_514 : memref<1x32x10x1000xi32, #tpu.memory_space<hbm>> -> memref<32x10x1000xi32, #tpu.memory_space<hbm>>
      %dma_wait3A_516 = arith.constant 0 : i32
      %dma_wait3A_517 = arith.constant 0 : i32
      %dma_wait3A_518 = tpu.memref_slice %dma_wait3A_515[%add3A, %dma_wait3A_516, %dma_wait3A_517] : memref<32x10x1000xi32, #tpu.memory_space<hbm>> -> memref<1x10x1000xi32, #tpu.memory_space<hbm>>
      %dma_wait3A_519 = tpu.memref_squeeze %dma_wait3A_518 : memref<1x10x1000xi32, #tpu.memory_space<hbm>> -> memref<10x1000xi32, #tpu.memory_space<hbm>>
      tpu.wait_dma2 semaphore(%run_scoped3A_483 : memref<!tpu.dma_semaphore, #tpu.memory_space<semaphore_mem>>) src(%dma_wait3A_519 : memref<10x1000xi32, #tpu.memory_space<hbm>>) dst(%arg6 : memref<10x1000xi32, #tpu.memory_space<vmem>>)
      tpu.yield
    }) : () -> ()
    %run_scoped3A_3 = arith.constant 1 : i32
    "tpu.region"() ({
      %run_scoped3A_483 = tpu.sem_alloc : memref<!tpu.dma_semaphore, #tpu.memory_space<semaphore_mem>>
      %dma_start3A_484 = arith.constant 0 : i32
      %dma_start3A_485 = arith.constant 0 : i32
      %dma_start3A_486 = arith.constant 0 : i32
      %dma_start3A_487 = tpu.memref_slice %arg2[%run_scoped3A_3, %dma_start3A_484, %dma_start3A_485, %dma_start3A_486] : memref<2x32x10x1000xi32, #tpu.memory_space<hbm>> -> memref<1x32x10x1000xi32, #tpu.memory_space<hbm>>
      %dma_start3A_488 = tpu.memref_squeeze %dma_start3A_487 : memref<1x32x10x1000xi32, #tpu.memory_space<hbm>> -> memref<32x10x1000xi32, #tpu.memory_space<hbm>>
      %dma_start3A_489 = arith.constant 0 : i32
      %dma_start3A_490 = arith.constant 0 : i32
      %dma_start3A_491 = tpu.memref_slice %dma_start3A_488[%add3A, %dma_start3A_489, %dma_start3A_490] : memref<32x10x1000xi32, #tpu.memory_space<hbm>> -> memref<1x10x1000xi32, #tpu.memory_space<hbm>>
      %dma_start3A_492 = tpu.memref_squeeze %dma_start3A_491 : memref<1x10x1000xi32, #tpu.memory_space<hbm>> -> memref<10x1000xi32, #tpu.memory_space<hbm>>
      %dma_start3A_493 = arith.constant 0 : i32
      %dma_start3A_494 = arith.constant 0 : i32
      %dma_start3A_495 = arith.constant 0 : i32
      %dma_start3A_496 = tpu.memref_slice %arg2[%run_scoped3A_3, %dma_start3A_493, %dma_start3A_494, %dma_start3A_495] : memref<2x32x10x1000xi32, #tpu.memory_space<hbm>> -> memref<1x32x10x1000xi32, #tpu.memory_space<hbm>>
      %dma_start3A_497 = tpu.memref_squeeze %dma_start3A_496 : memref<1x32x10x1000xi32, #tpu.memory_space<hbm>> -> memref<32x10x1000xi32, #tpu.memory_space<hbm>>
      %dma_start3A_498 = arith.constant 0 : i32
      %dma_start3A_499 = arith.constant 0 : i32
      %dma_start3A_500 = tpu.memref_slice %dma_start3A_497[%add3A, %dma_start3A_498, %dma_start3A_499] : memref<32x10x1000xi32, #tpu.memory_space<hbm>> -> memref<1x10x1000xi32, #tpu.memory_space<hbm>>
      %dma_start3A_501 = tpu.memref_squeeze %dma_start3A_500 : memref<1x10x1000xi32, #tpu.memory_space<hbm>> -> memref<10x1000xi32, #tpu.memory_space<hbm>>
      tpu.enqueue_dma source(%dma_start3A_501 : memref<10x1000xi32, #tpu.memory_space<hbm>>) target(%arg7 : memref<10x1000xi32, #tpu.memory_space<vmem>>) target_semaphore(%run_scoped3A_483 : memref<!tpu.dma_semaphore, #tpu.memory_space<semaphore_mem>>)
      %dma_wait3A_502 = arith.constant 0 : i32
      %dma_wait3A_503 = arith.constant 0 : i32
      %dma_wait3A_504 = arith.constant 0 : i32
      %dma_wait3A_505 = tpu.memref_slice %arg2[%run_scoped3A_3, %dma_wait3A_502, %dma_wait3A_503, %dma_wait3A_504] : memref<2x32x10x1000xi32, #tpu.memory_space<hbm>> -> memref<1x32x10x1000xi32, #tpu.memory_space<hbm>>
      %dma_wait3A_506 = tpu.memref_squeeze %dma_wait3A_505 : memref<1x32x10x1000xi32, #tpu.memory_space<hbm>> -> memref<32x10x1000xi32, #tpu.memory_space<hbm>>
      %dma_wait3A_507 = arith.constant 0 : i32
      %dma_wait3A_508 = arith.constant 0 : i32
      %dma_wait3A_509 = tpu.memref_slice %dma_wait3A_506[%add3A, %dma_wait3A_507, %dma_wait3A_508] : memref<32x10x1000xi32, #tpu.memory_space<hbm>> -> memref<1x10x1000xi32, #tpu.memory_space<hbm>>
      %dma_wait3A_510 = tpu.memref_squeeze %dma_wait3A_509 : memref<1x10x1000xi32, #tpu.memory_space<hbm>> -> memref<10x1000xi32, #tpu.memory_space<hbm>>
      %dma_wait3A_511 = arith.constant 0 : i32
      %dma_wait3A_512 = arith.constant 0 : i32
      %dma_wait3A_513 = arith.constant 0 : i32
      %dma_wait3A_514 = tpu.memref_slice %arg2[%run_scoped3A_3, %dma_wait3A_511, %dma_wait3A_512, %dma_wait3A_513] : memref<2x32x10x1000xi32, #tpu.memory_space<hbm>> -> memref<1x32x10x1000xi32, #tpu.memory_space<hbm>>
      %dma_wait3A_515 = tpu.memref_squeeze %dma_wait3A_514 : memref<1x32x10x1000xi32, #tpu.memory_space<hbm>> -> memref<32x10x1000xi32, #tpu.memory_space<hbm>>
      %dma_wait3A_516 = arith.constant 0 : i32
      %dma_wait3A_517 = arith.constant 0 : i32
      %dma_wait3A_518 = tpu.memref_slice %dma_wait3A_515[%add3A, %dma_wait3A_516, %dma_wait3A_517] : memref<32x10x1000xi32, #tpu.memory_space<hbm>> -> memref<1x10x1000xi32, #tpu.memory_space<hbm>>
      %dma_wait3A_519 = tpu.memref_squeeze %dma_wait3A_518 : memref<1x10x1000xi32, #tpu.memory_space<hbm>> -> memref<10x1000xi32, #tpu.memory_space<hbm>>
      tpu.wait_dma2 semaphore(%run_scoped3A_483 : memref<!tpu.dma_semaphore, #tpu.memory_space<semaphore_mem>>) src(%dma_wait3A_519 : memref<10x1000xi32, #tpu.memory_space<hbm>>) dst(%arg7 : memref<10x1000xi32, #tpu.memory_space<vmem>>)
      tpu.yield
    }) : () -> ()
    %barrier3A = arith.constant 0 : index
    tpu.barrier barrier_id(%barrier3A)
    %dma_start3A = arith.constant 0 : i32
    %dma_start3A_4 = arith.constant 0 : i32
    %dma_start3A_5 = arith.constant 0 : i32
    %dma_start3A_6 = arith.constant 0 : i32
    %dma_start3A_7 = tpu.memref_slice %arg8[%dma_start3A_4, %dma_start3A_5, %dma_start3A_6] : memref<2x1000x8xf32, #tpu.memory_space<vmem>> -> memref<1x1000x8xf32, #tpu.memory_space<vmem>>
    %dma_start3A_8 = tpu.memref_squeeze %dma_start3A_7 : memref<1x1000x8xf32, #tpu.memory_space<vmem>> -> memref<1000x8xf32, #tpu.memory_space<vmem>>
    %dma_start3A_9 = arith.constant 0 : i32
    %dma_start3A_10 = tpu.memref_slice %arg6[%dma_start3A, %dma_start3A_9] : memref<10x1000xi32, #tpu.memory_space<vmem>> -> memref<1x1000xi32, #tpu.memory_space<vmem>>
    %dma_start3A_11 = tpu.memref_squeeze %dma_start3A_10 : memref<1x1000xi32, #tpu.memory_space<vmem>> -> memref<1000xi32, #tpu.memory_space<vmem>>
    %dma_start3A_12 = arith.constant 0 : i32
    %dma_start3A_13 = arith.constant 0 : i32
    %dma_start3A_14 = tpu.memref_slice %arg9[%dma_start3A_12, %dma_start3A_13] : memref<10000x8xf32, #tpu.memory_space<vmem_shared>> -> memref<10000x8xf32, #tpu.memory_space<vmem_shared>>
    tpu.enqueue_indirect_dma source(%dma_start3A_14 : memref<10000x8xf32, #tpu.memory_space<vmem_shared>>) target(%dma_start3A_8 : memref<1000x8xf32, #tpu.memory_space<vmem>>) offsets(%dma_start3A_11 : memref<1000xi32, #tpu.memory_space<vmem>>) semaphore(%arg11 : memref<!tpu.dma_semaphore, #tpu.memory_space<semaphore_mem>>)
    %dma_wait3A = arith.constant 0 : i32
    %dma_wait3A_15 = arith.constant 0 : i32
    %dma_wait3A_16 = arith.constant 0 : i32
    %dma_wait3A_17 = arith.constant 0 : i32
    %dma_wait3A_18 = tpu.memref_slice %arg8[%dma_wait3A_15, %dma_wait3A_16, %dma_wait3A_17] : memref<2x1000x8xf32, #tpu.memory_space<vmem>> -> memref<1x1000x8xf32, #tpu.memory_space<vmem>>
    %dma_wait3A_19 = tpu.memref_squeeze %dma_wait3A_18 : memref<1x1000x8xf32, #tpu.memory_space<vmem>> -> memref<1000x8xf32, #tpu.memory_space<vmem>>
    %dma_wait3A_20 = arith.constant 0 : i32
    %dma_wait3A_21 = tpu.memref_slice %arg6[%dma_wait3A, %dma_wait3A_20] : memref<10x1000xi32, #tpu.memory_space<vmem>> -> memref<1x1000xi32, #tpu.memory_space<vmem>>
    %dma_wait3A_22 = tpu.memref_squeeze %dma_wait3A_21 : memref<1x1000xi32, #tpu.memory_space<vmem>> -> memref<1000xi32, #tpu.memory_space<vmem>>
    %dma_wait3A_23 = arith.constant 0 : i32
    %dma_wait3A_24 = arith.constant 0 : i32
    %dma_wait3A_25 = tpu.memref_slice %arg9[%dma_wait3A_23, %dma_wait3A_24] : memref<10000x8xf32, #tpu.memory_space<vmem_shared>> -> memref<10000x8xf32, #tpu.memory_space<vmem_shared>>
    tpu.wait_indirect_dma semaphore(%arg11 : memref<!tpu.dma_semaphore, #tpu.memory_space<semaphore_mem>>) src(%dma_wait3A_25 : memref<10000x8xf32, #tpu.memory_space<vmem_shared>>) dst(%dma_wait3A_19 : memref<1000x8xf32, #tpu.memory_space<vmem>>)
    %dma_start3A_26 = arith.constant 0 : i32
    %dma_start3A_27 = arith.constant 0 : i32
    %dma_start3A_28 = arith.constant 0 : i32
    %dma_start3A_29 = arith.constant 0 : i32
    %dma_start3A_30 = tpu.memref_slice %arg8[%dma_start3A_26, %dma_start3A_28, %dma_start3A_29] : memref<2x1000x8xf32, #tpu.memory_space<vmem>> -> memref<1x1000x8xf32, #tpu.memory_space<vmem>>
    %dma_start3A_31 = tpu.memref_squeeze %dma_start3A_30 : memref<1x1000x8xf32, #tpu.memory_space<vmem>> -> memref<1000x8xf32, #tpu.memory_space<vmem>>
    %dma_start3A_32 = arith.constant 0 : i32
    %dma_start3A_33 = tpu.memref_slice %arg7[%dma_start3A_27, %dma_start3A_32] : memref<10x1000xi32, #tpu.memory_space<vmem>> -> memref<1x1000xi32, #tpu.memory_space<vmem>>
    %dma_start3A_34 = tpu.memref_squeeze %dma_start3A_33 : memref<1x1000xi32, #tpu.memory_space<vmem>> -> memref<1000xi32, #tpu.memory_space<vmem>>
    %dma_start3A_35 = arith.constant 0 : i32
    %dma_start3A_36 = arith.constant 0 : i32
    %dma_start3A_37 = tpu.memref_slice %arg10[%dma_start3A_35, %dma_start3A_36] : memref<10000x8xf32, #tpu.memory_space<vmem_shared>> -> memref<10000x8xf32, #tpu.memory_space<vmem_shared>>
    tpu.enqueue_indirect_dma source(%dma_start3A_31 : memref<1000x8xf32, #tpu.memory_space<vmem>>) target(%dma_start3A_37 : memref<10000x8xf32, #tpu.memory_space<vmem_shared>>) offsets(%dma_start3A_34 : memref<1000xi32, #tpu.memory_space<vmem>>) semaphore(%arg13 : memref<!tpu.dma_semaphore, #tpu.memory_space<semaphore_mem>>) {add = true}
    %dma_start3A_38 = arith.constant 1 : i32
    %dma_start3A_39 = arith.constant 1 : i32
    %dma_start3A_40 = arith.constant 0 : i32
    %dma_start3A_41 = arith.constant 0 : i32
    %dma_start3A_42 = tpu.memref_slice %arg8[%dma_start3A_39, %dma_start3A_40, %dma_start3A_41] : memref<2x1000x8xf32, #tpu.memory_space<vmem>> -> memref<1x1000x8xf32, #tpu.memory_space<vmem>>
    %dma_start3A_43 = tpu.memref_squeeze %dma_start3A_42 : memref<1x1000x8xf32, #tpu.memory_space<vmem>> -> memref<1000x8xf32, #tpu.memory_space<vmem>>
    %dma_start3A_44 = arith.constant 0 : i32
    %dma_start3A_45 = tpu.memref_slice %arg6[%dma_start3A_38, %dma_start3A_44] : memref<10x1000xi32, #tpu.memory_space<vmem>> -> memref<1x1000xi32, #tpu.memory_space<vmem>>
    %dma_start3A_46 = tpu.memref_squeeze %dma_start3A_45 : memref<1x1000xi32, #tpu.memory_space<vmem>> -> memref<1000xi32, #tpu.memory_space<vmem>>
    %dma_start3A_47 = arith.constant 0 : i32
    %dma_start3A_48 = arith.constant 0 : i32
    %dma_start3A_49 = tpu.memref_slice %arg9[%dma_start3A_47, %dma_start3A_48] : memref<10000x8xf32, #tpu.memory_space<vmem_shared>> -> memref<10000x8xf32, #tpu.memory_space<vmem_shared>>
    tpu.enqueue_indirect_dma source(%dma_start3A_49 : memref<10000x8xf32, #tpu.memory_space<vmem_shared>>) target(%dma_start3A_43 : memref<1000x8xf32, #tpu.memory_space<vmem>>) offsets(%dma_start3A_46 : memref<1000xi32, #tpu.memory_space<vmem>>) semaphore(%arg12 : memref<!tpu.dma_semaphore, #tpu.memory_space<semaphore_mem>>)
    %dma_wait3A_50 = arith.constant 1 : i32
    %dma_wait3A_51 = arith.constant 1 : i32
    %dma_wait3A_52 = arith.constant 0 : i32
    %dma_wait3A_53 = arith.constant 0 : i32
    %dma_wait3A_54 = tpu.memref_slice %arg8[%dma_wait3A_51, %dma_wait3A_52, %dma_wait3A_53] : memref<2x1000x8xf32, #tpu.memory_space<vmem>> -> memref<1x1000x8xf32, #tpu.memory_space<vmem>>
    %dma_wait3A_55 = tpu.memref_squeeze %dma_wait3A_54 : memref<1x1000x8xf32, #tpu.memory_space<vmem>> -> memref<1000x8xf32, #tpu.memory_space<vmem>>
    %dma_wait3A_56 = arith.constant 0 : i32
    %dma_wait3A_57 = tpu.memref_slice %arg6[%dma_wait3A_50, %dma_wait3A_56] : memref<10x1000xi32, #tpu.memory_space<vmem>> -> memref<1x1000xi32, #tpu.memory_space<vmem>>
    %dma_wait3A_58 = tpu.memref_squeeze %dma_wait3A_57 : memref<1x1000xi32, #tpu.memory_space<vmem>> -> memref<1000xi32, #tpu.memory_space<vmem>>
    %dma_wait3A_59 = arith.constant 0 : i32
    %dma_wait3A_60 = arith.constant 0 : i32
    %dma_wait3A_61 = tpu.memref_slice %arg9[%dma_wait3A_59, %dma_wait3A_60] : memref<10000x8xf32, #tpu.memory_space<vmem_shared>> -> memref<10000x8xf32, #tpu.memory_space<vmem_shared>>
    tpu.wait_indirect_dma semaphore(%arg12 : memref<!tpu.dma_semaphore, #tpu.memory_space<semaphore_mem>>) src(%dma_wait3A_61 : memref<10000x8xf32, #tpu.memory_space<vmem_shared>>) dst(%dma_wait3A_55 : memref<1000x8xf32, #tpu.memory_space<vmem>>)
    %dma_start3A_62 = arith.constant 1 : i32
    %dma_start3A_63 = arith.constant 1 : i32
    %dma_start3A_64 = arith.constant 0 : i32
    %dma_start3A_65 = arith.constant 0 : i32
    %dma_start3A_66 = tpu.memref_slice %arg8[%dma_start3A_62, %dma_start3A_64, %dma_start3A_65] : memref<2x1000x8xf32, #tpu.memory_space<vmem>> -> memref<1x1000x8xf32, #tpu.memory_space<vmem>>
    %dma_start3A_67 = tpu.memref_squeeze %dma_start3A_66 : memref<1x1000x8xf32, #tpu.memory_space<vmem>> -> memref<1000x8xf32, #tpu.memory_space<vmem>>
    %dma_start3A_68 = arith.constant 0 : i32
    %dma_start3A_69 = tpu.memref_slice %arg7[%dma_start3A_63, %dma_start3A_68] : memref<10x1000xi32, #tpu.memory_space<vmem>> -> memref<1x1000xi32, #tpu.memory_space<vmem>>
    %dma_start3A_70 = tpu.memref_squeeze %dma_start3A_69 : memref<1x1000xi32, #tpu.memory_space<vmem>> -> memref<1000xi32, #tpu.memory_space<vmem>>
    %dma_start3A_71 = arith.constant 0 : i32
    %dma_start3A_72 = arith.constant 0 : i32
    %dma_start3A_73 = tpu.memref_slice %arg10[%dma_start3A_71, %dma_start3A_72] : memref<10000x8xf32, #tpu.memory_space<vmem_shared>> -> memref<10000x8xf32, #tpu.memory_space<vmem_shared>>
    tpu.enqueue_indirect_dma source(%dma_start3A_67 : memref<1000x8xf32, #tpu.memory_space<vmem>>) target(%dma_start3A_73 : memref<10000x8xf32, #tpu.memory_space<vmem_shared>>) offsets(%dma_start3A_70 : memref<1000xi32, #tpu.memory_space<vmem>>) semaphore(%arg14 : memref<!tpu.dma_semaphore, #tpu.memory_space<semaphore_mem>>) {add = true}
    %dma_wait3A_74 = arith.constant 0 : i32
    %dma_wait3A_75 = arith.constant 0 : i32
    %dma_wait3A_76 = arith.constant 0 : i32
    %dma_wait3A_77 = arith.constant 0 : i32
    %dma_wait3A_78 = tpu.memref_slice %arg8[%dma_wait3A_74, %dma_wait3A_76, %dma_wait3A_77] : memref<2x1000x8xf32, #tpu.memory_space<vmem>> -> memref<1x1000x8xf32, #tpu.memory_space<vmem>>
    %dma_wait3A_79 = tpu.memref_squeeze %dma_wait3A_78 : memref<1x1000x8xf32, #tpu.memory_space<vmem>> -> memref<1000x8xf32, #tpu.memory_space<vmem>>
    %dma_wait3A_80 = arith.constant 0 : i32
    %dma_wait3A_81 = tpu.memref_slice %arg7[%dma_wait3A_75, %dma_wait3A_80] : memref<10x1000xi32, #tpu.memory_space<vmem>> -> memref<1x1000xi32, #tpu.memory_space<vmem>>
    %dma_wait3A_82 = tpu.memref_squeeze %dma_wait3A_81 : memref<1x1000xi32, #tpu.memory_space<vmem>> -> memref<1000xi32, #tpu.memory_space<vmem>>
    %dma_wait3A_83 = arith.constant 0 : i32
    %dma_wait3A_84 = arith.constant 0 : i32
    %dma_wait3A_85 = tpu.memref_slice %arg10[%dma_wait3A_83, %dma_wait3A_84] : memref<10000x8xf32, #tpu.memory_space<vmem_shared>> -> memref<10000x8xf32, #tpu.memory_space<vmem_shared>>
    tpu.wait_indirect_dma semaphore(%arg13 : memref<!tpu.dma_semaphore, #tpu.memory_space<semaphore_mem>>) src(%dma_wait3A_79 : memref<1000x8xf32, #tpu.memory_space<vmem>>) dst(%dma_wait3A_85 : memref<10000x8xf32, #tpu.memory_space<vmem_shared>>)
    %dma_start3A_86 = arith.constant 2 : i32
    %dma_start3A_87 = arith.constant 0 : i32
    %dma_start3A_88 = arith.constant 0 : i32
    %dma_start3A_89 = arith.constant 0 : i32
    %dma_start3A_90 = tpu.memref_slice %arg8[%dma_start3A_87, %dma_start3A_88, %dma_start3A_89] : memref<2x1000x8xf32, #tpu.memory_space<vmem>> -> memref<1x1000x8xf32, #tpu.memory_space<vmem>>
    %dma_start3A_91 = tpu.memref_squeeze %dma_start3A_90 : memref<1x1000x8xf32, #tpu.memory_space<vmem>> -> memref<1000x8xf32, #tpu.memory_space<vmem>>
    %dma_start3A_92 = arith.constant 0 : i32
    %dma_start3A_93 = tpu.memref_slice %arg6[%dma_start3A_86, %dma_start3A_92] : memref<10x1000xi32, #tpu.memory_space<vmem>> -> memref<1x1000xi32, #tpu.memory_space<vmem>>
    %dma_start3A_94 = tpu.memref_squeeze %dma_start3A_93 : memref<1x1000xi32, #tpu.memory_space<vmem>> -> memref<1000xi32, #tpu.memory_space<vmem>>
    %dma_start3A_95 = arith.constant 0 : i32
    %dma_start3A_96 = arith.constant 0 : i32
    %dma_start3A_97 = tpu.memref_slice %arg9[%dma_start3A_95, %dma_start3A_96] : memref<10000x8xf32, #tpu.memory_space<vmem_shared>> -> memref<10000x8xf32, #tpu.memory_space<vmem_shared>>
    tpu.enqueue_indirect_dma source(%dma_start3A_97 : memref<10000x8xf32, #tpu.memory_space<vmem_shared>>) target(%dma_start3A_91 : memref<1000x8xf32, #tpu.memory_space<vmem>>) offsets(%dma_start3A_94 : memref<1000xi32, #tpu.memory_space<vmem>>) semaphore(%arg11 : memref<!tpu.dma_semaphore, #tpu.memory_space<semaphore_mem>>)
    %dma_wait3A_98 = arith.constant 2 : i32
    %dma_wait3A_99 = arith.constant 0 : i32
    %dma_wait3A_100 = arith.constant 0 : i32
    %dma_wait3A_101 = arith.constant 0 : i32
    %dma_wait3A_102 = tpu.memref_slice %arg8[%dma_wait3A_99, %dma_wait3A_100, %dma_wait3A_101] : memref<2x1000x8xf32, #tpu.memory_space<vmem>> -> memref<1x1000x8xf32, #tpu.memory_space<vmem>>
    %dma_wait3A_103 = tpu.memref_squeeze %dma_wait3A_102 : memref<1x1000x8xf32, #tpu.memory_space<vmem>> -> memref<1000x8xf32, #tpu.memory_space<vmem>>
    %dma_wait3A_104 = arith.constant 0 : i32
    %dma_wait3A_105 = tpu.memref_slice %arg6[%dma_wait3A_98, %dma_wait3A_104] : memref<10x1000xi32, #tpu.memory_space<vmem>> -> memref<1x1000xi32, #tpu.memory_space<vmem>>
    %dma_wait3A_106 = tpu.memref_squeeze %dma_wait3A_105 : memref<1x1000xi32, #tpu.memory_space<vmem>> -> memref<1000xi32, #tpu.memory_space<vmem>>
    %dma_wait3A_107 = arith.constant 0 : i32
    %dma_wait3A_108 = arith.constant 0 : i32
    %dma_wait3A_109 = tpu.memref_slice %arg9[%dma_wait3A_107, %dma_wait3A_108] : memref<10000x8xf32, #tpu.memory_space<vmem_shared>> -> memref<10000x8xf32, #tpu.memory_space<vmem_shared>>
    tpu.wait_indirect_dma semaphore(%arg11 : memref<!tpu.dma_semaphore, #tpu.memory_space<semaphore_mem>>) src(%dma_wait3A_109 : memref<10000x8xf32, #tpu.memory_space<vmem_shared>>) dst(%dma_wait3A_103 : memref<1000x8xf32, #tpu.memory_space<vmem>>)
    %dma_start3A_110 = arith.constant 0 : i32
    %dma_start3A_111 = arith.constant 2 : i32
    %dma_start3A_112 = arith.constant 0 : i32
    %dma_start3A_113 = arith.constant 0 : i32
    %dma_start3A_114 = tpu.memref_slice %arg8[%dma_start3A_110, %dma_start3A_112, %dma_start3A_113] : memref<2x1000x8xf32, #tpu.memory_space<vmem>> -> memref<1x1000x8xf32, #tpu.memory_space<vmem>>
    %dma_start3A_115 = tpu.memref_squeeze %dma_start3A_114 : memref<1x1000x8xf32, #tpu.memory_space<vmem>> -> memref<1000x8xf32, #tpu.memory_space<vmem>>
    %dma_start3A_116 = arith.constant 0 : i32
    %dma_start3A_117 = tpu.memref_slice %arg7[%dma_start3A_111, %dma_start3A_116] : memref<10x1000xi32, #tpu.memory_space<vmem>> -> memref<1x1000xi32, #tpu.memory_space<vmem>>
    %dma_start3A_118 = tpu.memref_squeeze %dma_start3A_117 : memref<1x1000xi32, #tpu.memory_space<vmem>> -> memref<1000xi32, #tpu.memory_space<vmem>>
    %dma_start3A_119 = arith.constant 0 : i32
    %dma_start3A_120 = arith.constant 0 : i32
    %dma_start3A_121 = tpu.memref_slice %arg10[%dma_start3A_119, %dma_start3A_120] : memref<10000x8xf32, #tpu.memory_space<vmem_shared>> -> memref<10000x8xf32, #tpu.memory_space<vmem_shared>>
    tpu.enqueue_indirect_dma source(%dma_start3A_115 : memref<1000x8xf32, #tpu.memory_space<vmem>>) target(%dma_start3A_121 : memref<10000x8xf32, #tpu.memory_space<vmem_shared>>) offsets(%dma_start3A_118 : memref<1000xi32, #tpu.memory_space<vmem>>) semaphore(%arg13 : memref<!tpu.dma_semaphore, #tpu.memory_space<semaphore_mem>>) {add = true}
    %dma_wait3A_122 = arith.constant 1 : i32
    %dma_wait3A_123 = arith.constant 1 : i32
    %dma_wait3A_124 = arith.constant 0 : i32
    %dma_wait3A_125 = arith.constant 0 : i32
    %dma_wait3A_126 = tpu.memref_slice %arg8[%dma_wait3A_122, %dma_wait3A_124, %dma_wait3A_125] : memref<2x1000x8xf32, #tpu.memory_space<vmem>> -> memref<1x1000x8xf32, #tpu.memory_space<vmem>>
    %dma_wait3A_127 = tpu.memref_squeeze %dma_wait3A_126 : memref<1x1000x8xf32, #tpu.memory_space<vmem>> -> memref<1000x8xf32, #tpu.memory_space<vmem>>
    %dma_wait3A_128 = arith.constant 0 : i32
    %dma_wait3A_129 = tpu.memref_slice %arg7[%dma_wait3A_123, %dma_wait3A_128] : memref<10x1000xi32, #tpu.memory_space<vmem>> -> memref<1x1000xi32, #tpu.memory_space<vmem>>
    %dma_wait3A_130 = tpu.memref_squeeze %dma_wait3A_129 : memref<1x1000xi32, #tpu.memory_space<vmem>> -> memref<1000xi32, #tpu.memory_space<vmem>>
    %dma_wait3A_131 = arith.constant 0 : i32
    %dma_wait3A_132 = arith.constant 0 : i32
    %dma_wait3A_133 = tpu.memref_slice %arg10[%dma_wait3A_131, %dma_wait3A_132] : memref<10000x8xf32, #tpu.memory_space<vmem_shared>> -> memref<10000x8xf32, #tpu.memory_space<vmem_shared>>
    tpu.wait_indirect_dma semaphore(%arg14 : memref<!tpu.dma_semaphore, #tpu.memory_space<semaphore_mem>>) src(%dma_wait3A_127 : memref<1000x8xf32, #tpu.memory_space<vmem>>) dst(%dma_wait3A_133 : memref<10000x8xf32, #tpu.memory_space<vmem_shared>>)
    %dma_start3A_134 = arith.constant 3 : i32
    %dma_start3A_135 = arith.constant 1 : i32
    %dma_start3A_136 = arith.constant 0 : i32
    %dma_start3A_137 = arith.constant 0 : i32
    %dma_start3A_138 = tpu.memref_slice %arg8[%dma_start3A_135, %dma_start3A_136, %dma_start3A_137] : memref<2x1000x8xf32, #tpu.memory_space<vmem>> -> memref<1x1000x8xf32, #tpu.memory_space<vmem>>
    %dma_start3A_139 = tpu.memref_squeeze %dma_start3A_138 : memref<1x1000x8xf32, #tpu.memory_space<vmem>> -> memref<1000x8xf32, #tpu.memory_space<vmem>>
    %dma_start3A_140 = arith.constant 0 : i32
    %dma_start3A_141 = tpu.memref_slice %arg6[%dma_start3A_134, %dma_start3A_140] : memref<10x1000xi32, #tpu.memory_space<vmem>> -> memref<1x1000xi32, #tpu.memory_space<vmem>>
    %dma_start3A_142 = tpu.memref_squeeze %dma_start3A_141 : memref<1x1000xi32, #tpu.memory_space<vmem>> -> memref<1000xi32, #tpu.memory_space<vmem>>
    %dma_start3A_143 = arith.constant 0 : i32
    %dma_start3A_144 = arith.constant 0 : i32
    %dma_start3A_145 = tpu.memref_slice %arg9[%dma_start3A_143, %dma_start3A_144] : memref<10000x8xf32, #tpu.memory_space<vmem_shared>> -> memref<10000x8xf32, #tpu.memory_space<vmem_shared>>
    tpu.enqueue_indirect_dma source(%dma_start3A_145 : memref<10000x8xf32, #tpu.memory_space<vmem_shared>>) target(%dma_start3A_139 : memref<1000x8xf32, #tpu.memory_space<vmem>>) offsets(%dma_start3A_142 : memref<1000xi32, #tpu.memory_space<vmem>>) semaphore(%arg12 : memref<!tpu.dma_semaphore, #tpu.memory_space<semaphore_mem>>)
    %dma_wait3A_146 = arith.constant 3 : i32
    %dma_wait3A_147 = arith.constant 1 : i32
    %dma_wait3A_148 = arith.constant 0 : i32
    %dma_wait3A_149 = arith.constant 0 : i32
    %dma_wait3A_150 = tpu.memref_slice %arg8[%dma_wait3A_147, %dma_wait3A_148, %dma_wait3A_149] : memref<2x1000x8xf32, #tpu.memory_space<vmem>> -> memref<1x1000x8xf32, #tpu.memory_space<vmem>>
    %dma_wait3A_151 = tpu.memref_squeeze %dma_wait3A_150 : memref<1x1000x8xf32, #tpu.memory_space<vmem>> -> memref<1000x8xf32, #tpu.memory_space<vmem>>
    %dma_wait3A_152 = arith.constant 0 : i32
    %dma_wait3A_153 = tpu.memref_slice %arg6[%dma_wait3A_146, %dma_wait3A_152] : memref<10x1000xi32, #tpu.memory_space<vmem>> -> memref<1x1000xi32, #tpu.memory_space<vmem>>
    %dma_wait3A_154 = tpu.memref_squeeze %dma_wait3A_153 : memref<1x1000xi32, #tpu.memory_space<vmem>> -> memref<1000xi32, #tpu.memory_space<vmem>>
    %dma_wait3A_155 = arith.constant 0 : i32
    %dma_wait3A_156 = arith.constant 0 : i32
    %dma_wait3A_157 = tpu.memref_slice %arg9[%dma_wait3A_155, %dma_wait3A_156] : memref<10000x8xf32, #tpu.memory_space<vmem_shared>> -> memref<10000x8xf32, #tpu.memory_space<vmem_shared>>
    tpu.wait_indirect_dma semaphore(%arg12 : memref<!tpu.dma_semaphore, #tpu.memory_space<semaphore_mem>>) src(%dma_wait3A_157 : memref<10000x8xf32, #tpu.memory_space<vmem_shared>>) dst(%dma_wait3A_151 : memref<1000x8xf32, #tpu.memory_space<vmem>>)
    %dma_start3A_158 = arith.constant 1 : i32
    %dma_start3A_159 = arith.constant 3 : i32
    %dma_start3A_160 = arith.constant 0 : i32
    %dma_start3A_161 = arith.constant 0 : i32
    %dma_start3A_162 = tpu.memref_slice %arg8[%dma_start3A_158, %dma_start3A_160, %dma_start3A_161] : memref<2x1000x8xf32, #tpu.memory_space<vmem>> -> memref<1x1000x8xf32, #tpu.memory_space<vmem>>
    %dma_start3A_163 = tpu.memref_squeeze %dma_start3A_162 : memref<1x1000x8xf32, #tpu.memory_space<vmem>> -> memref<1000x8xf32, #tpu.memory_space<vmem>>
    %dma_start3A_164 = arith.constant 0 : i32
    %dma_start3A_165 = tpu.memref_slice %arg7[%dma_start3A_159, %dma_start3A_164] : memref<10x1000xi32, #tpu.memory_space<vmem>> -> memref<1x1000xi32, #tpu.memory_space<vmem>>
    %dma_start3A_166 = tpu.memref_squeeze %dma_start3A_165 : memref<1x1000xi32, #tpu.memory_space<vmem>> -> memref<1000xi32, #tpu.memory_space<vmem>>
    %dma_start3A_167 = arith.constant 0 : i32
    %dma_start3A_168 = arith.constant 0 : i32
    %dma_start3A_169 = tpu.memref_slice %arg10[%dma_start3A_167, %dma_start3A_168] : memref<10000x8xf32, #tpu.memory_space<vmem_shared>> -> memref<10000x8xf32, #tpu.memory_space<vmem_shared>>
    tpu.enqueue_indirect_dma source(%dma_start3A_163 : memref<1000x8xf32, #tpu.memory_space<vmem>>) target(%dma_start3A_169 : memref<10000x8xf32, #tpu.memory_space<vmem_shared>>) offsets(%dma_start3A_166 : memref<1000xi32, #tpu.memory_space<vmem>>) semaphore(%arg14 : memref<!tpu.dma_semaphore, #tpu.memory_space<semaphore_mem>>) {add = true}
    %dma_wait3A_170 = arith.constant 0 : i32
    %dma_wait3A_171 = arith.constant 2 : i32
    %dma_wait3A_172 = arith.constant 0 : i32
    %dma_wait3A_173 = arith.constant 0 : i32
    %dma_wait3A_174 = tpu.memref_slice %arg8[%dma_wait3A_170, %dma_wait3A_172, %dma_wait3A_173] : memref<2x1000x8xf32, #tpu.memory_space<vmem>> -> memref<1x1000x8xf32, #tpu.memory_space<vmem>>
    %dma_wait3A_175 = tpu.memref_squeeze %dma_wait3A_174 : memref<1x1000x8xf32, #tpu.memory_space<vmem>> -> memref<1000x8xf32, #tpu.memory_space<vmem>>
    %dma_wait3A_176 = arith.constant 0 : i32
    %dma_wait3A_177 = tpu.memref_slice %arg7[%dma_wait3A_171, %dma_wait3A_176] : memref<10x1000xi32, #tpu.memory_space<vmem>> -> memref<1x1000xi32, #tpu.memory_space<vmem>>
    %dma_wait3A_178 = tpu.memref_squeeze %dma_wait3A_177 : memref<1x1000xi32, #tpu.memory_space<vmem>> -> memref<1000xi32, #tpu.memory_space<vmem>>
    %dma_wait3A_179 = arith.constant 0 : i32
    %dma_wait3A_180 = arith.constant 0 : i32
    %dma_wait3A_181 = tpu.memref_slice %arg10[%dma_wait3A_179, %dma_wait3A_180] : memref<10000x8xf32, #tpu.memory_space<vmem_shared>> -> memref<10000x8xf32, #tpu.memory_space<vmem_shared>>
    tpu.wait_indirect_dma semaphore(%arg13 : memref<!tpu.dma_semaphore, #tpu.memory_space<semaphore_mem>>) src(%dma_wait3A_175 : memref<1000x8xf32, #tpu.memory_space<vmem>>) dst(%dma_wait3A_181 : memref<10000x8xf32, #tpu.memory_space<vmem_shared>>)
    %dma_start3A_182 = arith.constant 4 : i32
    %dma_start3A_183 = arith.constant 0 : i32
    %dma_start3A_184 = arith.constant 0 : i32
    %dma_start3A_185 = arith.constant 0 : i32
    %dma_start3A_186 = tpu.memref_slice %arg8[%dma_start3A_183, %dma_start3A_184, %dma_start3A_185] : memref<2x1000x8xf32, #tpu.memory_space<vmem>> -> memref<1x1000x8xf32, #tpu.memory_space<vmem>>
    %dma_start3A_187 = tpu.memref_squeeze %dma_start3A_186 : memref<1x1000x8xf32, #tpu.memory_space<vmem>> -> memref<1000x8xf32, #tpu.memory_space<vmem>>
    %dma_start3A_188 = arith.constant 0 : i32
    %dma_start3A_189 = tpu.memref_slice %arg6[%dma_start3A_182, %dma_start3A_188] : memref<10x1000xi32, #tpu.memory_space<vmem>> -> memref<1x1000xi32, #tpu.memory_space<vmem>>
    %dma_start3A_190 = tpu.memref_squeeze %dma_start3A_189 : memref<1x1000xi32, #tpu.memory_space<vmem>> -> memref<1000xi32, #tpu.memory_space<vmem>>
    %dma_start3A_191 = arith.constant 0 : i32
    %dma_start3A_192 = arith.constant 0 : i32
    %dma_start3A_193 = tpu.memref_slice %arg9[%dma_start3A_191, %dma_start3A_192] : memref<10000x8xf32, #tpu.memory_space<vmem_shared>> -> memref<10000x8xf32, #tpu.memory_space<vmem_shared>>
    tpu.enqueue_indirect_dma source(%dma_start3A_193 : memref<10000x8xf32, #tpu.memory_space<vmem_shared>>) target(%dma_start3A_187 : memref<1000x8xf32, #tpu.memory_space<vmem>>) offsets(%dma_start3A_190 : memref<1000xi32, #tpu.memory_space<vmem>>) semaphore(%arg11 : memref<!tpu.dma_semaphore, #tpu.memory_space<semaphore_mem>>)
    %dma_wait3A_194 = arith.constant 4 : i32
    %dma_wait3A_195 = arith.constant 0 : i32
    %dma_wait3A_196 = arith.constant 0 : i32
    %dma_wait3A_197 = arith.constant 0 : i32
    %dma_wait3A_198 = tpu.memref_slice %arg8[%dma_wait3A_195, %dma_wait3A_196, %dma_wait3A_197] : memref<2x1000x8xf32, #tpu.memory_space<vmem>> -> memref<1x1000x8xf32, #tpu.memory_space<vmem>>
    %dma_wait3A_199 = tpu.memref_squeeze %dma_wait3A_198 : memref<1x1000x8xf32, #tpu.memory_space<vmem>> -> memref<1000x8xf32, #tpu.memory_space<vmem>>
    %dma_wait3A_200 = arith.constant 0 : i32
    %dma_wait3A_201 = tpu.memref_slice %arg6[%dma_wait3A_194, %dma_wait3A_200] : memref<10x1000xi32, #tpu.memory_space<vmem>> -> memref<1x1000xi32, #tpu.memory_space<vmem>>
    %dma_wait3A_202 = tpu.memref_squeeze %dma_wait3A_201 : memref<1x1000xi32, #tpu.memory_space<vmem>> -> memref<1000xi32, #tpu.memory_space<vmem>>
    %dma_wait3A_203 = arith.constant 0 : i32
    %dma_wait3A_204 = arith.constant 0 : i32
    %dma_wait3A_205 = tpu.memref_slice %arg9[%dma_wait3A_203, %dma_wait3A_204] : memref<10000x8xf32, #tpu.memory_space<vmem_shared>> -> memref<10000x8xf32, #tpu.memory_space<vmem_shared>>
    tpu.wait_indirect_dma semaphore(%arg11 : memref<!tpu.dma_semaphore, #tpu.memory_space<semaphore_mem>>) src(%dma_wait3A_205 : memref<10000x8xf32, #tpu.memory_space<vmem_shared>>) dst(%dma_wait3A_199 : memref<1000x8xf32, #tpu.memory_space<vmem>>)
    %dma_start3A_206 = arith.constant 0 : i32
    %dma_start3A_207 = arith.constant 4 : i32
    %dma_start3A_208 = arith.constant 0 : i32
    %dma_start3A_209 = arith.constant 0 : i32
    %dma_start3A_210 = tpu.memref_slice %arg8[%dma_start3A_206, %dma_start3A_208, %dma_start3A_209] : memref<2x1000x8xf32, #tpu.memory_space<vmem>> -> memref<1x1000x8xf32, #tpu.memory_space<vmem>>
    %dma_start3A_211 = tpu.memref_squeeze %dma_start3A_210 : memref<1x1000x8xf32, #tpu.memory_space<vmem>> -> memref<1000x8xf32, #tpu.memory_space<vmem>>
    %dma_start3A_212 = arith.constant 0 : i32
    %dma_start3A_213 = tpu.memref_slice %arg7[%dma_start3A_207, %dma_start3A_212] : memref<10x1000xi32, #tpu.memory_space<vmem>> -> memref<1x1000xi32, #tpu.memory_space<vmem>>
    %dma_start3A_214 = tpu.memref_squeeze %dma_start3A_213 : memref<1x1000xi32, #tpu.memory_space<vmem>> -> memref<1000xi32, #tpu.memory_space<vmem>>
    %dma_start3A_215 = arith.constant 0 : i32
    %dma_start3A_216 = arith.constant 0 : i32
    %dma_start3A_217 = tpu.memref_slice %arg10[%dma_start3A_215, %dma_start3A_216] : memref<10000x8xf32, #tpu.memory_space<vmem_shared>> -> memref<10000x8xf32, #tpu.memory_space<vmem_shared>>
    tpu.enqueue_indirect_dma source(%dma_start3A_211 : memref<1000x8xf32, #tpu.memory_space<vmem>>) target(%dma_start3A_217 : memref<10000x8xf32, #tpu.memory_space<vmem_shared>>) offsets(%dma_start3A_214 : memref<1000xi32, #tpu.memory_space<vmem>>) semaphore(%arg13 : memref<!tpu.dma_semaphore, #tpu.memory_space<semaphore_mem>>) {add = true}
    %dma_wait3A_218 = arith.constant 1 : i32
    %dma_wait3A_219 = arith.constant 3 : i32
    %dma_wait3A_220 = arith.constant 0 : i32
    %dma_wait3A_221 = arith.constant 0 : i32
    %dma_wait3A_222 = tpu.memref_slice %arg8[%dma_wait3A_218, %dma_wait3A_220, %dma_wait3A_221] : memref<2x1000x8xf32, #tpu.memory_space<vmem>> -> memref<1x1000x8xf32, #tpu.memory_space<vmem>>
    %dma_wait3A_223 = tpu.memref_squeeze %dma_wait3A_222 : memref<1x1000x8xf32, #tpu.memory_space<vmem>> -> memref<1000x8xf32, #tpu.memory_space<vmem>>
    %dma_wait3A_224 = arith.constant 0 : i32
    %dma_wait3A_225 = tpu.memref_slice %arg7[%dma_wait3A_219, %dma_wait3A_224] : memref<10x1000xi32, #tpu.memory_space<vmem>> -> memref<1x1000xi32, #tpu.memory_space<vmem>>
    %dma_wait3A_226 = tpu.memref_squeeze %dma_wait3A_225 : memref<1x1000xi32, #tpu.memory_space<vmem>> -> memref<1000xi32, #tpu.memory_space<vmem>>
    %dma_wait3A_227 = arith.constant 0 : i32
    %dma_wait3A_228 = arith.constant 0 : i32
    %dma_wait3A_229 = tpu.memref_slice %arg10[%dma_wait3A_227, %dma_wait3A_228] : memref<10000x8xf32, #tpu.memory_space<vmem_shared>> -> memref<10000x8xf32, #tpu.memory_space<vmem_shared>>
    tpu.wait_indirect_dma semaphore(%arg14 : memref<!tpu.dma_semaphore, #tpu.memory_space<semaphore_mem>>) src(%dma_wait3A_223 : memref<1000x8xf32, #tpu.memory_space<vmem>>) dst(%dma_wait3A_229 : memref<10000x8xf32, #tpu.memory_space<vmem_shared>>)
    %dma_start3A_230 = arith.constant 5 : i32
    %dma_start3A_231 = arith.constant 1 : i32
    %dma_start3A_232 = arith.constant 0 : i32
    %dma_start3A_233 = arith.constant 0 : i32
    %dma_start3A_234 = tpu.memref_slice %arg8[%dma_start3A_231, %dma_start3A_232, %dma_start3A_233] : memref<2x1000x8xf32, #tpu.memory_space<vmem>> -> memref<1x1000x8xf32, #tpu.memory_space<vmem>>
    %dma_start3A_235 = tpu.memref_squeeze %dma_start3A_234 : memref<1x1000x8xf32, #tpu.memory_space<vmem>> -> memref<1000x8xf32, #tpu.memory_space<vmem>>
    %dma_start3A_236 = arith.constant 0 : i32
    %dma_start3A_237 = tpu.memref_slice %arg6[%dma_start3A_230, %dma_start3A_236] : memref<10x1000xi32, #tpu.memory_space<vmem>> -> memref<1x1000xi32, #tpu.memory_space<vmem>>
    %dma_start3A_238 = tpu.memref_squeeze %dma_start3A_237 : memref<1x1000xi32, #tpu.memory_space<vmem>> -> memref<1000xi32, #tpu.memory_space<vmem>>
    %dma_start3A_239 = arith.constant 0 : i32
    %dma_start3A_240 = arith.constant 0 : i32
    %dma_start3A_241 = tpu.memref_slice %arg9[%dma_start3A_239, %dma_start3A_240] : memref<10000x8xf32, #tpu.memory_space<vmem_shared>> -> memref<10000x8xf32, #tpu.memory_space<vmem_shared>>
    tpu.enqueue_indirect_dma source(%dma_start3A_241 : memref<10000x8xf32, #tpu.memory_space<vmem_shared>>) target(%dma_start3A_235 : memref<1000x8xf32, #tpu.memory_space<vmem>>) offsets(%dma_start3A_238 : memref<1000xi32, #tpu.memory_space<vmem>>) semaphore(%arg12 : memref<!tpu.dma_semaphore, #tpu.memory_space<semaphore_mem>>)
    %dma_wait3A_242 = arith.constant 5 : i32
    %dma_wait3A_243 = arith.constant 1 : i32
    %dma_wait3A_244 = arith.constant 0 : i32
    %dma_wait3A_245 = arith.constant 0 : i32
    %dma_wait3A_246 = tpu.memref_slice %arg8[%dma_wait3A_243, %dma_wait3A_244, %dma_wait3A_245] : memref<2x1000x8xf32, #tpu.memory_space<vmem>> -> memref<1x1000x8xf32, #tpu.memory_space<vmem>>
    %dma_wait3A_247 = tpu.memref_squeeze %dma_wait3A_246 : memref<1x1000x8xf32, #tpu.memory_space<vmem>> -> memref<1000x8xf32, #tpu.memory_space<vmem>>
    %dma_wait3A_248 = arith.constant 0 : i32
    %dma_wait3A_249 = tpu.memref_slice %arg6[%dma_wait3A_242, %dma_wait3A_248] : memref<10x1000xi32, #tpu.memory_space<vmem>> -> memref<1x1000xi32, #tpu.memory_space<vmem>>
    %dma_wait3A_250 = tpu.memref_squeeze %dma_wait3A_249 : memref<1x1000xi32, #tpu.memory_space<vmem>> -> memref<1000xi32, #tpu.memory_space<vmem>>
    %dma_wait3A_251 = arith.constant 0 : i32
    %dma_wait3A_252 = arith.constant 0 : i32
    %dma_wait3A_253 = tpu.memref_slice %arg9[%dma_wait3A_251, %dma_wait3A_252] : memref<10000x8xf32, #tpu.memory_space<vmem_shared>> -> memref<10000x8xf32, #tpu.memory_space<vmem_shared>>
    tpu.wait_indirect_dma semaphore(%arg12 : memref<!tpu.dma_semaphore, #tpu.memory_space<semaphore_mem>>) src(%dma_wait3A_253 : memref<10000x8xf32, #tpu.memory_space<vmem_shared>>) dst(%dma_wait3A_247 : memref<1000x8xf32, #tpu.memory_space<vmem>>)
    %dma_start3A_254 = arith.constant 1 : i32
    %dma_start3A_255 = arith.constant 5 : i32
    %dma_start3A_256 = arith.constant 0 : i32
    %dma_start3A_257 = arith.constant 0 : i32
    %dma_start3A_258 = tpu.memref_slice %arg8[%dma_start3A_254, %dma_start3A_256, %dma_start3A_257] : memref<2x1000x8xf32, #tpu.memory_space<vmem>> -> memref<1x1000x8xf32, #tpu.memory_space<vmem>>
    %dma_start3A_259 = tpu.memref_squeeze %dma_start3A_258 : memref<1x1000x8xf32, #tpu.memory_space<vmem>> -> memref<1000x8xf32, #tpu.memory_space<vmem>>
    %dma_start3A_260 = arith.constant 0 : i32
    %dma_start3A_261 = tpu.memref_slice %arg7[%dma_start3A_255, %dma_start3A_260] : memref<10x1000xi32, #tpu.memory_space<vmem>> -> memref<1x1000xi32, #tpu.memory_space<vmem>>
    %dma_start3A_262 = tpu.memref_squeeze %dma_start3A_261 : memref<1x1000xi32, #tpu.memory_space<vmem>> -> memref<1000xi32, #tpu.memory_space<vmem>>
    %dma_start3A_263 = arith.constant 0 : i32
    %dma_start3A_264 = arith.constant 0 : i32
    %dma_start3A_265 = tpu.memref_slice %arg10[%dma_start3A_263, %dma_start3A_264] : memref<10000x8xf32, #tpu.memory_space<vmem_shared>> -> memref<10000x8xf32, #tpu.memory_space<vmem_shared>>
    tpu.enqueue_indirect_dma source(%dma_start3A_259 : memref<1000x8xf32, #tpu.memory_space<vmem>>) target(%dma_start3A_265 : memref<10000x8xf32, #tpu.memory_space<vmem_shared>>) offsets(%dma_start3A_262 : memref<1000xi32, #tpu.memory_space<vmem>>) semaphore(%arg14 : memref<!tpu.dma_semaphore, #tpu.memory_space<semaphore_mem>>) {add = true}
    %dma_wait3A_266 = arith.constant 0 : i32
    %dma_wait3A_267 = arith.constant 4 : i32
    %dma_wait3A_268 = arith.constant 0 : i32
    %dma_wait3A_269 = arith.constant 0 : i32
    %dma_wait3A_270 = tpu.memref_slice %arg8[%dma_wait3A_266, %dma_wait3A_268, %dma_wait3A_269] : memref<2x1000x8xf32, #tpu.memory_space<vmem>> -> memref<1x1000x8xf32, #tpu.memory_space<vmem>>
    %dma_wait3A_271 = tpu.memref_squeeze %dma_wait3A_270 : memref<1x1000x8xf32, #tpu.memory_space<vmem>> -> memref<1000x8xf32, #tpu.memory_space<vmem>>
    %dma_wait3A_272 = arith.constant 0 : i32
    %dma_wait3A_273 = tpu.memref_slice %arg7[%dma_wait3A_267, %dma_wait3A_272] : memref<10x1000xi32, #tpu.memory_space<vmem>> -> memref<1x1000xi32, #tpu.memory_space<vmem>>
    %dma_wait3A_274 = tpu.memref_squeeze %dma_wait3A_273 : memref<1x1000xi32, #tpu.memory_space<vmem>> -> memref<1000xi32, #tpu.memory_space<vmem>>
    %dma_wait3A_275 = arith.constant 0 : i32
    %dma_wait3A_276 = arith.constant 0 : i32
    %dma_wait3A_277 = tpu.memref_slice %arg10[%dma_wait3A_275, %dma_wait3A_276] : memref<10000x8xf32, #tpu.memory_space<vmem_shared>> -> memref<10000x8xf32, #tpu.memory_space<vmem_shared>>
    tpu.wait_indirect_dma semaphore(%arg13 : memref<!tpu.dma_semaphore, #tpu.memory_space<semaphore_mem>>) src(%dma_wait3A_271 : memref<1000x8xf32, #tpu.memory_space<vmem>>) dst(%dma_wait3A_277 : memref<10000x8xf32, #tpu.memory_space<vmem_shared>>)
    %dma_start3A_278 = arith.constant 6 : i32
    %dma_start3A_279 = arith.constant 0 : i32
    %dma_start3A_280 = arith.constant 0 : i32
    %dma_start3A_281 = arith.constant 0 : i32
    %dma_start3A_282 = tpu.memref_slice %arg8[%dma_start3A_279, %dma_start3A_280, %dma_start3A_281] : memref<2x1000x8xf32, #tpu.memory_space<vmem>> -> memref<1x1000x8xf32, #tpu.memory_space<vmem>>
    %dma_start3A_283 = tpu.memref_squeeze %dma_start3A_282 : memref<1x1000x8xf32, #tpu.memory_space<vmem>> -> memref<1000x8xf32, #tpu.memory_space<vmem>>
    %dma_start3A_284 = arith.constant 0 : i32
    %dma_start3A_285 = tpu.memref_slice %arg6[%dma_start3A_278, %dma_start3A_284] : memref<10x1000xi32, #tpu.memory_space<vmem>> -> memref<1x1000xi32, #tpu.memory_space<vmem>>
    %dma_start3A_286 = tpu.memref_squeeze %dma_start3A_285 : memref<1x1000xi32, #tpu.memory_space<vmem>> -> memref<1000xi32, #tpu.memory_space<vmem>>
    %dma_start3A_287 = arith.constant 0 : i32
    %dma_start3A_288 = arith.constant 0 : i32
    %dma_start3A_289 = tpu.memref_slice %arg9[%dma_start3A_287, %dma_start3A_288] : memref<10000x8xf32, #tpu.memory_space<vmem_shared>> -> memref<10000x8xf32, #tpu.memory_space<vmem_shared>>
    tpu.enqueue_indirect_dma source(%dma_start3A_289 : memref<10000x8xf32, #tpu.memory_space<vmem_shared>>) target(%dma_start3A_283 : memref<1000x8xf32, #tpu.memory_space<vmem>>) offsets(%dma_start3A_286 : memref<1000xi32, #tpu.memory_space<vmem>>) semaphore(%arg11 : memref<!tpu.dma_semaphore, #tpu.memory_space<semaphore_mem>>)
    %dma_wait3A_290 = arith.constant 6 : i32
    %dma_wait3A_291 = arith.constant 0 : i32
    %dma_wait3A_292 = arith.constant 0 : i32
    %dma_wait3A_293 = arith.constant 0 : i32
    %dma_wait3A_294 = tpu.memref_slice %arg8[%dma_wait3A_291, %dma_wait3A_292, %dma_wait3A_293] : memref<2x1000x8xf32, #tpu.memory_space<vmem>> -> memref<1x1000x8xf32, #tpu.memory_space<vmem>>
    %dma_wait3A_295 = tpu.memref_squeeze %dma_wait3A_294 : memref<1x1000x8xf32, #tpu.memory_space<vmem>> -> memref<1000x8xf32, #tpu.memory_space<vmem>>
    %dma_wait3A_296 = arith.constant 0 : i32
    %dma_wait3A_297 = tpu.memref_slice %arg6[%dma_wait3A_290, %dma_wait3A_296] : memref<10x1000xi32, #tpu.memory_space<vmem>> -> memref<1x1000xi32, #tpu.memory_space<vmem>>
    %dma_wait3A_298 = tpu.memref_squeeze %dma_wait3A_297 : memref<1x1000xi32, #tpu.memory_space<vmem>> -> memref<1000xi32, #tpu.memory_space<vmem>>
    %dma_wait3A_299 = arith.constant 0 : i32
    %dma_wait3A_300 = arith.constant 0 : i32
    %dma_wait3A_301 = tpu.memref_slice %arg9[%dma_wait3A_299, %dma_wait3A_300] : memref<10000x8xf32, #tpu.memory_space<vmem_shared>> -> memref<10000x8xf32, #tpu.memory_space<vmem_shared>>
    tpu.wait_indirect_dma semaphore(%arg11 : memref<!tpu.dma_semaphore, #tpu.memory_space<semaphore_mem>>) src(%dma_wait3A_301 : memref<10000x8xf32, #tpu.memory_space<vmem_shared>>) dst(%dma_wait3A_295 : memref<1000x8xf32, #tpu.memory_space<vmem>>)
    %dma_start3A_302 = arith.constant 0 : i32
    %dma_start3A_303 = arith.constant 6 : i32
    %dma_start3A_304 = arith.constant 0 : i32
    %dma_start3A_305 = arith.constant 0 : i32
    %dma_start3A_306 = tpu.memref_slice %arg8[%dma_start3A_302, %dma_start3A_304, %dma_start3A_305] : memref<2x1000x8xf32, #tpu.memory_space<vmem>> -> memref<1x1000x8xf32, #tpu.memory_space<vmem>>
    %dma_start3A_307 = tpu.memref_squeeze %dma_start3A_306 : memref<1x1000x8xf32, #tpu.memory_space<vmem>> -> memref<1000x8xf32, #tpu.memory_space<vmem>>
    %dma_start3A_308 = arith.constant 0 : i32
    %dma_start3A_309 = tpu.memref_slice %arg7[%dma_start3A_303, %dma_start3A_308] : memref<10x1000xi32, #tpu.memory_space<vmem>> -> memref<1x1000xi32, #tpu.memory_space<vmem>>
    %dma_start3A_310 = tpu.memref_squeeze %dma_start3A_309 : memref<1x1000xi32, #tpu.memory_space<vmem>> -> memref<1000xi32, #tpu.memory_space<vmem>>
    %dma_start3A_311 = arith.constant 0 : i32
    %dma_start3A_312 = arith.constant 0 : i32
    %dma_start3A_313 = tpu.memref_slice %arg10[%dma_start3A_311, %dma_start3A_312] : memref<10000x8xf32, #tpu.memory_space<vmem_shared>> -> memref<10000x8xf32, #tpu.memory_space<vmem_shared>>
    tpu.enqueue_indirect_dma source(%dma_start3A_307 : memref<1000x8xf32, #tpu.memory_space<vmem>>) target(%dma_start3A_313 : memref<10000x8xf32, #tpu.memory_space<vmem_shared>>) offsets(%dma_start3A_310 : memref<1000xi32, #tpu.memory_space<vmem>>) semaphore(%arg13 : memref<!tpu.dma_semaphore, #tpu.memory_space<semaphore_mem>>) {add = true}
    %dma_wait3A_314 = arith.constant 1 : i32
    %dma_wait3A_315 = arith.constant 5 : i32
    %dma_wait3A_316 = arith.constant 0 : i32
    %dma_wait3A_317 = arith.constant 0 : i32
    %dma_wait3A_318 = tpu.memref_slice %arg8[%dma_wait3A_314, %dma_wait3A_316, %dma_wait3A_317] : memref<2x1000x8xf32, #tpu.memory_space<vmem>> -> memref<1x1000x8xf32, #tpu.memory_space<vmem>>
    %dma_wait3A_319 = tpu.memref_squeeze %dma_wait3A_318 : memref<1x1000x8xf32, #tpu.memory_space<vmem>> -> memref<1000x8xf32, #tpu.memory_space<vmem>>
    %dma_wait3A_320 = arith.constant 0 : i32
    %dma_wait3A_321 = tpu.memref_slice %arg7[%dma_wait3A_315, %dma_wait3A_320] : memref<10x1000xi32, #tpu.memory_space<vmem>> -> memref<1x1000xi32, #tpu.memory_space<vmem>>
    %dma_wait3A_322 = tpu.memref_squeeze %dma_wait3A_321 : memref<1x1000xi32, #tpu.memory_space<vmem>> -> memref<1000xi32, #tpu.memory_space<vmem>>
    %dma_wait3A_323 = arith.constant 0 : i32
    %dma_wait3A_324 = arith.constant 0 : i32
    %dma_wait3A_325 = tpu.memref_slice %arg10[%dma_wait3A_323, %dma_wait3A_324] : memref<10000x8xf32, #tpu.memory_space<vmem_shared>> -> memref<10000x8xf32, #tpu.memory_space<vmem_shared>>
    tpu.wait_indirect_dma semaphore(%arg14 : memref<!tpu.dma_semaphore, #tpu.memory_space<semaphore_mem>>) src(%dma_wait3A_319 : memref<1000x8xf32, #tpu.memory_space<vmem>>) dst(%dma_wait3A_325 : memref<10000x8xf32, #tpu.memory_space<vmem_shared>>)
    %dma_start3A_326 = arith.constant 7 : i32
    %dma_start3A_327 = arith.constant 1 : i32
    %dma_start3A_328 = arith.constant 0 : i32
    %dma_start3A_329 = arith.constant 0 : i32
    %dma_start3A_330 = tpu.memref_slice %arg8[%dma_start3A_327, %dma_start3A_328, %dma_start3A_329] : memref<2x1000x8xf32, #tpu.memory_space<vmem>> -> memref<1x1000x8xf32, #tpu.memory_space<vmem>>
    %dma_start3A_331 = tpu.memref_squeeze %dma_start3A_330 : memref<1x1000x8xf32, #tpu.memory_space<vmem>> -> memref<1000x8xf32, #tpu.memory_space<vmem>>
    %dma_start3A_332 = arith.constant 0 : i32
    %dma_start3A_333 = tpu.memref_slice %arg6[%dma_start3A_326, %dma_start3A_332] : memref<10x1000xi32, #tpu.memory_space<vmem>> -> memref<1x1000xi32, #tpu.memory_space<vmem>>
    %dma_start3A_334 = tpu.memref_squeeze %dma_start3A_333 : memref<1x1000xi32, #tpu.memory_space<vmem>> -> memref<1000xi32, #tpu.memory_space<vmem>>
    %dma_start3A_335 = arith.constant 0 : i32
    %dma_start3A_336 = arith.constant 0 : i32
    %dma_start3A_337 = tpu.memref_slice %arg9[%dma_start3A_335, %dma_start3A_336] : memref<10000x8xf32, #tpu.memory_space<vmem_shared>> -> memref<10000x8xf32, #tpu.memory_space<vmem_shared>>
    tpu.enqueue_indirect_dma source(%dma_start3A_337 : memref<10000x8xf32, #tpu.memory_space<vmem_shared>>) target(%dma_start3A_331 : memref<1000x8xf32, #tpu.memory_space<vmem>>) offsets(%dma_start3A_334 : memref<1000xi32, #tpu.memory_space<vmem>>) semaphore(%arg12 : memref<!tpu.dma_semaphore, #tpu.memory_space<semaphore_mem>>)
    %dma_wait3A_338 = arith.constant 7 : i32
    %dma_wait3A_339 = arith.constant 1 : i32
    %dma_wait3A_340 = arith.constant 0 : i32
    %dma_wait3A_341 = arith.constant 0 : i32
    %dma_wait3A_342 = tpu.memref_slice %arg8[%dma_wait3A_339, %dma_wait3A_340, %dma_wait3A_341] : memref<2x1000x8xf32, #tpu.memory_space<vmem>> -> memref<1x1000x8xf32, #tpu.memory_space<vmem>>
    %dma_wait3A_343 = tpu.memref_squeeze %dma_wait3A_342 : memref<1x1000x8xf32, #tpu.memory_space<vmem>> -> memref<1000x8xf32, #tpu.memory_space<vmem>>
    %dma_wait3A_344 = arith.constant 0 : i32
    %dma_wait3A_345 = tpu.memref_slice %arg6[%dma_wait3A_338, %dma_wait3A_344] : memref<10x1000xi32, #tpu.memory_space<vmem>> -> memref<1x1000xi32, #tpu.memory_space<vmem>>
    %dma_wait3A_346 = tpu.memref_squeeze %dma_wait3A_345 : memref<1x1000xi32, #tpu.memory_space<vmem>> -> memref<1000xi32, #tpu.memory_space<vmem>>
    %dma_wait3A_347 = arith.constant 0 : i32
    %dma_wait3A_348 = arith.constant 0 : i32
    %dma_wait3A_349 = tpu.memref_slice %arg9[%dma_wait3A_347, %dma_wait3A_348] : memref<10000x8xf32, #tpu.memory_space<vmem_shared>> -> memref<10000x8xf32, #tpu.memory_space<vmem_shared>>
    tpu.wait_indirect_dma semaphore(%arg12 : memref<!tpu.dma_semaphore, #tpu.memory_space<semaphore_mem>>) src(%dma_wait3A_349 : memref<10000x8xf32, #tpu.memory_space<vmem_shared>>) dst(%dma_wait3A_343 : memref<1000x8xf32, #tpu.memory_space<vmem>>)
    %dma_start3A_350 = arith.constant 1 : i32
    %dma_start3A_351 = arith.constant 7 : i32
    %dma_start3A_352 = arith.constant 0 : i32
    %dma_start3A_353 = arith.constant 0 : i32
    %dma_start3A_354 = tpu.memref_slice %arg8[%dma_start3A_350, %dma_start3A_352, %dma_start3A_353] : memref<2x1000x8xf32, #tpu.memory_space<vmem>> -> memref<1x1000x8xf32, #tpu.memory_space<vmem>>
    %dma_start3A_355 = tpu.memref_squeeze %dma_start3A_354 : memref<1x1000x8xf32, #tpu.memory_space<vmem>> -> memref<1000x8xf32, #tpu.memory_space<vmem>>
    %dma_start3A_356 = arith.constant 0 : i32
    %dma_start3A_357 = tpu.memref_slice %arg7[%dma_start3A_351, %dma_start3A_356] : memref<10x1000xi32, #tpu.memory_space<vmem>> -> memref<1x1000xi32, #tpu.memory_space<vmem>>
    %dma_start3A_358 = tpu.memref_squeeze %dma_start3A_357 : memref<1x1000xi32, #tpu.memory_space<vmem>> -> memref<1000xi32, #tpu.memory_space<vmem>>
    %dma_start3A_359 = arith.constant 0 : i32
    %dma_start3A_360 = arith.constant 0 : i32
    %dma_start3A_361 = tpu.memref_slice %arg10[%dma_start3A_359, %dma_start3A_360] : memref<10000x8xf32, #tpu.memory_space<vmem_shared>> -> memref<10000x8xf32, #tpu.memory_space<vmem_shared>>
    tpu.enqueue_indirect_dma source(%dma_start3A_355 : memref<1000x8xf32, #tpu.memory_space<vmem>>) target(%dma_start3A_361 : memref<10000x8xf32, #tpu.memory_space<vmem_shared>>) offsets(%dma_start3A_358 : memref<1000xi32, #tpu.memory_space<vmem>>) semaphore(%arg14 : memref<!tpu.dma_semaphore, #tpu.memory_space<semaphore_mem>>) {add = true}
    %dma_wait3A_362 = arith.constant 0 : i32
    %dma_wait3A_363 = arith.constant 6 : i32
    %dma_wait3A_364 = arith.constant 0 : i32
    %dma_wait3A_365 = arith.constant 0 : i32
    %dma_wait3A_366 = tpu.memref_slice %arg8[%dma_wait3A_362, %dma_wait3A_364, %dma_wait3A_365] : memref<2x1000x8xf32, #tpu.memory_space<vmem>> -> memref<1x1000x8xf32, #tpu.memory_space<vmem>>
    %dma_wait3A_367 = tpu.memref_squeeze %dma_wait3A_366 : memref<1x1000x8xf32, #tpu.memory_space<vmem>> -> memref<1000x8xf32, #tpu.memory_space<vmem>>
    %dma_wait3A_368 = arith.constant 0 : i32
    %dma_wait3A_369 = tpu.memref_slice %arg7[%dma_wait3A_363, %dma_wait3A_368] : memref<10x1000xi32, #tpu.memory_space<vmem>> -> memref<1x1000xi32, #tpu.memory_space<vmem>>
    %dma_wait3A_370 = tpu.memref_squeeze %dma_wait3A_369 : memref<1x1000xi32, #tpu.memory_space<vmem>> -> memref<1000xi32, #tpu.memory_space<vmem>>
    %dma_wait3A_371 = arith.constant 0 : i32
    %dma_wait3A_372 = arith.constant 0 : i32
    %dma_wait3A_373 = tpu.memref_slice %arg10[%dma_wait3A_371, %dma_wait3A_372] : memref<10000x8xf32, #tpu.memory_space<vmem_shared>> -> memref<10000x8xf32, #tpu.memory_space<vmem_shared>>
    tpu.wait_indirect_dma semaphore(%arg13 : memref<!tpu.dma_semaphore, #tpu.memory_space<semaphore_mem>>) src(%dma_wait3A_367 : memref<1000x8xf32, #tpu.memory_space<vmem>>) dst(%dma_wait3A_373 : memref<10000x8xf32, #tpu.memory_space<vmem_shared>>)
    %dma_start3A_374 = arith.constant 8 : i32
    %dma_start3A_375 = arith.constant 0 : i32
    %dma_start3A_376 = arith.constant 0 : i32
    %dma_start3A_377 = arith.constant 0 : i32
    %dma_start3A_378 = tpu.memref_slice %arg8[%dma_start3A_375, %dma_start3A_376, %dma_start3A_377] : memref<2x1000x8xf32, #tpu.memory_space<vmem>> -> memref<1x1000x8xf32, #tpu.memory_space<vmem>>
    %dma_start3A_379 = tpu.memref_squeeze %dma_start3A_378 : memref<1x1000x8xf32, #tpu.memory_space<vmem>> -> memref<1000x8xf32, #tpu.memory_space<vmem>>
    %dma_start3A_380 = arith.constant 0 : i32
    %dma_start3A_381 = tpu.memref_slice %arg6[%dma_start3A_374, %dma_start3A_380] : memref<10x1000xi32, #tpu.memory_space<vmem>> -> memref<1x1000xi32, #tpu.memory_space<vmem>>
    %dma_start3A_382 = tpu.memref_squeeze %dma_start3A_381 : memref<1x1000xi32, #tpu.memory_space<vmem>> -> memref<1000xi32, #tpu.memory_space<vmem>>
    %dma_start3A_383 = arith.constant 0 : i32
    %dma_start3A_384 = arith.constant 0 : i32
    %dma_start3A_385 = tpu.memref_slice %arg9[%dma_start3A_383, %dma_start3A_384] : memref<10000x8xf32, #tpu.memory_space<vmem_shared>> -> memref<10000x8xf32, #tpu.memory_space<vmem_shared>>
    tpu.enqueue_indirect_dma source(%dma_start3A_385 : memref<10000x8xf32, #tpu.memory_space<vmem_shared>>) target(%dma_start3A_379 : memref<1000x8xf32, #tpu.memory_space<vmem>>) offsets(%dma_start3A_382 : memref<1000xi32, #tpu.memory_space<vmem>>) semaphore(%arg11 : memref<!tpu.dma_semaphore, #tpu.memory_space<semaphore_mem>>)
    %dma_wait3A_386 = arith.constant 8 : i32
    %dma_wait3A_387 = arith.constant 0 : i32
    %dma_wait3A_388 = arith.constant 0 : i32
    %dma_wait3A_389 = arith.constant 0 : i32
    %dma_wait3A_390 = tpu.memref_slice %arg8[%dma_wait3A_387, %dma_wait3A_388, %dma_wait3A_389] : memref<2x1000x8xf32, #tpu.memory_space<vmem>> -> memref<1x1000x8xf32, #tpu.memory_space<vmem>>
    %dma_wait3A_391 = tpu.memref_squeeze %dma_wait3A_390 : memref<1x1000x8xf32, #tpu.memory_space<vmem>> -> memref<1000x8xf32, #tpu.memory_space<vmem>>
    %dma_wait3A_392 = arith.constant 0 : i32
    %dma_wait3A_393 = tpu.memref_slice %arg6[%dma_wait3A_386, %dma_wait3A_392] : memref<10x1000xi32, #tpu.memory_space<vmem>> -> memref<1x1000xi32, #tpu.memory_space<vmem>>
    %dma_wait3A_394 = tpu.memref_squeeze %dma_wait3A_393 : memref<1x1000xi32, #tpu.memory_space<vmem>> -> memref<1000xi32, #tpu.memory_space<vmem>>
    %dma_wait3A_395 = arith.constant 0 : i32
    %dma_wait3A_396 = arith.constant 0 : i32
    %dma_wait3A_397 = tpu.memref_slice %arg9[%dma_wait3A_395, %dma_wait3A_396] : memref<10000x8xf32, #tpu.memory_space<vmem_shared>> -> memref<10000x8xf32, #tpu.memory_space<vmem_shared>>
    tpu.wait_indirect_dma semaphore(%arg11 : memref<!tpu.dma_semaphore, #tpu.memory_space<semaphore_mem>>) src(%dma_wait3A_397 : memref<10000x8xf32, #tpu.memory_space<vmem_shared>>) dst(%dma_wait3A_391 : memref<1000x8xf32, #tpu.memory_space<vmem>>)
    %dma_start3A_398 = arith.constant 0 : i32
    %dma_start3A_399 = arith.constant 8 : i32
    %dma_start3A_400 = arith.constant 0 : i32
    %dma_start3A_401 = arith.constant 0 : i32
    %dma_start3A_402 = tpu.memref_slice %arg8[%dma_start3A_398, %dma_start3A_400, %dma_start3A_401] : memref<2x1000x8xf32, #tpu.memory_space<vmem>> -> memref<1x1000x8xf32, #tpu.memory_space<vmem>>
    %dma_start3A_403 = tpu.memref_squeeze %dma_start3A_402 : memref<1x1000x8xf32, #tpu.memory_space<vmem>> -> memref<1000x8xf32, #tpu.memory_space<vmem>>
    %dma_start3A_404 = arith.constant 0 : i32
    %dma_start3A_405 = tpu.memref_slice %arg7[%dma_start3A_399, %dma_start3A_404] : memref<10x1000xi32, #tpu.memory_space<vmem>> -> memref<1x1000xi32, #tpu.memory_space<vmem>>
    %dma_start3A_406 = tpu.memref_squeeze %dma_start3A_405 : memref<1x1000xi32, #tpu.memory_space<vmem>> -> memref<1000xi32, #tpu.memory_space<vmem>>
    %dma_start3A_407 = arith.constant 0 : i32
    %dma_start3A_408 = arith.constant 0 : i32
    %dma_start3A_409 = tpu.memref_slice %arg10[%dma_start3A_407, %dma_start3A_408] : memref<10000x8xf32, #tpu.memory_space<vmem_shared>> -> memref<10000x8xf32, #tpu.memory_space<vmem_shared>>
    tpu.enqueue_indirect_dma source(%dma_start3A_403 : memref<1000x8xf32, #tpu.memory_space<vmem>>) target(%dma_start3A_409 : memref<10000x8xf32, #tpu.memory_space<vmem_shared>>) offsets(%dma_start3A_406 : memref<1000xi32, #tpu.memory_space<vmem>>) semaphore(%arg13 : memref<!tpu.dma_semaphore, #tpu.memory_space<semaphore_mem>>) {add = true}
    %dma_wait3A_410 = arith.constant 1 : i32
    %dma_wait3A_411 = arith.constant 7 : i32
    %dma_wait3A_412 = arith.constant 0 : i32
    %dma_wait3A_413 = arith.constant 0 : i32
    %dma_wait3A_414 = tpu.memref_slice %arg8[%dma_wait3A_410, %dma_wait3A_412, %dma_wait3A_413] : memref<2x1000x8xf32, #tpu.memory_space<vmem>> -> memref<1x1000x8xf32, #tpu.memory_space<vmem>>
    %dma_wait3A_415 = tpu.memref_squeeze %dma_wait3A_414 : memref<1x1000x8xf32, #tpu.memory_space<vmem>> -> memref<1000x8xf32, #tpu.memory_space<vmem>>
    %dma_wait3A_416 = arith.constant 0 : i32
    %dma_wait3A_417 = tpu.memref_slice %arg7[%dma_wait3A_411, %dma_wait3A_416] : memref<10x1000xi32, #tpu.memory_space<vmem>> -> memref<1x1000xi32, #tpu.memory_space<vmem>>
    %dma_wait3A_418 = tpu.memref_squeeze %dma_wait3A_417 : memref<1x1000xi32, #tpu.memory_space<vmem>> -> memref<1000xi32, #tpu.memory_space<vmem>>
    %dma_wait3A_419 = arith.constant 0 : i32
    %dma_wait3A_420 = arith.constant 0 : i32
    %dma_wait3A_421 = tpu.memref_slice %arg10[%dma_wait3A_419, %dma_wait3A_420] : memref<10000x8xf32, #tpu.memory_space<vmem_shared>> -> memref<10000x8xf32, #tpu.memory_space<vmem_shared>>
    tpu.wait_indirect_dma semaphore(%arg14 : memref<!tpu.dma_semaphore, #tpu.memory_space<semaphore_mem>>) src(%dma_wait3A_415 : memref<1000x8xf32, #tpu.memory_space<vmem>>) dst(%dma_wait3A_421 : memref<10000x8xf32, #tpu.memory_space<vmem_shared>>)
    %dma_start3A_422 = arith.constant 9 : i32
    %dma_start3A_423 = arith.constant 1 : i32
    %dma_start3A_424 = arith.constant 0 : i32
    %dma_start3A_425 = arith.constant 0 : i32
    %dma_start3A_426 = tpu.memref_slice %arg8[%dma_start3A_423, %dma_start3A_424, %dma_start3A_425] : memref<2x1000x8xf32, #tpu.memory_space<vmem>> -> memref<1x1000x8xf32, #tpu.memory_space<vmem>>
    %dma_start3A_427 = tpu.memref_squeeze %dma_start3A_426 : memref<1x1000x8xf32, #tpu.memory_space<vmem>> -> memref<1000x8xf32, #tpu.memory_space<vmem>>
    %dma_start3A_428 = arith.constant 0 : i32
    %dma_start3A_429 = tpu.memref_slice %arg6[%dma_start3A_422, %dma_start3A_428] : memref<10x1000xi32, #tpu.memory_space<vmem>> -> memref<1x1000xi32, #tpu.memory_space<vmem>>
    %dma_start3A_430 = tpu.memref_squeeze %dma_start3A_429 : memref<1x1000xi32, #tpu.memory_space<vmem>> -> memref<1000xi32, #tpu.memory_space<vmem>>
    %dma_start3A_431 = arith.constant 0 : i32
    %dma_start3A_432 = arith.constant 0 : i32
    %dma_start3A_433 = tpu.memref_slice %arg9[%dma_start3A_431, %dma_start3A_432] : memref<10000x8xf32, #tpu.memory_space<vmem_shared>> -> memref<10000x8xf32, #tpu.memory_space<vmem_shared>>
    tpu.enqueue_indirect_dma source(%dma_start3A_433 : memref<10000x8xf32, #tpu.memory_space<vmem_shared>>) target(%dma_start3A_427 : memref<1000x8xf32, #tpu.memory_space<vmem>>) offsets(%dma_start3A_430 : memref<1000xi32, #tpu.memory_space<vmem>>) semaphore(%arg12 : memref<!tpu.dma_semaphore, #tpu.memory_space<semaphore_mem>>)
    %dma_wait3A_434 = arith.constant 9 : i32
    %dma_wait3A_435 = arith.constant 1 : i32
    %dma_wait3A_436 = arith.constant 0 : i32
    %dma_wait3A_437 = arith.constant 0 : i32
    %dma_wait3A_438 = tpu.memref_slice %arg8[%dma_wait3A_435, %dma_wait3A_436, %dma_wait3A_437] : memref<2x1000x8xf32, #tpu.memory_space<vmem>> -> memref<1x1000x8xf32, #tpu.memory_space<vmem>>
    %dma_wait3A_439 = tpu.memref_squeeze %dma_wait3A_438 : memref<1x1000x8xf32, #tpu.memory_space<vmem>> -> memref<1000x8xf32, #tpu.memory_space<vmem>>
    %dma_wait3A_440 = arith.constant 0 : i32
    %dma_wait3A_441 = tpu.memref_slice %arg6[%dma_wait3A_434, %dma_wait3A_440] : memref<10x1000xi32, #tpu.memory_space<vmem>> -> memref<1x1000xi32, #tpu.memory_space<vmem>>
    %dma_wait3A_442 = tpu.memref_squeeze %dma_wait3A_441 : memref<1x1000xi32, #tpu.memory_space<vmem>> -> memref<1000xi32, #tpu.memory_space<vmem>>
    %dma_wait3A_443 = arith.constant 0 : i32
    %dma_wait3A_444 = arith.constant 0 : i32
    %dma_wait3A_445 = tpu.memref_slice %arg9[%dma_wait3A_443, %dma_wait3A_444] : memref<10000x8xf32, #tpu.memory_space<vmem_shared>> -> memref<10000x8xf32, #tpu.memory_space<vmem_shared>>
    tpu.wait_indirect_dma semaphore(%arg12 : memref<!tpu.dma_semaphore, #tpu.memory_space<semaphore_mem>>) src(%dma_wait3A_445 : memref<10000x8xf32, #tpu.memory_space<vmem_shared>>) dst(%dma_wait3A_439 : memref<1000x8xf32, #tpu.memory_space<vmem>>)
    %dma_start3A_446 = arith.constant 1 : i32
    %dma_start3A_447 = arith.constant 9 : i32
    %dma_start3A_448 = arith.constant 0 : i32
    %dma_start3A_449 = arith.constant 0 : i32
    %dma_start3A_450 = tpu.memref_slice %arg8[%dma_start3A_446, %dma_start3A_448, %dma_start3A_449] : memref<2x1000x8xf32, #tpu.memory_space<vmem>> -> memref<1x1000x8xf32, #tpu.memory_space<vmem>>
    %dma_start3A_451 = tpu.memref_squeeze %dma_start3A_450 : memref<1x1000x8xf32, #tpu.memory_space<vmem>> -> memref<1000x8xf32, #tpu.memory_space<vmem>>
    %dma_start3A_452 = arith.constant 0 : i32
    %dma_start3A_453 = tpu.memref_slice %arg7[%dma_start3A_447, %dma_start3A_452] : memref<10x1000xi32, #tpu.memory_space<vmem>> -> memref<1x1000xi32, #tpu.memory_space<vmem>>
    %dma_start3A_454 = tpu.memref_squeeze %dma_start3A_453 : memref<1x1000xi32, #tpu.memory_space<vmem>> -> memref<1000xi32, #tpu.memory_space<vmem>>
    %dma_start3A_455 = arith.constant 0 : i32
    %dma_start3A_456 = arith.constant 0 : i32
    %dma_start3A_457 = tpu.memref_slice %arg10[%dma_start3A_455, %dma_start3A_456] : memref<10000x8xf32, #tpu.memory_space<vmem_shared>> -> memref<10000x8xf32, #tpu.memory_space<vmem_shared>>
    tpu.enqueue_indirect_dma source(%dma_start3A_451 : memref<1000x8xf32, #tpu.memory_space<vmem>>) target(%dma_start3A_457 : memref<10000x8xf32, #tpu.memory_space<vmem_shared>>) offsets(%dma_start3A_454 : memref<1000xi32, #tpu.memory_space<vmem>>) semaphore(%arg14 : memref<!tpu.dma_semaphore, #tpu.memory_space<semaphore_mem>>) {add = true}
    %dma_wait3A_458 = arith.constant 1 : i32
    %dma_wait3A_459 = arith.constant 9 : i32
    %dma_wait3A_460 = arith.constant 0 : i32
    %dma_wait3A_461 = arith.constant 0 : i32
    %dma_wait3A_462 = tpu.memref_slice %arg8[%dma_wait3A_458, %dma_wait3A_460, %dma_wait3A_461] : memref<2x1000x8xf32, #tpu.memory_space<vmem>> -> memref<1x1000x8xf32, #tpu.memory_space<vmem>>
    %dma_wait3A_463 = tpu.memref_squeeze %dma_wait3A_462 : memref<1x1000x8xf32, #tpu.memory_space<vmem>> -> memref<1000x8xf32, #tpu.memory_space<vmem>>
    %dma_wait3A_464 = arith.constant 0 : i32
    %dma_wait3A_465 = tpu.memref_slice %arg7[%dma_wait3A_459, %dma_wait3A_464] : memref<10x1000xi32, #tpu.memory_space<vmem>> -> memref<1x1000xi32, #tpu.memory_space<vmem>>
    %dma_wait3A_466 = tpu.memref_squeeze %dma_wait3A_465 : memref<1x1000xi32, #tpu.memory_space<vmem>> -> memref<1000xi32, #tpu.memory_space<vmem>>
    %dma_wait3A_467 = arith.constant 0 : i32
    %dma_wait3A_468 = arith.constant 0 : i32
    %dma_wait3A_469 = tpu.memref_slice %arg10[%dma_wait3A_467, %dma_wait3A_468] : memref<10000x8xf32, #tpu.memory_space<vmem_shared>> -> memref<10000x8xf32, #tpu.memory_space<vmem_shared>>
    tpu.wait_indirect_dma semaphore(%arg14 : memref<!tpu.dma_semaphore, #tpu.memory_space<semaphore_mem>>) src(%dma_wait3A_463 : memref<1000x8xf32, #tpu.memory_space<vmem>>) dst(%dma_wait3A_469 : memref<10000x8xf32, #tpu.memory_space<vmem_shared>>)
    %dma_wait3A_470 = arith.constant 0 : i32
    %dma_wait3A_471 = arith.constant 8 : i32
    %dma_wait3A_472 = arith.constant 0 : i32
    %dma_wait3A_473 = arith.constant 0 : i32
    %dma_wait3A_474 = tpu.memref_slice %arg8[%dma_wait3A_470, %dma_wait3A_472, %dma_wait3A_473] : memref<2x1000x8xf32, #tpu.memory_space<vmem>> -> memref<1x1000x8xf32, #tpu.memory_space<vmem>>
    %dma_wait3A_475 = tpu.memref_squeeze %dma_wait3A_474 : memref<1x1000x8xf32, #tpu.memory_space<vmem>> -> memref<1000x8xf32, #tpu.memory_space<vmem>>
    %dma_wait3A_476 = arith.constant 0 : i32
    %dma_wait3A_477 = tpu.memref_slice %arg7[%dma_wait3A_471, %dma_wait3A_476] : memref<10x1000xi32, #tpu.memory_space<vmem>> -> memref<1x1000xi32, #tpu.memory_space<vmem>>
    %dma_wait3A_478 = tpu.memref_squeeze %dma_wait3A_477 : memref<1x1000xi32, #tpu.memory_space<vmem>> -> memref<1000xi32, #tpu.memory_space<vmem>>
    %dma_wait3A_479 = arith.constant 0 : i32
    %dma_wait3A_480 = arith.constant 0 : i32
    %dma_wait3A_481 = tpu.memref_slice %arg10[%dma_wait3A_479, %dma_wait3A_480] : memref<10000x8xf32, #tpu.memory_space<vmem_shared>> -> memref<10000x8xf32, #tpu.memory_space<vmem_shared>>
    tpu.wait_indirect_dma semaphore(%arg13 : memref<!tpu.dma_semaphore, #tpu.memory_space<semaphore_mem>>) src(%dma_wait3A_475 : memref<1000x8xf32, #tpu.memory_space<vmem>>) dst(%dma_wait3A_481 : memref<10000x8xf32, #tpu.memory_space<vmem_shared>>)
    %barrier3A_482 = arith.constant 0 : index
    tpu.barrier barrier_id(%barrier3A_482)
    "tpu.region"() ({
      %run_scoped3A_483 = tpu.sem_alloc : memref<!tpu.dma_semaphore, #tpu.memory_space<semaphore_mem>>
      %dma_start3A_484 = arith.constant 0 : i32
      %dma_start3A_485 = arith.constant 0 : i32
      %dma_start3A_486 = tpu.memref_slice %arg5[%arg0, %dma_start3A_484, %dma_start3A_485] : memref<2x10000x8xf32, #tpu.memory_space<hbm>> -> memref<1x10000x8xf32, #tpu.memory_space<hbm>>
      %dma_start3A_487 = tpu.memref_squeeze %dma_start3A_486 : memref<1x10000x8xf32, #tpu.memory_space<hbm>> -> memref<10000x8xf32, #tpu.memory_space<hbm>>
      %dma_start3A_488 = arith.constant 0 : i32
      %dma_start3A_489 = tpu.memref_slice %dma_start3A_487[%mul3A_2, %dma_start3A_488] : memref<10000x8xf32, #tpu.memory_space<hbm>> -> memref<625x8xf32, #tpu.memory_space<hbm>>
      %dma_start3A_490 = arith.constant 0 : i32
      %dma_start3A_491 = tpu.memref_slice %arg10[%mul3A_2, %dma_start3A_490] : memref<10000x8xf32, #tpu.memory_space<vmem_shared>> -> memref<625x8xf32, #tpu.memory_space<vmem_shared>>
      tpu.enqueue_dma source(%dma_start3A_491 : memref<625x8xf32, #tpu.memory_space<vmem_shared>>) target(%dma_start3A_489 : memref<625x8xf32, #tpu.memory_space<hbm>>) target_semaphore(%run_scoped3A_483 : memref<!tpu.dma_semaphore, #tpu.memory_space<semaphore_mem>>)
      %dma_wait3A_492 = arith.constant 0 : i32
      %dma_wait3A_493 = arith.constant 0 : i32
      %dma_wait3A_494 = tpu.memref_slice %arg5[%arg0, %dma_wait3A_492, %dma_wait3A_493] : memref<2x10000x8xf32, #tpu.memory_space<hbm>> -> memref<1x10000x8xf32, #tpu.memory_space<hbm>>
      %dma_wait3A_495 = tpu.memref_squeeze %dma_wait3A_494 : memref<1x10000x8xf32, #tpu.memory_space<hbm>> -> memref<10000x8xf32, #tpu.memory_space<hbm>>
      %dma_wait3A_496 = arith.constant 0 : i32
      %dma_wait3A_497 = tpu.memref_slice %dma_wait3A_495[%mul3A_2, %dma_wait3A_496] : memref<10000x8xf32, #tpu.memory_space<hbm>> -> memref<625x8xf32, #tpu.memory_space<hbm>>
      %dma_wait3A_498 = arith.constant 0 : i32
      %dma_wait3A_499 = tpu.memref_slice %arg10[%mul3A_2, %dma_wait3A_498] : memref<10000x8xf32, #tpu.memory_space<vmem_shared>> -> memref<625x8xf32, #tpu.memory_space<vmem_shared>>
      tpu.wait_dma2 semaphore(%run_scoped3A_483 : memref<!tpu.dma_semaphore, #tpu.memory_space<semaphore_mem>>) src(%dma_wait3A_499 : memref<625x8xf32, #tpu.memory_space<vmem_shared>>) dst(%dma_wait3A_497 : memref<625x8xf32, #tpu.memory_space<hbm>>)
      tpu.yield
    }) : () -> ()
    return
  }
}

#map = affine_map<(d0, d1) -> (0, 0, 0, 0)>
#map1 = affine_map<(d0, d1) -> (0, 0)>
#map2 = affine_map<(d0, d1) -> (0, 0, 0)>
module attributes {stable_mosaic.version = 14 : i64} {
  func.func @_deg_kernel(%arg0: i32, %arg1: i32, %arg2: memref<2x32x5x2000xi32, #tpu.memory_space<hbm>>, %arg3: memref<10000x8xf32, #tpu.memory_space<hbm>>, %arg4: memref<2000x8xf32, #tpu.memory_space<hbm>>, %arg5: memref<2x10000x8xf32, #tpu.memory_space<hbm>>, %arg6: memref<5x2000xi32, #tpu.memory_space<vmem>>, %arg7: memref<2000x8xf32, #tpu.memory_space<vmem>>, %arg8: memref<10000x8xf32, #tpu.memory_space<vmem_shared>>, %arg9: memref<!tpu.dma_semaphore, #tpu.memory_space<semaphore_mem>>) attributes {dimension_semantics = [#tpu.dimension_semantics<core_parallel>, #tpu.dimension_semantics<subcore_parallel>], iteration_bounds = array<i64: 2, 16>, scalar_prefetch = 0 : i64, scratch_operands = 4 : i64, tpu.core_type = #tpu.core_type<sc_vector_subcore>, window_params = [{transform_indices = #map}, {transform_indices = #map1}, {transform_indices = #map1}, {transform_indices = #map2}]} {
    %mul3A = arith.constant 2 : i32
    %mul3A_0 = arith.muli %arg1, %mul3A : i32
    %add3A = arith.addi %mul3A_0, %arg0 : i32
    %mul3A_1 = arith.constant 625 : i32
    %mul3A_2 = arith.muli %arg1, %mul3A_1 : i32
    "tpu.region"() ({
      %run_scoped3A_72 = tpu.sem_alloc : memref<!tpu.dma_semaphore, #tpu.memory_space<semaphore_mem>>
      %dma_start3A_73 = arith.constant 0 : i32
      %dma_start3A_74 = tpu.memref_slice %arg8[%mul3A_2, %dma_start3A_73] : memref<10000x8xf32, #tpu.memory_space<vmem_shared>> -> memref<625x8xf32, #tpu.memory_space<vmem_shared>>
      %dma_start3A_75 = arith.constant 0 : i32
      %dma_start3A_76 = tpu.memref_slice %arg3[%mul3A_2, %dma_start3A_75] : memref<10000x8xf32, #tpu.memory_space<hbm>> -> memref<625x8xf32, #tpu.memory_space<hbm>>
      tpu.enqueue_dma source(%dma_start3A_76 : memref<625x8xf32, #tpu.memory_space<hbm>>) target(%dma_start3A_74 : memref<625x8xf32, #tpu.memory_space<vmem_shared>>) target_semaphore(%run_scoped3A_72 : memref<!tpu.dma_semaphore, #tpu.memory_space<semaphore_mem>>)
      %dma_wait3A_77 = arith.constant 0 : i32
      %dma_wait3A_78 = tpu.memref_slice %arg8[%mul3A_2, %dma_wait3A_77] : memref<10000x8xf32, #tpu.memory_space<vmem_shared>> -> memref<625x8xf32, #tpu.memory_space<vmem_shared>>
      %dma_wait3A_79 = arith.constant 0 : i32
      %dma_wait3A_80 = tpu.memref_slice %arg3[%mul3A_2, %dma_wait3A_79] : memref<10000x8xf32, #tpu.memory_space<hbm>> -> memref<625x8xf32, #tpu.memory_space<hbm>>
      tpu.wait_dma2 semaphore(%run_scoped3A_72 : memref<!tpu.dma_semaphore, #tpu.memory_space<semaphore_mem>>) src(%dma_wait3A_80 : memref<625x8xf32, #tpu.memory_space<hbm>>) dst(%dma_wait3A_78 : memref<625x8xf32, #tpu.memory_space<vmem_shared>>)
      tpu.yield
    }) : () -> ()
    "tpu.region"() ({
      %run_scoped3A_72 = tpu.sem_alloc : memref<!tpu.dma_semaphore, #tpu.memory_space<semaphore_mem>>
      tpu.enqueue_dma source(%arg4 : memref<2000x8xf32, #tpu.memory_space<hbm>>) target(%arg7 : memref<2000x8xf32, #tpu.memory_space<vmem>>) target_semaphore(%run_scoped3A_72 : memref<!tpu.dma_semaphore, #tpu.memory_space<semaphore_mem>>)
      tpu.wait_dma2 semaphore(%run_scoped3A_72 : memref<!tpu.dma_semaphore, #tpu.memory_space<semaphore_mem>>) src(%arg4 : memref<2000x8xf32, #tpu.memory_space<hbm>>) dst(%arg7 : memref<2000x8xf32, #tpu.memory_space<vmem>>)
      tpu.yield
    }) : () -> ()
    %run_scoped3A = arith.constant 1 : i32
    "tpu.region"() ({
      %run_scoped3A_72 = tpu.sem_alloc : memref<!tpu.dma_semaphore, #tpu.memory_space<semaphore_mem>>
      %dma_start3A_73 = arith.constant 0 : i32
      %dma_start3A_74 = arith.constant 0 : i32
      %dma_start3A_75 = arith.constant 0 : i32
      %dma_start3A_76 = tpu.memref_slice %arg2[%run_scoped3A, %dma_start3A_73, %dma_start3A_74, %dma_start3A_75] : memref<2x32x5x2000xi32, #tpu.memory_space<hbm>> -> memref<1x32x5x2000xi32, #tpu.memory_space<hbm>>
      %dma_start3A_77 = tpu.memref_squeeze %dma_start3A_76 : memref<1x32x5x2000xi32, #tpu.memory_space<hbm>> -> memref<32x5x2000xi32, #tpu.memory_space<hbm>>
      %dma_start3A_78 = arith.constant 0 : i32
      %dma_start3A_79 = arith.constant 0 : i32
      %dma_start3A_80 = tpu.memref_slice %dma_start3A_77[%add3A, %dma_start3A_78, %dma_start3A_79] : memref<32x5x2000xi32, #tpu.memory_space<hbm>> -> memref<1x5x2000xi32, #tpu.memory_space<hbm>>
      %dma_start3A_81 = tpu.memref_squeeze %dma_start3A_80 : memref<1x5x2000xi32, #tpu.memory_space<hbm>> -> memref<5x2000xi32, #tpu.memory_space<hbm>>
      %dma_start3A_82 = arith.constant 0 : i32
      %dma_start3A_83 = arith.constant 0 : i32
      %dma_start3A_84 = arith.constant 0 : i32
      %dma_start3A_85 = tpu.memref_slice %arg2[%run_scoped3A, %dma_start3A_82, %dma_start3A_83, %dma_start3A_84] : memref<2x32x5x2000xi32, #tpu.memory_space<hbm>> -> memref<1x32x5x2000xi32, #tpu.memory_space<hbm>>
      %dma_start3A_86 = tpu.memref_squeeze %dma_start3A_85 : memref<1x32x5x2000xi32, #tpu.memory_space<hbm>> -> memref<32x5x2000xi32, #tpu.memory_space<hbm>>
      %dma_start3A_87 = arith.constant 0 : i32
      %dma_start3A_88 = arith.constant 0 : i32
      %dma_start3A_89 = tpu.memref_slice %dma_start3A_86[%add3A, %dma_start3A_87, %dma_start3A_88] : memref<32x5x2000xi32, #tpu.memory_space<hbm>> -> memref<1x5x2000xi32, #tpu.memory_space<hbm>>
      %dma_start3A_90 = tpu.memref_squeeze %dma_start3A_89 : memref<1x5x2000xi32, #tpu.memory_space<hbm>> -> memref<5x2000xi32, #tpu.memory_space<hbm>>
      tpu.enqueue_dma source(%dma_start3A_90 : memref<5x2000xi32, #tpu.memory_space<hbm>>) target(%arg6 : memref<5x2000xi32, #tpu.memory_space<vmem>>) target_semaphore(%run_scoped3A_72 : memref<!tpu.dma_semaphore, #tpu.memory_space<semaphore_mem>>)
      %dma_wait3A_91 = arith.constant 0 : i32
      %dma_wait3A_92 = arith.constant 0 : i32
      %dma_wait3A_93 = arith.constant 0 : i32
      %dma_wait3A_94 = tpu.memref_slice %arg2[%run_scoped3A, %dma_wait3A_91, %dma_wait3A_92, %dma_wait3A_93] : memref<2x32x5x2000xi32, #tpu.memory_space<hbm>> -> memref<1x32x5x2000xi32, #tpu.memory_space<hbm>>
      %dma_wait3A_95 = tpu.memref_squeeze %dma_wait3A_94 : memref<1x32x5x2000xi32, #tpu.memory_space<hbm>> -> memref<32x5x2000xi32, #tpu.memory_space<hbm>>
      %dma_wait3A_96 = arith.constant 0 : i32
      %dma_wait3A_97 = arith.constant 0 : i32
      %dma_wait3A_98 = tpu.memref_slice %dma_wait3A_95[%add3A, %dma_wait3A_96, %dma_wait3A_97] : memref<32x5x2000xi32, #tpu.memory_space<hbm>> -> memref<1x5x2000xi32, #tpu.memory_space<hbm>>
      %dma_wait3A_99 = tpu.memref_squeeze %dma_wait3A_98 : memref<1x5x2000xi32, #tpu.memory_space<hbm>> -> memref<5x2000xi32, #tpu.memory_space<hbm>>
      %dma_wait3A_100 = arith.constant 0 : i32
      %dma_wait3A_101 = arith.constant 0 : i32
      %dma_wait3A_102 = arith.constant 0 : i32
      %dma_wait3A_103 = tpu.memref_slice %arg2[%run_scoped3A, %dma_wait3A_100, %dma_wait3A_101, %dma_wait3A_102] : memref<2x32x5x2000xi32, #tpu.memory_space<hbm>> -> memref<1x32x5x2000xi32, #tpu.memory_space<hbm>>
      %dma_wait3A_104 = tpu.memref_squeeze %dma_wait3A_103 : memref<1x32x5x2000xi32, #tpu.memory_space<hbm>> -> memref<32x5x2000xi32, #tpu.memory_space<hbm>>
      %dma_wait3A_105 = arith.constant 0 : i32
      %dma_wait3A_106 = arith.constant 0 : i32
      %dma_wait3A_107 = tpu.memref_slice %dma_wait3A_104[%add3A, %dma_wait3A_105, %dma_wait3A_106] : memref<32x5x2000xi32, #tpu.memory_space<hbm>> -> memref<1x5x2000xi32, #tpu.memory_space<hbm>>
      %dma_wait3A_108 = tpu.memref_squeeze %dma_wait3A_107 : memref<1x5x2000xi32, #tpu.memory_space<hbm>> -> memref<5x2000xi32, #tpu.memory_space<hbm>>
      tpu.wait_dma2 semaphore(%run_scoped3A_72 : memref<!tpu.dma_semaphore, #tpu.memory_space<semaphore_mem>>) src(%dma_wait3A_108 : memref<5x2000xi32, #tpu.memory_space<hbm>>) dst(%arg6 : memref<5x2000xi32, #tpu.memory_space<vmem>>)
      tpu.yield
    }) : () -> ()
    %barrier3A = arith.constant 0 : index
    tpu.barrier barrier_id(%barrier3A)
    %dma_start3A = arith.constant 0 : i32
    %dma_start3A_3 = arith.constant 0 : i32
    %dma_start3A_4 = tpu.memref_slice %arg6[%dma_start3A, %dma_start3A_3] : memref<5x2000xi32, #tpu.memory_space<vmem>> -> memref<1x2000xi32, #tpu.memory_space<vmem>>
    %dma_start3A_5 = tpu.memref_squeeze %dma_start3A_4 : memref<1x2000xi32, #tpu.memory_space<vmem>> -> memref<2000xi32, #tpu.memory_space<vmem>>
    %dma_start3A_6 = arith.constant 0 : i32
    %dma_start3A_7 = arith.constant 0 : i32
    %dma_start3A_8 = tpu.memref_slice %arg8[%dma_start3A_6, %dma_start3A_7] : memref<10000x8xf32, #tpu.memory_space<vmem_shared>> -> memref<10000x8xf32, #tpu.memory_space<vmem_shared>>
    tpu.enqueue_indirect_dma source(%arg7 : memref<2000x8xf32, #tpu.memory_space<vmem>>) target(%dma_start3A_8 : memref<10000x8xf32, #tpu.memory_space<vmem_shared>>) offsets(%dma_start3A_5 : memref<2000xi32, #tpu.memory_space<vmem>>) semaphore(%arg9 : memref<!tpu.dma_semaphore, #tpu.memory_space<semaphore_mem>>) {add = true}
    %dma_start3A_9 = arith.constant 1 : i32
    %dma_start3A_10 = arith.constant 0 : i32
    %dma_start3A_11 = tpu.memref_slice %arg6[%dma_start3A_9, %dma_start3A_10] : memref<5x2000xi32, #tpu.memory_space<vmem>> -> memref<1x2000xi32, #tpu.memory_space<vmem>>
    %dma_start3A_12 = tpu.memref_squeeze %dma_start3A_11 : memref<1x2000xi32, #tpu.memory_space<vmem>> -> memref<2000xi32, #tpu.memory_space<vmem>>
    %dma_start3A_13 = arith.constant 0 : i32
    %dma_start3A_14 = arith.constant 0 : i32
    %dma_start3A_15 = tpu.memref_slice %arg8[%dma_start3A_13, %dma_start3A_14] : memref<10000x8xf32, #tpu.memory_space<vmem_shared>> -> memref<10000x8xf32, #tpu.memory_space<vmem_shared>>
    tpu.enqueue_indirect_dma source(%arg7 : memref<2000x8xf32, #tpu.memory_space<vmem>>) target(%dma_start3A_15 : memref<10000x8xf32, #tpu.memory_space<vmem_shared>>) offsets(%dma_start3A_12 : memref<2000xi32, #tpu.memory_space<vmem>>) semaphore(%arg9 : memref<!tpu.dma_semaphore, #tpu.memory_space<semaphore_mem>>) {add = true}
    %dma_start3A_16 = arith.constant 2 : i32
    %dma_start3A_17 = arith.constant 0 : i32
    %dma_start3A_18 = tpu.memref_slice %arg6[%dma_start3A_16, %dma_start3A_17] : memref<5x2000xi32, #tpu.memory_space<vmem>> -> memref<1x2000xi32, #tpu.memory_space<vmem>>
    %dma_start3A_19 = tpu.memref_squeeze %dma_start3A_18 : memref<1x2000xi32, #tpu.memory_space<vmem>> -> memref<2000xi32, #tpu.memory_space<vmem>>
    %dma_start3A_20 = arith.constant 0 : i32
    %dma_start3A_21 = arith.constant 0 : i32
    %dma_start3A_22 = tpu.memref_slice %arg8[%dma_start3A_20, %dma_start3A_21] : memref<10000x8xf32, #tpu.memory_space<vmem_shared>> -> memref<10000x8xf32, #tpu.memory_space<vmem_shared>>
    tpu.enqueue_indirect_dma source(%arg7 : memref<2000x8xf32, #tpu.memory_space<vmem>>) target(%dma_start3A_22 : memref<10000x8xf32, #tpu.memory_space<vmem_shared>>) offsets(%dma_start3A_19 : memref<2000xi32, #tpu.memory_space<vmem>>) semaphore(%arg9 : memref<!tpu.dma_semaphore, #tpu.memory_space<semaphore_mem>>) {add = true}
    %dma_start3A_23 = arith.constant 3 : i32
    %dma_start3A_24 = arith.constant 0 : i32
    %dma_start3A_25 = tpu.memref_slice %arg6[%dma_start3A_23, %dma_start3A_24] : memref<5x2000xi32, #tpu.memory_space<vmem>> -> memref<1x2000xi32, #tpu.memory_space<vmem>>
    %dma_start3A_26 = tpu.memref_squeeze %dma_start3A_25 : memref<1x2000xi32, #tpu.memory_space<vmem>> -> memref<2000xi32, #tpu.memory_space<vmem>>
    %dma_start3A_27 = arith.constant 0 : i32
    %dma_start3A_28 = arith.constant 0 : i32
    %dma_start3A_29 = tpu.memref_slice %arg8[%dma_start3A_27, %dma_start3A_28] : memref<10000x8xf32, #tpu.memory_space<vmem_shared>> -> memref<10000x8xf32, #tpu.memory_space<vmem_shared>>
    tpu.enqueue_indirect_dma source(%arg7 : memref<2000x8xf32, #tpu.memory_space<vmem>>) target(%dma_start3A_29 : memref<10000x8xf32, #tpu.memory_space<vmem_shared>>) offsets(%dma_start3A_26 : memref<2000xi32, #tpu.memory_space<vmem>>) semaphore(%arg9 : memref<!tpu.dma_semaphore, #tpu.memory_space<semaphore_mem>>) {add = true}
    %dma_start3A_30 = arith.constant 4 : i32
    %dma_start3A_31 = arith.constant 0 : i32
    %dma_start3A_32 = tpu.memref_slice %arg6[%dma_start3A_30, %dma_start3A_31] : memref<5x2000xi32, #tpu.memory_space<vmem>> -> memref<1x2000xi32, #tpu.memory_space<vmem>>
    %dma_start3A_33 = tpu.memref_squeeze %dma_start3A_32 : memref<1x2000xi32, #tpu.memory_space<vmem>> -> memref<2000xi32, #tpu.memory_space<vmem>>
    %dma_start3A_34 = arith.constant 0 : i32
    %dma_start3A_35 = arith.constant 0 : i32
    %dma_start3A_36 = tpu.memref_slice %arg8[%dma_start3A_34, %dma_start3A_35] : memref<10000x8xf32, #tpu.memory_space<vmem_shared>> -> memref<10000x8xf32, #tpu.memory_space<vmem_shared>>
    tpu.enqueue_indirect_dma source(%arg7 : memref<2000x8xf32, #tpu.memory_space<vmem>>) target(%dma_start3A_36 : memref<10000x8xf32, #tpu.memory_space<vmem_shared>>) offsets(%dma_start3A_33 : memref<2000xi32, #tpu.memory_space<vmem>>) semaphore(%arg9 : memref<!tpu.dma_semaphore, #tpu.memory_space<semaphore_mem>>) {add = true}
    %dma_wait3A = arith.constant 0 : i32
    %dma_wait3A_37 = arith.constant 0 : i32
    %dma_wait3A_38 = tpu.memref_slice %arg6[%dma_wait3A, %dma_wait3A_37] : memref<5x2000xi32, #tpu.memory_space<vmem>> -> memref<1x2000xi32, #tpu.memory_space<vmem>>
    %dma_wait3A_39 = tpu.memref_squeeze %dma_wait3A_38 : memref<1x2000xi32, #tpu.memory_space<vmem>> -> memref<2000xi32, #tpu.memory_space<vmem>>
    %dma_wait3A_40 = arith.constant 0 : i32
    %dma_wait3A_41 = arith.constant 0 : i32
    %dma_wait3A_42 = tpu.memref_slice %arg8[%dma_wait3A_40, %dma_wait3A_41] : memref<10000x8xf32, #tpu.memory_space<vmem_shared>> -> memref<10000x8xf32, #tpu.memory_space<vmem_shared>>
    tpu.wait_indirect_dma semaphore(%arg9 : memref<!tpu.dma_semaphore, #tpu.memory_space<semaphore_mem>>) src(%arg7 : memref<2000x8xf32, #tpu.memory_space<vmem>>) dst(%dma_wait3A_42 : memref<10000x8xf32, #tpu.memory_space<vmem_shared>>)
    %dma_wait3A_43 = arith.constant 1 : i32
    %dma_wait3A_44 = arith.constant 0 : i32
    %dma_wait3A_45 = tpu.memref_slice %arg6[%dma_wait3A_43, %dma_wait3A_44] : memref<5x2000xi32, #tpu.memory_space<vmem>> -> memref<1x2000xi32, #tpu.memory_space<vmem>>
    %dma_wait3A_46 = tpu.memref_squeeze %dma_wait3A_45 : memref<1x2000xi32, #tpu.memory_space<vmem>> -> memref<2000xi32, #tpu.memory_space<vmem>>
    %dma_wait3A_47 = arith.constant 0 : i32
    %dma_wait3A_48 = arith.constant 0 : i32
    %dma_wait3A_49 = tpu.memref_slice %arg8[%dma_wait3A_47, %dma_wait3A_48] : memref<10000x8xf32, #tpu.memory_space<vmem_shared>> -> memref<10000x8xf32, #tpu.memory_space<vmem_shared>>
    tpu.wait_indirect_dma semaphore(%arg9 : memref<!tpu.dma_semaphore, #tpu.memory_space<semaphore_mem>>) src(%arg7 : memref<2000x8xf32, #tpu.memory_space<vmem>>) dst(%dma_wait3A_49 : memref<10000x8xf32, #tpu.memory_space<vmem_shared>>)
    %dma_wait3A_50 = arith.constant 2 : i32
    %dma_wait3A_51 = arith.constant 0 : i32
    %dma_wait3A_52 = tpu.memref_slice %arg6[%dma_wait3A_50, %dma_wait3A_51] : memref<5x2000xi32, #tpu.memory_space<vmem>> -> memref<1x2000xi32, #tpu.memory_space<vmem>>
    %dma_wait3A_53 = tpu.memref_squeeze %dma_wait3A_52 : memref<1x2000xi32, #tpu.memory_space<vmem>> -> memref<2000xi32, #tpu.memory_space<vmem>>
    %dma_wait3A_54 = arith.constant 0 : i32
    %dma_wait3A_55 = arith.constant 0 : i32
    %dma_wait3A_56 = tpu.memref_slice %arg8[%dma_wait3A_54, %dma_wait3A_55] : memref<10000x8xf32, #tpu.memory_space<vmem_shared>> -> memref<10000x8xf32, #tpu.memory_space<vmem_shared>>
    tpu.wait_indirect_dma semaphore(%arg9 : memref<!tpu.dma_semaphore, #tpu.memory_space<semaphore_mem>>) src(%arg7 : memref<2000x8xf32, #tpu.memory_space<vmem>>) dst(%dma_wait3A_56 : memref<10000x8xf32, #tpu.memory_space<vmem_shared>>)
    %dma_wait3A_57 = arith.constant 3 : i32
    %dma_wait3A_58 = arith.constant 0 : i32
    %dma_wait3A_59 = tpu.memref_slice %arg6[%dma_wait3A_57, %dma_wait3A_58] : memref<5x2000xi32, #tpu.memory_space<vmem>> -> memref<1x2000xi32, #tpu.memory_space<vmem>>
    %dma_wait3A_60 = tpu.memref_squeeze %dma_wait3A_59 : memref<1x2000xi32, #tpu.memory_space<vmem>> -> memref<2000xi32, #tpu.memory_space<vmem>>
    %dma_wait3A_61 = arith.constant 0 : i32
    %dma_wait3A_62 = arith.constant 0 : i32
    %dma_wait3A_63 = tpu.memref_slice %arg8[%dma_wait3A_61, %dma_wait3A_62] : memref<10000x8xf32, #tpu.memory_space<vmem_shared>> -> memref<10000x8xf32, #tpu.memory_space<vmem_shared>>
    tpu.wait_indirect_dma semaphore(%arg9 : memref<!tpu.dma_semaphore, #tpu.memory_space<semaphore_mem>>) src(%arg7 : memref<2000x8xf32, #tpu.memory_space<vmem>>) dst(%dma_wait3A_63 : memref<10000x8xf32, #tpu.memory_space<vmem_shared>>)
    %dma_wait3A_64 = arith.constant 4 : i32
    %dma_wait3A_65 = arith.constant 0 : i32
    %dma_wait3A_66 = tpu.memref_slice %arg6[%dma_wait3A_64, %dma_wait3A_65] : memref<5x2000xi32, #tpu.memory_space<vmem>> -> memref<1x2000xi32, #tpu.memory_space<vmem>>
    %dma_wait3A_67 = tpu.memref_squeeze %dma_wait3A_66 : memref<1x2000xi32, #tpu.memory_space<vmem>> -> memref<2000xi32, #tpu.memory_space<vmem>>
    %dma_wait3A_68 = arith.constant 0 : i32
    %dma_wait3A_69 = arith.constant 0 : i32
    %dma_wait3A_70 = tpu.memref_slice %arg8[%dma_wait3A_68, %dma_wait3A_69] : memref<10000x8xf32, #tpu.memory_space<vmem_shared>> -> memref<10000x8xf32, #tpu.memory_space<vmem_shared>>
    tpu.wait_indirect_dma semaphore(%arg9 : memref<!tpu.dma_semaphore, #tpu.memory_space<semaphore_mem>>) src(%arg7 : memref<2000x8xf32, #tpu.memory_space<vmem>>) dst(%dma_wait3A_70 : memref<10000x8xf32, #tpu.memory_space<vmem_shared>>)
    %barrier3A_71 = arith.constant 0 : index
    tpu.barrier barrier_id(%barrier3A_71)
    "tpu.region"() ({
      %run_scoped3A_72 = tpu.sem_alloc : memref<!tpu.dma_semaphore, #tpu.memory_space<semaphore_mem>>
      %dma_start3A_73 = arith.constant 0 : i32
      %dma_start3A_74 = arith.constant 0 : i32
      %dma_start3A_75 = tpu.memref_slice %arg5[%arg0, %dma_start3A_73, %dma_start3A_74] : memref<2x10000x8xf32, #tpu.memory_space<hbm>> -> memref<1x10000x8xf32, #tpu.memory_space<hbm>>
      %dma_start3A_76 = tpu.memref_squeeze %dma_start3A_75 : memref<1x10000x8xf32, #tpu.memory_space<hbm>> -> memref<10000x8xf32, #tpu.memory_space<hbm>>
      %dma_start3A_77 = arith.constant 0 : i32
      %dma_start3A_78 = tpu.memref_slice %dma_start3A_76[%mul3A_2, %dma_start3A_77] : memref<10000x8xf32, #tpu.memory_space<hbm>> -> memref<625x8xf32, #tpu.memory_space<hbm>>
      %dma_start3A_79 = arith.constant 0 : i32
      %dma_start3A_80 = tpu.memref_slice %arg8[%mul3A_2, %dma_start3A_79] : memref<10000x8xf32, #tpu.memory_space<vmem_shared>> -> memref<625x8xf32, #tpu.memory_space<vmem_shared>>
      tpu.enqueue_dma source(%dma_start3A_80 : memref<625x8xf32, #tpu.memory_space<vmem_shared>>) target(%dma_start3A_78 : memref<625x8xf32, #tpu.memory_space<hbm>>) target_semaphore(%run_scoped3A_72 : memref<!tpu.dma_semaphore, #tpu.memory_space<semaphore_mem>>)
      %dma_wait3A_81 = arith.constant 0 : i32
      %dma_wait3A_82 = arith.constant 0 : i32
      %dma_wait3A_83 = tpu.memref_slice %arg5[%arg0, %dma_wait3A_81, %dma_wait3A_82] : memref<2x10000x8xf32, #tpu.memory_space<hbm>> -> memref<1x10000x8xf32, #tpu.memory_space<hbm>>
      %dma_wait3A_84 = tpu.memref_squeeze %dma_wait3A_83 : memref<1x10000x8xf32, #tpu.memory_space<hbm>> -> memref<10000x8xf32, #tpu.memory_space<hbm>>
      %dma_wait3A_85 = arith.constant 0 : i32
      %dma_wait3A_86 = tpu.memref_slice %dma_wait3A_84[%mul3A_2, %dma_wait3A_85] : memref<10000x8xf32, #tpu.memory_space<hbm>> -> memref<625x8xf32, #tpu.memory_space<hbm>>
      %dma_wait3A_87 = arith.constant 0 : i32
      %dma_wait3A_88 = tpu.memref_slice %arg8[%mul3A_2, %dma_wait3A_87] : memref<10000x8xf32, #tpu.memory_space<vmem_shared>> -> memref<625x8xf32, #tpu.memory_space<vmem_shared>>
      tpu.wait_dma2 semaphore(%run_scoped3A_72 : memref<!tpu.dma_semaphore, #tpu.memory_space<semaphore_mem>>) src(%dma_wait3A_88 : memref<625x8xf32, #tpu.memory_space<vmem_shared>>) dst(%dma_wait3A_86 : memref<625x8xf32, #tpu.memory_space<hbm>>)
      tpu.yield
    }) : () -> ()
    return
  }
}

#map = affine_map<(d0, d1) -> (0, 0, 0, 0)>
#map1 = affine_map<(d0, d1) -> (0, 0)>
#map2 = affine_map<(d0, d1) -> (0, 0, 0)>
module attributes {stable_mosaic.version = 14 : i64} {
  func.func @_scat_kernel(%arg0: i32, %arg1: i32, %arg2: memref<2x32x10x1000xi32, #tpu.memory_space<hbm>>, %arg3: memref<10000x8xf32, #tpu.memory_space<hbm>>, %arg4: memref<10000x8xf32, #tpu.memory_space<hbm>>, %arg5: memref<2x10000x8xf32, #tpu.memory_space<hbm>>, %arg6: memref<10x1000xi32, #tpu.memory_space<vmem>>, %arg7: memref<10x1000xi32, #tpu.memory_space<vmem>>, %arg8: memref<2x1000x8xf32, #tpu.memory_space<vmem>>, %arg9: memref<10000x8xf32, #tpu.memory_space<vmem_shared>>, %arg10: memref<10000x8xf32, #tpu.memory_space<vmem_shared>>, %arg11: memref<!tpu.dma_semaphore, #tpu.memory_space<semaphore_mem>>, %arg12: memref<!tpu.dma_semaphore, #tpu.memory_space<semaphore_mem>>, %arg13: memref<!tpu.dma_semaphore, #tpu.memory_space<semaphore_mem>>, %arg14: memref<!tpu.dma_semaphore, #tpu.memory_space<semaphore_mem>>) attributes {dimension_semantics = [#tpu.dimension_semantics<core_parallel>, #tpu.dimension_semantics<subcore_parallel>], iteration_bounds = array<i64: 2, 16>, scalar_prefetch = 0 : i64, scratch_operands = 9 : i64, tpu.core_type = #tpu.core_type<sc_vector_subcore>, window_params = [{transform_indices = #map}, {transform_indices = #map1}, {transform_indices = #map1}, {transform_indices = #map2}]} {
    %mul3A = arith.constant 2 : i32
    %mul3A_0 = arith.muli %arg1, %mul3A : i32
    %add3A = arith.addi %mul3A_0, %arg0 : i32
    %mul3A_1 = arith.constant 625 : i32
    %mul3A_2 = arith.muli %arg1, %mul3A_1 : i32
    "tpu.region"() ({
      %run_scoped3A_483 = tpu.sem_alloc : memref<!tpu.dma_semaphore, #tpu.memory_space<semaphore_mem>>
      %dma_start3A_484 = arith.constant 0 : i32
      %dma_start3A_485 = tpu.memref_slice %arg10[%mul3A_2, %dma_start3A_484] : memref<10000x8xf32, #tpu.memory_space<vmem_shared>> -> memref<625x8xf32, #tpu.memory_space<vmem_shared>>
      %dma_start3A_486 = arith.constant 0 : i32
      %dma_start3A_487 = tpu.memref_slice %arg4[%mul3A_2, %dma_start3A_486] : memref<10000x8xf32, #tpu.memory_space<hbm>> -> memref<625x8xf32, #tpu.memory_space<hbm>>
      tpu.enqueue_dma source(%dma_start3A_487 : memref<625x8xf32, #tpu.memory_space<hbm>>) target(%dma_start3A_485 : memref<625x8xf32, #tpu.memory_space<vmem_shared>>) target_semaphore(%run_scoped3A_483 : memref<!tpu.dma_semaphore, #tpu.memory_space<semaphore_mem>>)
      %dma_wait3A_488 = arith.constant 0 : i32
      %dma_wait3A_489 = tpu.memref_slice %arg10[%mul3A_2, %dma_wait3A_488] : memref<10000x8xf32, #tpu.memory_space<vmem_shared>> -> memref<625x8xf32, #tpu.memory_space<vmem_shared>>
      %dma_wait3A_490 = arith.constant 0 : i32
      %dma_wait3A_491 = tpu.memref_slice %arg4[%mul3A_2, %dma_wait3A_490] : memref<10000x8xf32, #tpu.memory_space<hbm>> -> memref<625x8xf32, #tpu.memory_space<hbm>>
      tpu.wait_dma2 semaphore(%run_scoped3A_483 : memref<!tpu.dma_semaphore, #tpu.memory_space<semaphore_mem>>) src(%dma_wait3A_491 : memref<625x8xf32, #tpu.memory_space<hbm>>) dst(%dma_wait3A_489 : memref<625x8xf32, #tpu.memory_space<vmem_shared>>)
      tpu.yield
    }) : () -> ()
    "tpu.region"() ({
      %run_scoped3A_483 = tpu.sem_alloc : memref<!tpu.dma_semaphore, #tpu.memory_space<semaphore_mem>>
      %dma_start3A_484 = arith.constant 0 : i32
      %dma_start3A_485 = tpu.memref_slice %arg9[%mul3A_2, %dma_start3A_484] : memref<10000x8xf32, #tpu.memory_space<vmem_shared>> -> memref<625x8xf32, #tpu.memory_space<vmem_shared>>
      %dma_start3A_486 = arith.constant 0 : i32
      %dma_start3A_487 = tpu.memref_slice %arg3[%mul3A_2, %dma_start3A_486] : memref<10000x8xf32, #tpu.memory_space<hbm>> -> memref<625x8xf32, #tpu.memory_space<hbm>>
      tpu.enqueue_dma source(%dma_start3A_487 : memref<625x8xf32, #tpu.memory_space<hbm>>) target(%dma_start3A_485 : memref<625x8xf32, #tpu.memory_space<vmem_shared>>) target_semaphore(%run_scoped3A_483 : memref<!tpu.dma_semaphore, #tpu.memory_space<semaphore_mem>>)
      %dma_wait3A_488 = arith.constant 0 : i32
      %dma_wait3A_489 = tpu.memref_slice %arg9[%mul3A_2, %dma_wait3A_488] : memref<10000x8xf32, #tpu.memory_space<vmem_shared>> -> memref<625x8xf32, #tpu.memory_space<vmem_shared>>
      %dma_wait3A_490 = arith.constant 0 : i32
      %dma_wait3A_491 = tpu.memref_slice %arg3[%mul3A_2, %dma_wait3A_490] : memref<10000x8xf32, #tpu.memory_space<hbm>> -> memref<625x8xf32, #tpu.memory_space<hbm>>
      tpu.wait_dma2 semaphore(%run_scoped3A_483 : memref<!tpu.dma_semaphore, #tpu.memory_space<semaphore_mem>>) src(%dma_wait3A_491 : memref<625x8xf32, #tpu.memory_space<hbm>>) dst(%dma_wait3A_489 : memref<625x8xf32, #tpu.memory_space<vmem_shared>>)
      tpu.yield
    }) : () -> ()
    %run_scoped3A = arith.constant 0 : i32
    "tpu.region"() ({
      %run_scoped3A_483 = tpu.sem_alloc : memref<!tpu.dma_semaphore, #tpu.memory_space<semaphore_mem>>
      %dma_start3A_484 = arith.constant 0 : i32
      %dma_start3A_485 = arith.constant 0 : i32
      %dma_start3A_486 = arith.constant 0 : i32
      %dma_start3A_487 = tpu.memref_slice %arg2[%run_scoped3A, %dma_start3A_484, %dma_start3A_485, %dma_start3A_486] : memref<2x32x10x1000xi32, #tpu.memory_space<hbm>> -> memref<1x32x10x1000xi32, #tpu.memory_space<hbm>>
      %dma_start3A_488 = tpu.memref_squeeze %dma_start3A_487 : memref<1x32x10x1000xi32, #tpu.memory_space<hbm>> -> memref<32x10x1000xi32, #tpu.memory_space<hbm>>
      %dma_start3A_489 = arith.constant 0 : i32
      %dma_start3A_490 = arith.constant 0 : i32
      %dma_start3A_491 = tpu.memref_slice %dma_start3A_488[%add3A, %dma_start3A_489, %dma_start3A_490] : memref<32x10x1000xi32, #tpu.memory_space<hbm>> -> memref<1x10x1000xi32, #tpu.memory_space<hbm>>
      %dma_start3A_492 = tpu.memref_squeeze %dma_start3A_491 : memref<1x10x1000xi32, #tpu.memory_space<hbm>> -> memref<10x1000xi32, #tpu.memory_space<hbm>>
      %dma_start3A_493 = arith.constant 0 : i32
      %dma_start3A_494 = arith.constant 0 : i32
      %dma_start3A_495 = arith.constant 0 : i32
      %dma_start3A_496 = tpu.memref_slice %arg2[%run_scoped3A, %dma_start3A_493, %dma_start3A_494, %dma_start3A_495] : memref<2x32x10x1000xi32, #tpu.memory_space<hbm>> -> memref<1x32x10x1000xi32, #tpu.memory_space<hbm>>
      %dma_start3A_497 = tpu.memref_squeeze %dma_start3A_496 : memref<1x32x10x1000xi32, #tpu.memory_space<hbm>> -> memref<32x10x1000xi32, #tpu.memory_space<hbm>>
      %dma_start3A_498 = arith.constant 0 : i32
      %dma_start3A_499 = arith.constant 0 : i32
      %dma_start3A_500 = tpu.memref_slice %dma_start3A_497[%add3A, %dma_start3A_498, %dma_start3A_499] : memref<32x10x1000xi32, #tpu.memory_space<hbm>> -> memref<1x10x1000xi32, #tpu.memory_space<hbm>>
      %dma_start3A_501 = tpu.memref_squeeze %dma_start3A_500 : memref<1x10x1000xi32, #tpu.memory_space<hbm>> -> memref<10x1000xi32, #tpu.memory_space<hbm>>
      tpu.enqueue_dma source(%dma_start3A_501 : memref<10x1000xi32, #tpu.memory_space<hbm>>) target(%arg6 : memref<10x1000xi32, #tpu.memory_space<vmem>>) target_semaphore(%run_scoped3A_483 : memref<!tpu.dma_semaphore, #tpu.memory_space<semaphore_mem>>)
      %dma_wait3A_502 = arith.constant 0 : i32
      %dma_wait3A_503 = arith.constant 0 : i32
      %dma_wait3A_504 = arith.constant 0 : i32
      %dma_wait3A_505 = tpu.memref_slice %arg2[%run_scoped3A, %dma_wait3A_502, %dma_wait3A_503, %dma_wait3A_504] : memref<2x32x10x1000xi32, #tpu.memory_space<hbm>> -> memref<1x32x10x1000xi32, #tpu.memory_space<hbm>>
      %dma_wait3A_506 = tpu.memref_squeeze %dma_wait3A_505 : memref<1x32x10x1000xi32, #tpu.memory_space<hbm>> -> memref<32x10x1000xi32, #tpu.memory_space<hbm>>
      %dma_wait3A_507 = arith.constant 0 : i32
      %dma_wait3A_508 = arith.constant 0 : i32
      %dma_wait3A_509 = tpu.memref_slice %dma_wait3A_506[%add3A, %dma_wait3A_507, %dma_wait3A_508] : memref<32x10x1000xi32, #tpu.memory_space<hbm>> -> memref<1x10x1000xi32, #tpu.memory_space<hbm>>
      %dma_wait3A_510 = tpu.memref_squeeze %dma_wait3A_509 : memref<1x10x1000xi32, #tpu.memory_space<hbm>> -> memref<10x1000xi32, #tpu.memory_space<hbm>>
      %dma_wait3A_511 = arith.constant 0 : i32
      %dma_wait3A_512 = arith.constant 0 : i32
      %dma_wait3A_513 = arith.constant 0 : i32
      %dma_wait3A_514 = tpu.memref_slice %arg2[%run_scoped3A, %dma_wait3A_511, %dma_wait3A_512, %dma_wait3A_513] : memref<2x32x10x1000xi32, #tpu.memory_space<hbm>> -> memref<1x32x10x1000xi32, #tpu.memory_space<hbm>>
      %dma_wait3A_515 = tpu.memref_squeeze %dma_wait3A_514 : memref<1x32x10x1000xi32, #tpu.memory_space<hbm>> -> memref<32x10x1000xi32, #tpu.memory_space<hbm>>
      %dma_wait3A_516 = arith.constant 0 : i32
      %dma_wait3A_517 = arith.constant 0 : i32
      %dma_wait3A_518 = tpu.memref_slice %dma_wait3A_515[%add3A, %dma_wait3A_516, %dma_wait3A_517] : memref<32x10x1000xi32, #tpu.memory_space<hbm>> -> memref<1x10x1000xi32, #tpu.memory_space<hbm>>
      %dma_wait3A_519 = tpu.memref_squeeze %dma_wait3A_518 : memref<1x10x1000xi32, #tpu.memory_space<hbm>> -> memref<10x1000xi32, #tpu.memory_space<hbm>>
      tpu.wait_dma2 semaphore(%run_scoped3A_483 : memref<!tpu.dma_semaphore, #tpu.memory_space<semaphore_mem>>) src(%dma_wait3A_519 : memref<10x1000xi32, #tpu.memory_space<hbm>>) dst(%arg6 : memref<10x1000xi32, #tpu.memory_space<vmem>>)
      tpu.yield
    }) : () -> ()
    %run_scoped3A_3 = arith.constant 1 : i32
    "tpu.region"() ({
      %run_scoped3A_483 = tpu.sem_alloc : memref<!tpu.dma_semaphore, #tpu.memory_space<semaphore_mem>>
      %dma_start3A_484 = arith.constant 0 : i32
      %dma_start3A_485 = arith.constant 0 : i32
      %dma_start3A_486 = arith.constant 0 : i32
      %dma_start3A_487 = tpu.memref_slice %arg2[%run_scoped3A_3, %dma_start3A_484, %dma_start3A_485, %dma_start3A_486] : memref<2x32x10x1000xi32, #tpu.memory_space<hbm>> -> memref<1x32x10x1000xi32, #tpu.memory_space<hbm>>
      %dma_start3A_488 = tpu.memref_squeeze %dma_start3A_487 : memref<1x32x10x1000xi32, #tpu.memory_space<hbm>> -> memref<32x10x1000xi32, #tpu.memory_space<hbm>>
      %dma_start3A_489 = arith.constant 0 : i32
      %dma_start3A_490 = arith.constant 0 : i32
      %dma_start3A_491 = tpu.memref_slice %dma_start3A_488[%add3A, %dma_start3A_489, %dma_start3A_490] : memref<32x10x1000xi32, #tpu.memory_space<hbm>> -> memref<1x10x1000xi32, #tpu.memory_space<hbm>>
      %dma_start3A_492 = tpu.memref_squeeze %dma_start3A_491 : memref<1x10x1000xi32, #tpu.memory_space<hbm>> -> memref<10x1000xi32, #tpu.memory_space<hbm>>
      %dma_start3A_493 = arith.constant 0 : i32
      %dma_start3A_494 = arith.constant 0 : i32
      %dma_start3A_495 = arith.constant 0 : i32
      %dma_start3A_496 = tpu.memref_slice %arg2[%run_scoped3A_3, %dma_start3A_493, %dma_start3A_494, %dma_start3A_495] : memref<2x32x10x1000xi32, #tpu.memory_space<hbm>> -> memref<1x32x10x1000xi32, #tpu.memory_space<hbm>>
      %dma_start3A_497 = tpu.memref_squeeze %dma_start3A_496 : memref<1x32x10x1000xi32, #tpu.memory_space<hbm>> -> memref<32x10x1000xi32, #tpu.memory_space<hbm>>
      %dma_start3A_498 = arith.constant 0 : i32
      %dma_start3A_499 = arith.constant 0 : i32
      %dma_start3A_500 = tpu.memref_slice %dma_start3A_497[%add3A, %dma_start3A_498, %dma_start3A_499] : memref<32x10x1000xi32, #tpu.memory_space<hbm>> -> memref<1x10x1000xi32, #tpu.memory_space<hbm>>
      %dma_start3A_501 = tpu.memref_squeeze %dma_start3A_500 : memref<1x10x1000xi32, #tpu.memory_space<hbm>> -> memref<10x1000xi32, #tpu.memory_space<hbm>>
      tpu.enqueue_dma source(%dma_start3A_501 : memref<10x1000xi32, #tpu.memory_space<hbm>>) target(%arg7 : memref<10x1000xi32, #tpu.memory_space<vmem>>) target_semaphore(%run_scoped3A_483 : memref<!tpu.dma_semaphore, #tpu.memory_space<semaphore_mem>>)
      %dma_wait3A_502 = arith.constant 0 : i32
      %dma_wait3A_503 = arith.constant 0 : i32
      %dma_wait3A_504 = arith.constant 0 : i32
      %dma_wait3A_505 = tpu.memref_slice %arg2[%run_scoped3A_3, %dma_wait3A_502, %dma_wait3A_503, %dma_wait3A_504] : memref<2x32x10x1000xi32, #tpu.memory_space<hbm>> -> memref<1x32x10x1000xi32, #tpu.memory_space<hbm>>
      %dma_wait3A_506 = tpu.memref_squeeze %dma_wait3A_505 : memref<1x32x10x1000xi32, #tpu.memory_space<hbm>> -> memref<32x10x1000xi32, #tpu.memory_space<hbm>>
      %dma_wait3A_507 = arith.constant 0 : i32
      %dma_wait3A_508 = arith.constant 0 : i32
      %dma_wait3A_509 = tpu.memref_slice %dma_wait3A_506[%add3A, %dma_wait3A_507, %dma_wait3A_508] : memref<32x10x1000xi32, #tpu.memory_space<hbm>> -> memref<1x10x1000xi32, #tpu.memory_space<hbm>>
      %dma_wait3A_510 = tpu.memref_squeeze %dma_wait3A_509 : memref<1x10x1000xi32, #tpu.memory_space<hbm>> -> memref<10x1000xi32, #tpu.memory_space<hbm>>
      %dma_wait3A_511 = arith.constant 0 : i32
      %dma_wait3A_512 = arith.constant 0 : i32
      %dma_wait3A_513 = arith.constant 0 : i32
      %dma_wait3A_514 = tpu.memref_slice %arg2[%run_scoped3A_3, %dma_wait3A_511, %dma_wait3A_512, %dma_wait3A_513] : memref<2x32x10x1000xi32, #tpu.memory_space<hbm>> -> memref<1x32x10x1000xi32, #tpu.memory_space<hbm>>
      %dma_wait3A_515 = tpu.memref_squeeze %dma_wait3A_514 : memref<1x32x10x1000xi32, #tpu.memory_space<hbm>> -> memref<32x10x1000xi32, #tpu.memory_space<hbm>>
      %dma_wait3A_516 = arith.constant 0 : i32
      %dma_wait3A_517 = arith.constant 0 : i32
      %dma_wait3A_518 = tpu.memref_slice %dma_wait3A_515[%add3A, %dma_wait3A_516, %dma_wait3A_517] : memref<32x10x1000xi32, #tpu.memory_space<hbm>> -> memref<1x10x1000xi32, #tpu.memory_space<hbm>>
      %dma_wait3A_519 = tpu.memref_squeeze %dma_wait3A_518 : memref<1x10x1000xi32, #tpu.memory_space<hbm>> -> memref<10x1000xi32, #tpu.memory_space<hbm>>
      tpu.wait_dma2 semaphore(%run_scoped3A_483 : memref<!tpu.dma_semaphore, #tpu.memory_space<semaphore_mem>>) src(%dma_wait3A_519 : memref<10x1000xi32, #tpu.memory_space<hbm>>) dst(%arg7 : memref<10x1000xi32, #tpu.memory_space<vmem>>)
      tpu.yield
    }) : () -> ()
    %barrier3A = arith.constant 0 : index
    tpu.barrier barrier_id(%barrier3A)
    %dma_start3A = arith.constant 0 : i32
    %dma_start3A_4 = arith.constant 0 : i32
    %dma_start3A_5 = arith.constant 0 : i32
    %dma_start3A_6 = arith.constant 0 : i32
    %dma_start3A_7 = tpu.memref_slice %arg8[%dma_start3A_4, %dma_start3A_5, %dma_start3A_6] : memref<2x1000x8xf32, #tpu.memory_space<vmem>> -> memref<1x1000x8xf32, #tpu.memory_space<vmem>>
    %dma_start3A_8 = tpu.memref_squeeze %dma_start3A_7 : memref<1x1000x8xf32, #tpu.memory_space<vmem>> -> memref<1000x8xf32, #tpu.memory_space<vmem>>
    %dma_start3A_9 = arith.constant 0 : i32
    %dma_start3A_10 = tpu.memref_slice %arg6[%dma_start3A, %dma_start3A_9] : memref<10x1000xi32, #tpu.memory_space<vmem>> -> memref<1x1000xi32, #tpu.memory_space<vmem>>
    %dma_start3A_11 = tpu.memref_squeeze %dma_start3A_10 : memref<1x1000xi32, #tpu.memory_space<vmem>> -> memref<1000xi32, #tpu.memory_space<vmem>>
    %dma_start3A_12 = arith.constant 0 : i32
    %dma_start3A_13 = arith.constant 0 : i32
    %dma_start3A_14 = tpu.memref_slice %arg9[%dma_start3A_12, %dma_start3A_13] : memref<10000x8xf32, #tpu.memory_space<vmem_shared>> -> memref<10000x8xf32, #tpu.memory_space<vmem_shared>>
    tpu.enqueue_indirect_dma source(%dma_start3A_14 : memref<10000x8xf32, #tpu.memory_space<vmem_shared>>) target(%dma_start3A_8 : memref<1000x8xf32, #tpu.memory_space<vmem>>) offsets(%dma_start3A_11 : memref<1000xi32, #tpu.memory_space<vmem>>) semaphore(%arg11 : memref<!tpu.dma_semaphore, #tpu.memory_space<semaphore_mem>>)
    %dma_wait3A = arith.constant 0 : i32
    %dma_wait3A_15 = arith.constant 0 : i32
    %dma_wait3A_16 = arith.constant 0 : i32
    %dma_wait3A_17 = arith.constant 0 : i32
    %dma_wait3A_18 = tpu.memref_slice %arg8[%dma_wait3A_15, %dma_wait3A_16, %dma_wait3A_17] : memref<2x1000x8xf32, #tpu.memory_space<vmem>> -> memref<1x1000x8xf32, #tpu.memory_space<vmem>>
    %dma_wait3A_19 = tpu.memref_squeeze %dma_wait3A_18 : memref<1x1000x8xf32, #tpu.memory_space<vmem>> -> memref<1000x8xf32, #tpu.memory_space<vmem>>
    %dma_wait3A_20 = arith.constant 0 : i32
    %dma_wait3A_21 = tpu.memref_slice %arg6[%dma_wait3A, %dma_wait3A_20] : memref<10x1000xi32, #tpu.memory_space<vmem>> -> memref<1x1000xi32, #tpu.memory_space<vmem>>
    %dma_wait3A_22 = tpu.memref_squeeze %dma_wait3A_21 : memref<1x1000xi32, #tpu.memory_space<vmem>> -> memref<1000xi32, #tpu.memory_space<vmem>>
    %dma_wait3A_23 = arith.constant 0 : i32
    %dma_wait3A_24 = arith.constant 0 : i32
    %dma_wait3A_25 = tpu.memref_slice %arg9[%dma_wait3A_23, %dma_wait3A_24] : memref<10000x8xf32, #tpu.memory_space<vmem_shared>> -> memref<10000x8xf32, #tpu.memory_space<vmem_shared>>
    tpu.wait_indirect_dma semaphore(%arg11 : memref<!tpu.dma_semaphore, #tpu.memory_space<semaphore_mem>>) src(%dma_wait3A_25 : memref<10000x8xf32, #tpu.memory_space<vmem_shared>>) dst(%dma_wait3A_19 : memref<1000x8xf32, #tpu.memory_space<vmem>>)
    %dma_start3A_26 = arith.constant 0 : i32
    %dma_start3A_27 = arith.constant 0 : i32
    %dma_start3A_28 = arith.constant 0 : i32
    %dma_start3A_29 = arith.constant 0 : i32
    %dma_start3A_30 = tpu.memref_slice %arg8[%dma_start3A_26, %dma_start3A_28, %dma_start3A_29] : memref<2x1000x8xf32, #tpu.memory_space<vmem>> -> memref<1x1000x8xf32, #tpu.memory_space<vmem>>
    %dma_start3A_31 = tpu.memref_squeeze %dma_start3A_30 : memref<1x1000x8xf32, #tpu.memory_space<vmem>> -> memref<1000x8xf32, #tpu.memory_space<vmem>>
    %dma_start3A_32 = arith.constant 0 : i32
    %dma_start3A_33 = tpu.memref_slice %arg7[%dma_start3A_27, %dma_start3A_32] : memref<10x1000xi32, #tpu.memory_space<vmem>> -> memref<1x1000xi32, #tpu.memory_space<vmem>>
    %dma_start3A_34 = tpu.memref_squeeze %dma_start3A_33 : memref<1x1000xi32, #tpu.memory_space<vmem>> -> memref<1000xi32, #tpu.memory_space<vmem>>
    %dma_start3A_35 = arith.constant 0 : i32
    %dma_start3A_36 = arith.constant 0 : i32
    %dma_start3A_37 = tpu.memref_slice %arg10[%dma_start3A_35, %dma_start3A_36] : memref<10000x8xf32, #tpu.memory_space<vmem_shared>> -> memref<10000x8xf32, #tpu.memory_space<vmem_shared>>
    tpu.enqueue_indirect_dma source(%dma_start3A_31 : memref<1000x8xf32, #tpu.memory_space<vmem>>) target(%dma_start3A_37 : memref<10000x8xf32, #tpu.memory_space<vmem_shared>>) offsets(%dma_start3A_34 : memref<1000xi32, #tpu.memory_space<vmem>>) semaphore(%arg13 : memref<!tpu.dma_semaphore, #tpu.memory_space<semaphore_mem>>) {add = true}
    %dma_start3A_38 = arith.constant 1 : i32
    %dma_start3A_39 = arith.constant 1 : i32
    %dma_start3A_40 = arith.constant 0 : i32
    %dma_start3A_41 = arith.constant 0 : i32
    %dma_start3A_42 = tpu.memref_slice %arg8[%dma_start3A_39, %dma_start3A_40, %dma_start3A_41] : memref<2x1000x8xf32, #tpu.memory_space<vmem>> -> memref<1x1000x8xf32, #tpu.memory_space<vmem>>
    %dma_start3A_43 = tpu.memref_squeeze %dma_start3A_42 : memref<1x1000x8xf32, #tpu.memory_space<vmem>> -> memref<1000x8xf32, #tpu.memory_space<vmem>>
    %dma_start3A_44 = arith.constant 0 : i32
    %dma_start3A_45 = tpu.memref_slice %arg6[%dma_start3A_38, %dma_start3A_44] : memref<10x1000xi32, #tpu.memory_space<vmem>> -> memref<1x1000xi32, #tpu.memory_space<vmem>>
    %dma_start3A_46 = tpu.memref_squeeze %dma_start3A_45 : memref<1x1000xi32, #tpu.memory_space<vmem>> -> memref<1000xi32, #tpu.memory_space<vmem>>
    %dma_start3A_47 = arith.constant 0 : i32
    %dma_start3A_48 = arith.constant 0 : i32
    %dma_start3A_49 = tpu.memref_slice %arg9[%dma_start3A_47, %dma_start3A_48] : memref<10000x8xf32, #tpu.memory_space<vmem_shared>> -> memref<10000x8xf32, #tpu.memory_space<vmem_shared>>
    tpu.enqueue_indirect_dma source(%dma_start3A_49 : memref<10000x8xf32, #tpu.memory_space<vmem_shared>>) target(%dma_start3A_43 : memref<1000x8xf32, #tpu.memory_space<vmem>>) offsets(%dma_start3A_46 : memref<1000xi32, #tpu.memory_space<vmem>>) semaphore(%arg12 : memref<!tpu.dma_semaphore, #tpu.memory_space<semaphore_mem>>)
    %dma_wait3A_50 = arith.constant 1 : i32
    %dma_wait3A_51 = arith.constant 1 : i32
    %dma_wait3A_52 = arith.constant 0 : i32
    %dma_wait3A_53 = arith.constant 0 : i32
    %dma_wait3A_54 = tpu.memref_slice %arg8[%dma_wait3A_51, %dma_wait3A_52, %dma_wait3A_53] : memref<2x1000x8xf32, #tpu.memory_space<vmem>> -> memref<1x1000x8xf32, #tpu.memory_space<vmem>>
    %dma_wait3A_55 = tpu.memref_squeeze %dma_wait3A_54 : memref<1x1000x8xf32, #tpu.memory_space<vmem>> -> memref<1000x8xf32, #tpu.memory_space<vmem>>
    %dma_wait3A_56 = arith.constant 0 : i32
    %dma_wait3A_57 = tpu.memref_slice %arg6[%dma_wait3A_50, %dma_wait3A_56] : memref<10x1000xi32, #tpu.memory_space<vmem>> -> memref<1x1000xi32, #tpu.memory_space<vmem>>
    %dma_wait3A_58 = tpu.memref_squeeze %dma_wait3A_57 : memref<1x1000xi32, #tpu.memory_space<vmem>> -> memref<1000xi32, #tpu.memory_space<vmem>>
    %dma_wait3A_59 = arith.constant 0 : i32
    %dma_wait3A_60 = arith.constant 0 : i32
    %dma_wait3A_61 = tpu.memref_slice %arg9[%dma_wait3A_59, %dma_wait3A_60] : memref<10000x8xf32, #tpu.memory_space<vmem_shared>> -> memref<10000x8xf32, #tpu.memory_space<vmem_shared>>
    tpu.wait_indirect_dma semaphore(%arg12 : memref<!tpu.dma_semaphore, #tpu.memory_space<semaphore_mem>>) src(%dma_wait3A_61 : memref<10000x8xf32, #tpu.memory_space<vmem_shared>>) dst(%dma_wait3A_55 : memref<1000x8xf32, #tpu.memory_space<vmem>>)
    %dma_start3A_62 = arith.constant 1 : i32
    %dma_start3A_63 = arith.constant 1 : i32
    %dma_start3A_64 = arith.constant 0 : i32
    %dma_start3A_65 = arith.constant 0 : i32
    %dma_start3A_66 = tpu.memref_slice %arg8[%dma_start3A_62, %dma_start3A_64, %dma_start3A_65] : memref<2x1000x8xf32, #tpu.memory_space<vmem>> -> memref<1x1000x8xf32, #tpu.memory_space<vmem>>
    %dma_start3A_67 = tpu.memref_squeeze %dma_start3A_66 : memref<1x1000x8xf32, #tpu.memory_space<vmem>> -> memref<1000x8xf32, #tpu.memory_space<vmem>>
    %dma_start3A_68 = arith.constant 0 : i32
    %dma_start3A_69 = tpu.memref_slice %arg7[%dma_start3A_63, %dma_start3A_68] : memref<10x1000xi32, #tpu.memory_space<vmem>> -> memref<1x1000xi32, #tpu.memory_space<vmem>>
    %dma_start3A_70 = tpu.memref_squeeze %dma_start3A_69 : memref<1x1000xi32, #tpu.memory_space<vmem>> -> memref<1000xi32, #tpu.memory_space<vmem>>
    %dma_start3A_71 = arith.constant 0 : i32
    %dma_start3A_72 = arith.constant 0 : i32
    %dma_start3A_73 = tpu.memref_slice %arg10[%dma_start3A_71, %dma_start3A_72] : memref<10000x8xf32, #tpu.memory_space<vmem_shared>> -> memref<10000x8xf32, #tpu.memory_space<vmem_shared>>
    tpu.enqueue_indirect_dma source(%dma_start3A_67 : memref<1000x8xf32, #tpu.memory_space<vmem>>) target(%dma_start3A_73 : memref<10000x8xf32, #tpu.memory_space<vmem_shared>>) offsets(%dma_start3A_70 : memref<1000xi32, #tpu.memory_space<vmem>>) semaphore(%arg14 : memref<!tpu.dma_semaphore, #tpu.memory_space<semaphore_mem>>) {add = true}
    %dma_wait3A_74 = arith.constant 0 : i32
    %dma_wait3A_75 = arith.constant 0 : i32
    %dma_wait3A_76 = arith.constant 0 : i32
    %dma_wait3A_77 = arith.constant 0 : i32
    %dma_wait3A_78 = tpu.memref_slice %arg8[%dma_wait3A_74, %dma_wait3A_76, %dma_wait3A_77] : memref<2x1000x8xf32, #tpu.memory_space<vmem>> -> memref<1x1000x8xf32, #tpu.memory_space<vmem>>
    %dma_wait3A_79 = tpu.memref_squeeze %dma_wait3A_78 : memref<1x1000x8xf32, #tpu.memory_space<vmem>> -> memref<1000x8xf32, #tpu.memory_space<vmem>>
    %dma_wait3A_80 = arith.constant 0 : i32
    %dma_wait3A_81 = tpu.memref_slice %arg7[%dma_wait3A_75, %dma_wait3A_80] : memref<10x1000xi32, #tpu.memory_space<vmem>> -> memref<1x1000xi32, #tpu.memory_space<vmem>>
    %dma_wait3A_82 = tpu.memref_squeeze %dma_wait3A_81 : memref<1x1000xi32, #tpu.memory_space<vmem>> -> memref<1000xi32, #tpu.memory_space<vmem>>
    %dma_wait3A_83 = arith.constant 0 : i32
    %dma_wait3A_84 = arith.constant 0 : i32
    %dma_wait3A_85 = tpu.memref_slice %arg10[%dma_wait3A_83, %dma_wait3A_84] : memref<10000x8xf32, #tpu.memory_space<vmem_shared>> -> memref<10000x8xf32, #tpu.memory_space<vmem_shared>>
    tpu.wait_indirect_dma semaphore(%arg13 : memref<!tpu.dma_semaphore, #tpu.memory_space<semaphore_mem>>) src(%dma_wait3A_79 : memref<1000x8xf32, #tpu.memory_space<vmem>>) dst(%dma_wait3A_85 : memref<10000x8xf32, #tpu.memory_space<vmem_shared>>)
    %dma_start3A_86 = arith.constant 2 : i32
    %dma_start3A_87 = arith.constant 0 : i32
    %dma_start3A_88 = arith.constant 0 : i32
    %dma_start3A_89 = arith.constant 0 : i32
    %dma_start3A_90 = tpu.memref_slice %arg8[%dma_start3A_87, %dma_start3A_88, %dma_start3A_89] : memref<2x1000x8xf32, #tpu.memory_space<vmem>> -> memref<1x1000x8xf32, #tpu.memory_space<vmem>>
    %dma_start3A_91 = tpu.memref_squeeze %dma_start3A_90 : memref<1x1000x8xf32, #tpu.memory_space<vmem>> -> memref<1000x8xf32, #tpu.memory_space<vmem>>
    %dma_start3A_92 = arith.constant 0 : i32
    %dma_start3A_93 = tpu.memref_slice %arg6[%dma_start3A_86, %dma_start3A_92] : memref<10x1000xi32, #tpu.memory_space<vmem>> -> memref<1x1000xi32, #tpu.memory_space<vmem>>
    %dma_start3A_94 = tpu.memref_squeeze %dma_start3A_93 : memref<1x1000xi32, #tpu.memory_space<vmem>> -> memref<1000xi32, #tpu.memory_space<vmem>>
    %dma_start3A_95 = arith.constant 0 : i32
    %dma_start3A_96 = arith.constant 0 : i32
    %dma_start3A_97 = tpu.memref_slice %arg9[%dma_start3A_95, %dma_start3A_96] : memref<10000x8xf32, #tpu.memory_space<vmem_shared>> -> memref<10000x8xf32, #tpu.memory_space<vmem_shared>>
    tpu.enqueue_indirect_dma source(%dma_start3A_97 : memref<10000x8xf32, #tpu.memory_space<vmem_shared>>) target(%dma_start3A_91 : memref<1000x8xf32, #tpu.memory_space<vmem>>) offsets(%dma_start3A_94 : memref<1000xi32, #tpu.memory_space<vmem>>) semaphore(%arg11 : memref<!tpu.dma_semaphore, #tpu.memory_space<semaphore_mem>>)
    %dma_wait3A_98 = arith.constant 2 : i32
    %dma_wait3A_99 = arith.constant 0 : i32
    %dma_wait3A_100 = arith.constant 0 : i32
    %dma_wait3A_101 = arith.constant 0 : i32
    %dma_wait3A_102 = tpu.memref_slice %arg8[%dma_wait3A_99, %dma_wait3A_100, %dma_wait3A_101] : memref<2x1000x8xf32, #tpu.memory_space<vmem>> -> memref<1x1000x8xf32, #tpu.memory_space<vmem>>
    %dma_wait3A_103 = tpu.memref_squeeze %dma_wait3A_102 : memref<1x1000x8xf32, #tpu.memory_space<vmem>> -> memref<1000x8xf32, #tpu.memory_space<vmem>>
    %dma_wait3A_104 = arith.constant 0 : i32
    %dma_wait3A_105 = tpu.memref_slice %arg6[%dma_wait3A_98, %dma_wait3A_104] : memref<10x1000xi32, #tpu.memory_space<vmem>> -> memref<1x1000xi32, #tpu.memory_space<vmem>>
    %dma_wait3A_106 = tpu.memref_squeeze %dma_wait3A_105 : memref<1x1000xi32, #tpu.memory_space<vmem>> -> memref<1000xi32, #tpu.memory_space<vmem>>
    %dma_wait3A_107 = arith.constant 0 : i32
    %dma_wait3A_108 = arith.constant 0 : i32
    %dma_wait3A_109 = tpu.memref_slice %arg9[%dma_wait3A_107, %dma_wait3A_108] : memref<10000x8xf32, #tpu.memory_space<vmem_shared>> -> memref<10000x8xf32, #tpu.memory_space<vmem_shared>>
    tpu.wait_indirect_dma semaphore(%arg11 : memref<!tpu.dma_semaphore, #tpu.memory_space<semaphore_mem>>) src(%dma_wait3A_109 : memref<10000x8xf32, #tpu.memory_space<vmem_shared>>) dst(%dma_wait3A_103 : memref<1000x8xf32, #tpu.memory_space<vmem>>)
    %dma_start3A_110 = arith.constant 0 : i32
    %dma_start3A_111 = arith.constant 2 : i32
    %dma_start3A_112 = arith.constant 0 : i32
    %dma_start3A_113 = arith.constant 0 : i32
    %dma_start3A_114 = tpu.memref_slice %arg8[%dma_start3A_110, %dma_start3A_112, %dma_start3A_113] : memref<2x1000x8xf32, #tpu.memory_space<vmem>> -> memref<1x1000x8xf32, #tpu.memory_space<vmem>>
    %dma_start3A_115 = tpu.memref_squeeze %dma_start3A_114 : memref<1x1000x8xf32, #tpu.memory_space<vmem>> -> memref<1000x8xf32, #tpu.memory_space<vmem>>
    %dma_start3A_116 = arith.constant 0 : i32
    %dma_start3A_117 = tpu.memref_slice %arg7[%dma_start3A_111, %dma_start3A_116] : memref<10x1000xi32, #tpu.memory_space<vmem>> -> memref<1x1000xi32, #tpu.memory_space<vmem>>
    %dma_start3A_118 = tpu.memref_squeeze %dma_start3A_117 : memref<1x1000xi32, #tpu.memory_space<vmem>> -> memref<1000xi32, #tpu.memory_space<vmem>>
    %dma_start3A_119 = arith.constant 0 : i32
    %dma_start3A_120 = arith.constant 0 : i32
    %dma_start3A_121 = tpu.memref_slice %arg10[%dma_start3A_119, %dma_start3A_120] : memref<10000x8xf32, #tpu.memory_space<vmem_shared>> -> memref<10000x8xf32, #tpu.memory_space<vmem_shared>>
    tpu.enqueue_indirect_dma source(%dma_start3A_115 : memref<1000x8xf32, #tpu.memory_space<vmem>>) target(%dma_start3A_121 : memref<10000x8xf32, #tpu.memory_space<vmem_shared>>) offsets(%dma_start3A_118 : memref<1000xi32, #tpu.memory_space<vmem>>) semaphore(%arg13 : memref<!tpu.dma_semaphore, #tpu.memory_space<semaphore_mem>>) {add = true}
    %dma_wait3A_122 = arith.constant 1 : i32
    %dma_wait3A_123 = arith.constant 1 : i32
    %dma_wait3A_124 = arith.constant 0 : i32
    %dma_wait3A_125 = arith.constant 0 : i32
    %dma_wait3A_126 = tpu.memref_slice %arg8[%dma_wait3A_122, %dma_wait3A_124, %dma_wait3A_125] : memref<2x1000x8xf32, #tpu.memory_space<vmem>> -> memref<1x1000x8xf32, #tpu.memory_space<vmem>>
    %dma_wait3A_127 = tpu.memref_squeeze %dma_wait3A_126 : memref<1x1000x8xf32, #tpu.memory_space<vmem>> -> memref<1000x8xf32, #tpu.memory_space<vmem>>
    %dma_wait3A_128 = arith.constant 0 : i32
    %dma_wait3A_129 = tpu.memref_slice %arg7[%dma_wait3A_123, %dma_wait3A_128] : memref<10x1000xi32, #tpu.memory_space<vmem>> -> memref<1x1000xi32, #tpu.memory_space<vmem>>
    %dma_wait3A_130 = tpu.memref_squeeze %dma_wait3A_129 : memref<1x1000xi32, #tpu.memory_space<vmem>> -> memref<1000xi32, #tpu.memory_space<vmem>>
    %dma_wait3A_131 = arith.constant 0 : i32
    %dma_wait3A_132 = arith.constant 0 : i32
    %dma_wait3A_133 = tpu.memref_slice %arg10[%dma_wait3A_131, %dma_wait3A_132] : memref<10000x8xf32, #tpu.memory_space<vmem_shared>> -> memref<10000x8xf32, #tpu.memory_space<vmem_shared>>
    tpu.wait_indirect_dma semaphore(%arg14 : memref<!tpu.dma_semaphore, #tpu.memory_space<semaphore_mem>>) src(%dma_wait3A_127 : memref<1000x8xf32, #tpu.memory_space<vmem>>) dst(%dma_wait3A_133 : memref<10000x8xf32, #tpu.memory_space<vmem_shared>>)
    %dma_start3A_134 = arith.constant 3 : i32
    %dma_start3A_135 = arith.constant 1 : i32
    %dma_start3A_136 = arith.constant 0 : i32
    %dma_start3A_137 = arith.constant 0 : i32
    %dma_start3A_138 = tpu.memref_slice %arg8[%dma_start3A_135, %dma_start3A_136, %dma_start3A_137] : memref<2x1000x8xf32, #tpu.memory_space<vmem>> -> memref<1x1000x8xf32, #tpu.memory_space<vmem>>
    %dma_start3A_139 = tpu.memref_squeeze %dma_start3A_138 : memref<1x1000x8xf32, #tpu.memory_space<vmem>> -> memref<1000x8xf32, #tpu.memory_space<vmem>>
    %dma_start3A_140 = arith.constant 0 : i32
    %dma_start3A_141 = tpu.memref_slice %arg6[%dma_start3A_134, %dma_start3A_140] : memref<10x1000xi32, #tpu.memory_space<vmem>> -> memref<1x1000xi32, #tpu.memory_space<vmem>>
    %dma_start3A_142 = tpu.memref_squeeze %dma_start3A_141 : memref<1x1000xi32, #tpu.memory_space<vmem>> -> memref<1000xi32, #tpu.memory_space<vmem>>
    %dma_start3A_143 = arith.constant 0 : i32
    %dma_start3A_144 = arith.constant 0 : i32
    %dma_start3A_145 = tpu.memref_slice %arg9[%dma_start3A_143, %dma_start3A_144] : memref<10000x8xf32, #tpu.memory_space<vmem_shared>> -> memref<10000x8xf32, #tpu.memory_space<vmem_shared>>
    tpu.enqueue_indirect_dma source(%dma_start3A_145 : memref<10000x8xf32, #tpu.memory_space<vmem_shared>>) target(%dma_start3A_139 : memref<1000x8xf32, #tpu.memory_space<vmem>>) offsets(%dma_start3A_142 : memref<1000xi32, #tpu.memory_space<vmem>>) semaphore(%arg12 : memref<!tpu.dma_semaphore, #tpu.memory_space<semaphore_mem>>)
    %dma_wait3A_146 = arith.constant 3 : i32
    %dma_wait3A_147 = arith.constant 1 : i32
    %dma_wait3A_148 = arith.constant 0 : i32
    %dma_wait3A_149 = arith.constant 0 : i32
    %dma_wait3A_150 = tpu.memref_slice %arg8[%dma_wait3A_147, %dma_wait3A_148, %dma_wait3A_149] : memref<2x1000x8xf32, #tpu.memory_space<vmem>> -> memref<1x1000x8xf32, #tpu.memory_space<vmem>>
    %dma_wait3A_151 = tpu.memref_squeeze %dma_wait3A_150 : memref<1x1000x8xf32, #tpu.memory_space<vmem>> -> memref<1000x8xf32, #tpu.memory_space<vmem>>
    %dma_wait3A_152 = arith.constant 0 : i32
    %dma_wait3A_153 = tpu.memref_slice %arg6[%dma_wait3A_146, %dma_wait3A_152] : memref<10x1000xi32, #tpu.memory_space<vmem>> -> memref<1x1000xi32, #tpu.memory_space<vmem>>
    %dma_wait3A_154 = tpu.memref_squeeze %dma_wait3A_153 : memref<1x1000xi32, #tpu.memory_space<vmem>> -> memref<1000xi32, #tpu.memory_space<vmem>>
    %dma_wait3A_155 = arith.constant 0 : i32
    %dma_wait3A_156 = arith.constant 0 : i32
    %dma_wait3A_157 = tpu.memref_slice %arg9[%dma_wait3A_155, %dma_wait3A_156] : memref<10000x8xf32, #tpu.memory_space<vmem_shared>> -> memref<10000x8xf32, #tpu.memory_space<vmem_shared>>
    tpu.wait_indirect_dma semaphore(%arg12 : memref<!tpu.dma_semaphore, #tpu.memory_space<semaphore_mem>>) src(%dma_wait3A_157 : memref<10000x8xf32, #tpu.memory_space<vmem_shared>>) dst(%dma_wait3A_151 : memref<1000x8xf32, #tpu.memory_space<vmem>>)
    %dma_start3A_158 = arith.constant 1 : i32
    %dma_start3A_159 = arith.constant 3 : i32
    %dma_start3A_160 = arith.constant 0 : i32
    %dma_start3A_161 = arith.constant 0 : i32
    %dma_start3A_162 = tpu.memref_slice %arg8[%dma_start3A_158, %dma_start3A_160, %dma_start3A_161] : memref<2x1000x8xf32, #tpu.memory_space<vmem>> -> memref<1x1000x8xf32, #tpu.memory_space<vmem>>
    %dma_start3A_163 = tpu.memref_squeeze %dma_start3A_162 : memref<1x1000x8xf32, #tpu.memory_space<vmem>> -> memref<1000x8xf32, #tpu.memory_space<vmem>>
    %dma_start3A_164 = arith.constant 0 : i32
    %dma_start3A_165 = tpu.memref_slice %arg7[%dma_start3A_159, %dma_start3A_164] : memref<10x1000xi32, #tpu.memory_space<vmem>> -> memref<1x1000xi32, #tpu.memory_space<vmem>>
    %dma_start3A_166 = tpu.memref_squeeze %dma_start3A_165 : memref<1x1000xi32, #tpu.memory_space<vmem>> -> memref<1000xi32, #tpu.memory_space<vmem>>
    %dma_start3A_167 = arith.constant 0 : i32
    %dma_start3A_168 = arith.constant 0 : i32
    %dma_start3A_169 = tpu.memref_slice %arg10[%dma_start3A_167, %dma_start3A_168] : memref<10000x8xf32, #tpu.memory_space<vmem_shared>> -> memref<10000x8xf32, #tpu.memory_space<vmem_shared>>
    tpu.enqueue_indirect_dma source(%dma_start3A_163 : memref<1000x8xf32, #tpu.memory_space<vmem>>) target(%dma_start3A_169 : memref<10000x8xf32, #tpu.memory_space<vmem_shared>>) offsets(%dma_start3A_166 : memref<1000xi32, #tpu.memory_space<vmem>>) semaphore(%arg14 : memref<!tpu.dma_semaphore, #tpu.memory_space<semaphore_mem>>) {add = true}
    %dma_wait3A_170 = arith.constant 0 : i32
    %dma_wait3A_171 = arith.constant 2 : i32
    %dma_wait3A_172 = arith.constant 0 : i32
    %dma_wait3A_173 = arith.constant 0 : i32
    %dma_wait3A_174 = tpu.memref_slice %arg8[%dma_wait3A_170, %dma_wait3A_172, %dma_wait3A_173] : memref<2x1000x8xf32, #tpu.memory_space<vmem>> -> memref<1x1000x8xf32, #tpu.memory_space<vmem>>
    %dma_wait3A_175 = tpu.memref_squeeze %dma_wait3A_174 : memref<1x1000x8xf32, #tpu.memory_space<vmem>> -> memref<1000x8xf32, #tpu.memory_space<vmem>>
    %dma_wait3A_176 = arith.constant 0 : i32
    %dma_wait3A_177 = tpu.memref_slice %arg7[%dma_wait3A_171, %dma_wait3A_176] : memref<10x1000xi32, #tpu.memory_space<vmem>> -> memref<1x1000xi32, #tpu.memory_space<vmem>>
    %dma_wait3A_178 = tpu.memref_squeeze %dma_wait3A_177 : memref<1x1000xi32, #tpu.memory_space<vmem>> -> memref<1000xi32, #tpu.memory_space<vmem>>
    %dma_wait3A_179 = arith.constant 0 : i32
    %dma_wait3A_180 = arith.constant 0 : i32
    %dma_wait3A_181 = tpu.memref_slice %arg10[%dma_wait3A_179, %dma_wait3A_180] : memref<10000x8xf32, #tpu.memory_space<vmem_shared>> -> memref<10000x8xf32, #tpu.memory_space<vmem_shared>>
    tpu.wait_indirect_dma semaphore(%arg13 : memref<!tpu.dma_semaphore, #tpu.memory_space<semaphore_mem>>) src(%dma_wait3A_175 : memref<1000x8xf32, #tpu.memory_space<vmem>>) dst(%dma_wait3A_181 : memref<10000x8xf32, #tpu.memory_space<vmem_shared>>)
    %dma_start3A_182 = arith.constant 4 : i32
    %dma_start3A_183 = arith.constant 0 : i32
    %dma_start3A_184 = arith.constant 0 : i32
    %dma_start3A_185 = arith.constant 0 : i32
    %dma_start3A_186 = tpu.memref_slice %arg8[%dma_start3A_183, %dma_start3A_184, %dma_start3A_185] : memref<2x1000x8xf32, #tpu.memory_space<vmem>> -> memref<1x1000x8xf32, #tpu.memory_space<vmem>>
    %dma_start3A_187 = tpu.memref_squeeze %dma_start3A_186 : memref<1x1000x8xf32, #tpu.memory_space<vmem>> -> memref<1000x8xf32, #tpu.memory_space<vmem>>
    %dma_start3A_188 = arith.constant 0 : i32
    %dma_start3A_189 = tpu.memref_slice %arg6[%dma_start3A_182, %dma_start3A_188] : memref<10x1000xi32, #tpu.memory_space<vmem>> -> memref<1x1000xi32, #tpu.memory_space<vmem>>
    %dma_start3A_190 = tpu.memref_squeeze %dma_start3A_189 : memref<1x1000xi32, #tpu.memory_space<vmem>> -> memref<1000xi32, #tpu.memory_space<vmem>>
    %dma_start3A_191 = arith.constant 0 : i32
    %dma_start3A_192 = arith.constant 0 : i32
    %dma_start3A_193 = tpu.memref_slice %arg9[%dma_start3A_191, %dma_start3A_192] : memref<10000x8xf32, #tpu.memory_space<vmem_shared>> -> memref<10000x8xf32, #tpu.memory_space<vmem_shared>>
    tpu.enqueue_indirect_dma source(%dma_start3A_193 : memref<10000x8xf32, #tpu.memory_space<vmem_shared>>) target(%dma_start3A_187 : memref<1000x8xf32, #tpu.memory_space<vmem>>) offsets(%dma_start3A_190 : memref<1000xi32, #tpu.memory_space<vmem>>) semaphore(%arg11 : memref<!tpu.dma_semaphore, #tpu.memory_space<semaphore_mem>>)
    %dma_wait3A_194 = arith.constant 4 : i32
    %dma_wait3A_195 = arith.constant 0 : i32
    %dma_wait3A_196 = arith.constant 0 : i32
    %dma_wait3A_197 = arith.constant 0 : i32
    %dma_wait3A_198 = tpu.memref_slice %arg8[%dma_wait3A_195, %dma_wait3A_196, %dma_wait3A_197] : memref<2x1000x8xf32, #tpu.memory_space<vmem>> -> memref<1x1000x8xf32, #tpu.memory_space<vmem>>
    %dma_wait3A_199 = tpu.memref_squeeze %dma_wait3A_198 : memref<1x1000x8xf32, #tpu.memory_space<vmem>> -> memref<1000x8xf32, #tpu.memory_space<vmem>>
    %dma_wait3A_200 = arith.constant 0 : i32
    %dma_wait3A_201 = tpu.memref_slice %arg6[%dma_wait3A_194, %dma_wait3A_200] : memref<10x1000xi32, #tpu.memory_space<vmem>> -> memref<1x1000xi32, #tpu.memory_space<vmem>>
    %dma_wait3A_202 = tpu.memref_squeeze %dma_wait3A_201 : memref<1x1000xi32, #tpu.memory_space<vmem>> -> memref<1000xi32, #tpu.memory_space<vmem>>
    %dma_wait3A_203 = arith.constant 0 : i32
    %dma_wait3A_204 = arith.constant 0 : i32
    %dma_wait3A_205 = tpu.memref_slice %arg9[%dma_wait3A_203, %dma_wait3A_204] : memref<10000x8xf32, #tpu.memory_space<vmem_shared>> -> memref<10000x8xf32, #tpu.memory_space<vmem_shared>>
    tpu.wait_indirect_dma semaphore(%arg11 : memref<!tpu.dma_semaphore, #tpu.memory_space<semaphore_mem>>) src(%dma_wait3A_205 : memref<10000x8xf32, #tpu.memory_space<vmem_shared>>) dst(%dma_wait3A_199 : memref<1000x8xf32, #tpu.memory_space<vmem>>)
    %dma_start3A_206 = arith.constant 0 : i32
    %dma_start3A_207 = arith.constant 4 : i32
    %dma_start3A_208 = arith.constant 0 : i32
    %dma_start3A_209 = arith.constant 0 : i32
    %dma_start3A_210 = tpu.memref_slice %arg8[%dma_start3A_206, %dma_start3A_208, %dma_start3A_209] : memref<2x1000x8xf32, #tpu.memory_space<vmem>> -> memref<1x1000x8xf32, #tpu.memory_space<vmem>>
    %dma_start3A_211 = tpu.memref_squeeze %dma_start3A_210 : memref<1x1000x8xf32, #tpu.memory_space<vmem>> -> memref<1000x8xf32, #tpu.memory_space<vmem>>
    %dma_start3A_212 = arith.constant 0 : i32
    %dma_start3A_213 = tpu.memref_slice %arg7[%dma_start3A_207, %dma_start3A_212] : memref<10x1000xi32, #tpu.memory_space<vmem>> -> memref<1x1000xi32, #tpu.memory_space<vmem>>
    %dma_start3A_214 = tpu.memref_squeeze %dma_start3A_213 : memref<1x1000xi32, #tpu.memory_space<vmem>> -> memref<1000xi32, #tpu.memory_space<vmem>>
    %dma_start3A_215 = arith.constant 0 : i32
    %dma_start3A_216 = arith.constant 0 : i32
    %dma_start3A_217 = tpu.memref_slice %arg10[%dma_start3A_215, %dma_start3A_216] : memref<10000x8xf32, #tpu.memory_space<vmem_shared>> -> memref<10000x8xf32, #tpu.memory_space<vmem_shared>>
    tpu.enqueue_indirect_dma source(%dma_start3A_211 : memref<1000x8xf32, #tpu.memory_space<vmem>>) target(%dma_start3A_217 : memref<10000x8xf32, #tpu.memory_space<vmem_shared>>) offsets(%dma_start3A_214 : memref<1000xi32, #tpu.memory_space<vmem>>) semaphore(%arg13 : memref<!tpu.dma_semaphore, #tpu.memory_space<semaphore_mem>>) {add = true}
    %dma_wait3A_218 = arith.constant 1 : i32
    %dma_wait3A_219 = arith.constant 3 : i32
    %dma_wait3A_220 = arith.constant 0 : i32
    %dma_wait3A_221 = arith.constant 0 : i32
    %dma_wait3A_222 = tpu.memref_slice %arg8[%dma_wait3A_218, %dma_wait3A_220, %dma_wait3A_221] : memref<2x1000x8xf32, #tpu.memory_space<vmem>> -> memref<1x1000x8xf32, #tpu.memory_space<vmem>>
    %dma_wait3A_223 = tpu.memref_squeeze %dma_wait3A_222 : memref<1x1000x8xf32, #tpu.memory_space<vmem>> -> memref<1000x8xf32, #tpu.memory_space<vmem>>
    %dma_wait3A_224 = arith.constant 0 : i32
    %dma_wait3A_225 = tpu.memref_slice %arg7[%dma_wait3A_219, %dma_wait3A_224] : memref<10x1000xi32, #tpu.memory_space<vmem>> -> memref<1x1000xi32, #tpu.memory_space<vmem>>
    %dma_wait3A_226 = tpu.memref_squeeze %dma_wait3A_225 : memref<1x1000xi32, #tpu.memory_space<vmem>> -> memref<1000xi32, #tpu.memory_space<vmem>>
    %dma_wait3A_227 = arith.constant 0 : i32
    %dma_wait3A_228 = arith.constant 0 : i32
    %dma_wait3A_229 = tpu.memref_slice %arg10[%dma_wait3A_227, %dma_wait3A_228] : memref<10000x8xf32, #tpu.memory_space<vmem_shared>> -> memref<10000x8xf32, #tpu.memory_space<vmem_shared>>
    tpu.wait_indirect_dma semaphore(%arg14 : memref<!tpu.dma_semaphore, #tpu.memory_space<semaphore_mem>>) src(%dma_wait3A_223 : memref<1000x8xf32, #tpu.memory_space<vmem>>) dst(%dma_wait3A_229 : memref<10000x8xf32, #tpu.memory_space<vmem_shared>>)
    %dma_start3A_230 = arith.constant 5 : i32
    %dma_start3A_231 = arith.constant 1 : i32
    %dma_start3A_232 = arith.constant 0 : i32
    %dma_start3A_233 = arith.constant 0 : i32
    %dma_start3A_234 = tpu.memref_slice %arg8[%dma_start3A_231, %dma_start3A_232, %dma_start3A_233] : memref<2x1000x8xf32, #tpu.memory_space<vmem>> -> memref<1x1000x8xf32, #tpu.memory_space<vmem>>
    %dma_start3A_235 = tpu.memref_squeeze %dma_start3A_234 : memref<1x1000x8xf32, #tpu.memory_space<vmem>> -> memref<1000x8xf32, #tpu.memory_space<vmem>>
    %dma_start3A_236 = arith.constant 0 : i32
    %dma_start3A_237 = tpu.memref_slice %arg6[%dma_start3A_230, %dma_start3A_236] : memref<10x1000xi32, #tpu.memory_space<vmem>> -> memref<1x1000xi32, #tpu.memory_space<vmem>>
    %dma_start3A_238 = tpu.memref_squeeze %dma_start3A_237 : memref<1x1000xi32, #tpu.memory_space<vmem>> -> memref<1000xi32, #tpu.memory_space<vmem>>
    %dma_start3A_239 = arith.constant 0 : i32
    %dma_start3A_240 = arith.constant 0 : i32
    %dma_start3A_241 = tpu.memref_slice %arg9[%dma_start3A_239, %dma_start3A_240] : memref<10000x8xf32, #tpu.memory_space<vmem_shared>> -> memref<10000x8xf32, #tpu.memory_space<vmem_shared>>
    tpu.enqueue_indirect_dma source(%dma_start3A_241 : memref<10000x8xf32, #tpu.memory_space<vmem_shared>>) target(%dma_start3A_235 : memref<1000x8xf32, #tpu.memory_space<vmem>>) offsets(%dma_start3A_238 : memref<1000xi32, #tpu.memory_space<vmem>>) semaphore(%arg12 : memref<!tpu.dma_semaphore, #tpu.memory_space<semaphore_mem>>)
    %dma_wait3A_242 = arith.constant 5 : i32
    %dma_wait3A_243 = arith.constant 1 : i32
    %dma_wait3A_244 = arith.constant 0 : i32
    %dma_wait3A_245 = arith.constant 0 : i32
    %dma_wait3A_246 = tpu.memref_slice %arg8[%dma_wait3A_243, %dma_wait3A_244, %dma_wait3A_245] : memref<2x1000x8xf32, #tpu.memory_space<vmem>> -> memref<1x1000x8xf32, #tpu.memory_space<vmem>>
    %dma_wait3A_247 = tpu.memref_squeeze %dma_wait3A_246 : memref<1x1000x8xf32, #tpu.memory_space<vmem>> -> memref<1000x8xf32, #tpu.memory_space<vmem>>
    %dma_wait3A_248 = arith.constant 0 : i32
    %dma_wait3A_249 = tpu.memref_slice %arg6[%dma_wait3A_242, %dma_wait3A_248] : memref<10x1000xi32, #tpu.memory_space<vmem>> -> memref<1x1000xi32, #tpu.memory_space<vmem>>
    %dma_wait3A_250 = tpu.memref_squeeze %dma_wait3A_249 : memref<1x1000xi32, #tpu.memory_space<vmem>> -> memref<1000xi32, #tpu.memory_space<vmem>>
    %dma_wait3A_251 = arith.constant 0 : i32
    %dma_wait3A_252 = arith.constant 0 : i32
    %dma_wait3A_253 = tpu.memref_slice %arg9[%dma_wait3A_251, %dma_wait3A_252] : memref<10000x8xf32, #tpu.memory_space<vmem_shared>> -> memref<10000x8xf32, #tpu.memory_space<vmem_shared>>
    tpu.wait_indirect_dma semaphore(%arg12 : memref<!tpu.dma_semaphore, #tpu.memory_space<semaphore_mem>>) src(%dma_wait3A_253 : memref<10000x8xf32, #tpu.memory_space<vmem_shared>>) dst(%dma_wait3A_247 : memref<1000x8xf32, #tpu.memory_space<vmem>>)
    %dma_start3A_254 = arith.constant 1 : i32
    %dma_start3A_255 = arith.constant 5 : i32
    %dma_start3A_256 = arith.constant 0 : i32
    %dma_start3A_257 = arith.constant 0 : i32
    %dma_start3A_258 = tpu.memref_slice %arg8[%dma_start3A_254, %dma_start3A_256, %dma_start3A_257] : memref<2x1000x8xf32, #tpu.memory_space<vmem>> -> memref<1x1000x8xf32, #tpu.memory_space<vmem>>
    %dma_start3A_259 = tpu.memref_squeeze %dma_start3A_258 : memref<1x1000x8xf32, #tpu.memory_space<vmem>> -> memref<1000x8xf32, #tpu.memory_space<vmem>>
    %dma_start3A_260 = arith.constant 0 : i32
    %dma_start3A_261 = tpu.memref_slice %arg7[%dma_start3A_255, %dma_start3A_260] : memref<10x1000xi32, #tpu.memory_space<vmem>> -> memref<1x1000xi32, #tpu.memory_space<vmem>>
    %dma_start3A_262 = tpu.memref_squeeze %dma_start3A_261 : memref<1x1000xi32, #tpu.memory_space<vmem>> -> memref<1000xi32, #tpu.memory_space<vmem>>
    %dma_start3A_263 = arith.constant 0 : i32
    %dma_start3A_264 = arith.constant 0 : i32
    %dma_start3A_265 = tpu.memref_slice %arg10[%dma_start3A_263, %dma_start3A_264] : memref<10000x8xf32, #tpu.memory_space<vmem_shared>> -> memref<10000x8xf32, #tpu.memory_space<vmem_shared>>
    tpu.enqueue_indirect_dma source(%dma_start3A_259 : memref<1000x8xf32, #tpu.memory_space<vmem>>) target(%dma_start3A_265 : memref<10000x8xf32, #tpu.memory_space<vmem_shared>>) offsets(%dma_start3A_262 : memref<1000xi32, #tpu.memory_space<vmem>>) semaphore(%arg14 : memref<!tpu.dma_semaphore, #tpu.memory_space<semaphore_mem>>) {add = true}
    %dma_wait3A_266 = arith.constant 0 : i32
    %dma_wait3A_267 = arith.constant 4 : i32
    %dma_wait3A_268 = arith.constant 0 : i32
    %dma_wait3A_269 = arith.constant 0 : i32
    %dma_wait3A_270 = tpu.memref_slice %arg8[%dma_wait3A_266, %dma_wait3A_268, %dma_wait3A_269] : memref<2x1000x8xf32, #tpu.memory_space<vmem>> -> memref<1x1000x8xf32, #tpu.memory_space<vmem>>
    %dma_wait3A_271 = tpu.memref_squeeze %dma_wait3A_270 : memref<1x1000x8xf32, #tpu.memory_space<vmem>> -> memref<1000x8xf32, #tpu.memory_space<vmem>>
    %dma_wait3A_272 = arith.constant 0 : i32
    %dma_wait3A_273 = tpu.memref_slice %arg7[%dma_wait3A_267, %dma_wait3A_272] : memref<10x1000xi32, #tpu.memory_space<vmem>> -> memref<1x1000xi32, #tpu.memory_space<vmem>>
    %dma_wait3A_274 = tpu.memref_squeeze %dma_wait3A_273 : memref<1x1000xi32, #tpu.memory_space<vmem>> -> memref<1000xi32, #tpu.memory_space<vmem>>
    %dma_wait3A_275 = arith.constant 0 : i32
    %dma_wait3A_276 = arith.constant 0 : i32
    %dma_wait3A_277 = tpu.memref_slice %arg10[%dma_wait3A_275, %dma_wait3A_276] : memref<10000x8xf32, #tpu.memory_space<vmem_shared>> -> memref<10000x8xf32, #tpu.memory_space<vmem_shared>>
    tpu.wait_indirect_dma semaphore(%arg13 : memref<!tpu.dma_semaphore, #tpu.memory_space<semaphore_mem>>) src(%dma_wait3A_271 : memref<1000x8xf32, #tpu.memory_space<vmem>>) dst(%dma_wait3A_277 : memref<10000x8xf32, #tpu.memory_space<vmem_shared>>)
    %dma_start3A_278 = arith.constant 6 : i32
    %dma_start3A_279 = arith.constant 0 : i32
    %dma_start3A_280 = arith.constant 0 : i32
    %dma_start3A_281 = arith.constant 0 : i32
    %dma_start3A_282 = tpu.memref_slice %arg8[%dma_start3A_279, %dma_start3A_280, %dma_start3A_281] : memref<2x1000x8xf32, #tpu.memory_space<vmem>> -> memref<1x1000x8xf32, #tpu.memory_space<vmem>>
    %dma_start3A_283 = tpu.memref_squeeze %dma_start3A_282 : memref<1x1000x8xf32, #tpu.memory_space<vmem>> -> memref<1000x8xf32, #tpu.memory_space<vmem>>
    %dma_start3A_284 = arith.constant 0 : i32
    %dma_start3A_285 = tpu.memref_slice %arg6[%dma_start3A_278, %dma_start3A_284] : memref<10x1000xi32, #tpu.memory_space<vmem>> -> memref<1x1000xi32, #tpu.memory_space<vmem>>
    %dma_start3A_286 = tpu.memref_squeeze %dma_start3A_285 : memref<1x1000xi32, #tpu.memory_space<vmem>> -> memref<1000xi32, #tpu.memory_space<vmem>>
    %dma_start3A_287 = arith.constant 0 : i32
    %dma_start3A_288 = arith.constant 0 : i32
    %dma_start3A_289 = tpu.memref_slice %arg9[%dma_start3A_287, %dma_start3A_288] : memref<10000x8xf32, #tpu.memory_space<vmem_shared>> -> memref<10000x8xf32, #tpu.memory_space<vmem_shared>>
    tpu.enqueue_indirect_dma source(%dma_start3A_289 : memref<10000x8xf32, #tpu.memory_space<vmem_shared>>) target(%dma_start3A_283 : memref<1000x8xf32, #tpu.memory_space<vmem>>) offsets(%dma_start3A_286 : memref<1000xi32, #tpu.memory_space<vmem>>) semaphore(%arg11 : memref<!tpu.dma_semaphore, #tpu.memory_space<semaphore_mem>>)
    %dma_wait3A_290 = arith.constant 6 : i32
    %dma_wait3A_291 = arith.constant 0 : i32
    %dma_wait3A_292 = arith.constant 0 : i32
    %dma_wait3A_293 = arith.constant 0 : i32
    %dma_wait3A_294 = tpu.memref_slice %arg8[%dma_wait3A_291, %dma_wait3A_292, %dma_wait3A_293] : memref<2x1000x8xf32, #tpu.memory_space<vmem>> -> memref<1x1000x8xf32, #tpu.memory_space<vmem>>
    %dma_wait3A_295 = tpu.memref_squeeze %dma_wait3A_294 : memref<1x1000x8xf32, #tpu.memory_space<vmem>> -> memref<1000x8xf32, #tpu.memory_space<vmem>>
    %dma_wait3A_296 = arith.constant 0 : i32
    %dma_wait3A_297 = tpu.memref_slice %arg6[%dma_wait3A_290, %dma_wait3A_296] : memref<10x1000xi32, #tpu.memory_space<vmem>> -> memref<1x1000xi32, #tpu.memory_space<vmem>>
    %dma_wait3A_298 = tpu.memref_squeeze %dma_wait3A_297 : memref<1x1000xi32, #tpu.memory_space<vmem>> -> memref<1000xi32, #tpu.memory_space<vmem>>
    %dma_wait3A_299 = arith.constant 0 : i32
    %dma_wait3A_300 = arith.constant 0 : i32
    %dma_wait3A_301 = tpu.memref_slice %arg9[%dma_wait3A_299, %dma_wait3A_300] : memref<10000x8xf32, #tpu.memory_space<vmem_shared>> -> memref<10000x8xf32, #tpu.memory_space<vmem_shared>>
    tpu.wait_indirect_dma semaphore(%arg11 : memref<!tpu.dma_semaphore, #tpu.memory_space<semaphore_mem>>) src(%dma_wait3A_301 : memref<10000x8xf32, #tpu.memory_space<vmem_shared>>) dst(%dma_wait3A_295 : memref<1000x8xf32, #tpu.memory_space<vmem>>)
    %dma_start3A_302 = arith.constant 0 : i32
    %dma_start3A_303 = arith.constant 6 : i32
    %dma_start3A_304 = arith.constant 0 : i32
    %dma_start3A_305 = arith.constant 0 : i32
    %dma_start3A_306 = tpu.memref_slice %arg8[%dma_start3A_302, %dma_start3A_304, %dma_start3A_305] : memref<2x1000x8xf32, #tpu.memory_space<vmem>> -> memref<1x1000x8xf32, #tpu.memory_space<vmem>>
    %dma_start3A_307 = tpu.memref_squeeze %dma_start3A_306 : memref<1x1000x8xf32, #tpu.memory_space<vmem>> -> memref<1000x8xf32, #tpu.memory_space<vmem>>
    %dma_start3A_308 = arith.constant 0 : i32
    %dma_start3A_309 = tpu.memref_slice %arg7[%dma_start3A_303, %dma_start3A_308] : memref<10x1000xi32, #tpu.memory_space<vmem>> -> memref<1x1000xi32, #tpu.memory_space<vmem>>
    %dma_start3A_310 = tpu.memref_squeeze %dma_start3A_309 : memref<1x1000xi32, #tpu.memory_space<vmem>> -> memref<1000xi32, #tpu.memory_space<vmem>>
    %dma_start3A_311 = arith.constant 0 : i32
    %dma_start3A_312 = arith.constant 0 : i32
    %dma_start3A_313 = tpu.memref_slice %arg10[%dma_start3A_311, %dma_start3A_312] : memref<10000x8xf32, #tpu.memory_space<vmem_shared>> -> memref<10000x8xf32, #tpu.memory_space<vmem_shared>>
    tpu.enqueue_indirect_dma source(%dma_start3A_307 : memref<1000x8xf32, #tpu.memory_space<vmem>>) target(%dma_start3A_313 : memref<10000x8xf32, #tpu.memory_space<vmem_shared>>) offsets(%dma_start3A_310 : memref<1000xi32, #tpu.memory_space<vmem>>) semaphore(%arg13 : memref<!tpu.dma_semaphore, #tpu.memory_space<semaphore_mem>>) {add = true}
    %dma_wait3A_314 = arith.constant 1 : i32
    %dma_wait3A_315 = arith.constant 5 : i32
    %dma_wait3A_316 = arith.constant 0 : i32
    %dma_wait3A_317 = arith.constant 0 : i32
    %dma_wait3A_318 = tpu.memref_slice %arg8[%dma_wait3A_314, %dma_wait3A_316, %dma_wait3A_317] : memref<2x1000x8xf32, #tpu.memory_space<vmem>> -> memref<1x1000x8xf32, #tpu.memory_space<vmem>>
    %dma_wait3A_319 = tpu.memref_squeeze %dma_wait3A_318 : memref<1x1000x8xf32, #tpu.memory_space<vmem>> -> memref<1000x8xf32, #tpu.memory_space<vmem>>
    %dma_wait3A_320 = arith.constant 0 : i32
    %dma_wait3A_321 = tpu.memref_slice %arg7[%dma_wait3A_315, %dma_wait3A_320] : memref<10x1000xi32, #tpu.memory_space<vmem>> -> memref<1x1000xi32, #tpu.memory_space<vmem>>
    %dma_wait3A_322 = tpu.memref_squeeze %dma_wait3A_321 : memref<1x1000xi32, #tpu.memory_space<vmem>> -> memref<1000xi32, #tpu.memory_space<vmem>>
    %dma_wait3A_323 = arith.constant 0 : i32
    %dma_wait3A_324 = arith.constant 0 : i32
    %dma_wait3A_325 = tpu.memref_slice %arg10[%dma_wait3A_323, %dma_wait3A_324] : memref<10000x8xf32, #tpu.memory_space<vmem_shared>> -> memref<10000x8xf32, #tpu.memory_space<vmem_shared>>
    tpu.wait_indirect_dma semaphore(%arg14 : memref<!tpu.dma_semaphore, #tpu.memory_space<semaphore_mem>>) src(%dma_wait3A_319 : memref<1000x8xf32, #tpu.memory_space<vmem>>) dst(%dma_wait3A_325 : memref<10000x8xf32, #tpu.memory_space<vmem_shared>>)
    %dma_start3A_326 = arith.constant 7 : i32
    %dma_start3A_327 = arith.constant 1 : i32
    %dma_start3A_328 = arith.constant 0 : i32
    %dma_start3A_329 = arith.constant 0 : i32
    %dma_start3A_330 = tpu.memref_slice %arg8[%dma_start3A_327, %dma_start3A_328, %dma_start3A_329] : memref<2x1000x8xf32, #tpu.memory_space<vmem>> -> memref<1x1000x8xf32, #tpu.memory_space<vmem>>
    %dma_start3A_331 = tpu.memref_squeeze %dma_start3A_330 : memref<1x1000x8xf32, #tpu.memory_space<vmem>> -> memref<1000x8xf32, #tpu.memory_space<vmem>>
    %dma_start3A_332 = arith.constant 0 : i32
    %dma_start3A_333 = tpu.memref_slice %arg6[%dma_start3A_326, %dma_start3A_332] : memref<10x1000xi32, #tpu.memory_space<vmem>> -> memref<1x1000xi32, #tpu.memory_space<vmem>>
    %dma_start3A_334 = tpu.memref_squeeze %dma_start3A_333 : memref<1x1000xi32, #tpu.memory_space<vmem>> -> memref<1000xi32, #tpu.memory_space<vmem>>
    %dma_start3A_335 = arith.constant 0 : i32
    %dma_start3A_336 = arith.constant 0 : i32
    %dma_start3A_337 = tpu.memref_slice %arg9[%dma_start3A_335, %dma_start3A_336] : memref<10000x8xf32, #tpu.memory_space<vmem_shared>> -> memref<10000x8xf32, #tpu.memory_space<vmem_shared>>
    tpu.enqueue_indirect_dma source(%dma_start3A_337 : memref<10000x8xf32, #tpu.memory_space<vmem_shared>>) target(%dma_start3A_331 : memref<1000x8xf32, #tpu.memory_space<vmem>>) offsets(%dma_start3A_334 : memref<1000xi32, #tpu.memory_space<vmem>>) semaphore(%arg12 : memref<!tpu.dma_semaphore, #tpu.memory_space<semaphore_mem>>)
    %dma_wait3A_338 = arith.constant 7 : i32
    %dma_wait3A_339 = arith.constant 1 : i32
    %dma_wait3A_340 = arith.constant 0 : i32
    %dma_wait3A_341 = arith.constant 0 : i32
    %dma_wait3A_342 = tpu.memref_slice %arg8[%dma_wait3A_339, %dma_wait3A_340, %dma_wait3A_341] : memref<2x1000x8xf32, #tpu.memory_space<vmem>> -> memref<1x1000x8xf32, #tpu.memory_space<vmem>>
    %dma_wait3A_343 = tpu.memref_squeeze %dma_wait3A_342 : memref<1x1000x8xf32, #tpu.memory_space<vmem>> -> memref<1000x8xf32, #tpu.memory_space<vmem>>
    %dma_wait3A_344 = arith.constant 0 : i32
    %dma_wait3A_345 = tpu.memref_slice %arg6[%dma_wait3A_338, %dma_wait3A_344] : memref<10x1000xi32, #tpu.memory_space<vmem>> -> memref<1x1000xi32, #tpu.memory_space<vmem>>
    %dma_wait3A_346 = tpu.memref_squeeze %dma_wait3A_345 : memref<1x1000xi32, #tpu.memory_space<vmem>> -> memref<1000xi32, #tpu.memory_space<vmem>>
    %dma_wait3A_347 = arith.constant 0 : i32
    %dma_wait3A_348 = arith.constant 0 : i32
    %dma_wait3A_349 = tpu.memref_slice %arg9[%dma_wait3A_347, %dma_wait3A_348] : memref<10000x8xf32, #tpu.memory_space<vmem_shared>> -> memref<10000x8xf32, #tpu.memory_space<vmem_shared>>
    tpu.wait_indirect_dma semaphore(%arg12 : memref<!tpu.dma_semaphore, #tpu.memory_space<semaphore_mem>>) src(%dma_wait3A_349 : memref<10000x8xf32, #tpu.memory_space<vmem_shared>>) dst(%dma_wait3A_343 : memref<1000x8xf32, #tpu.memory_space<vmem>>)
    %dma_start3A_350 = arith.constant 1 : i32
    %dma_start3A_351 = arith.constant 7 : i32
    %dma_start3A_352 = arith.constant 0 : i32
    %dma_start3A_353 = arith.constant 0 : i32
    %dma_start3A_354 = tpu.memref_slice %arg8[%dma_start3A_350, %dma_start3A_352, %dma_start3A_353] : memref<2x1000x8xf32, #tpu.memory_space<vmem>> -> memref<1x1000x8xf32, #tpu.memory_space<vmem>>
    %dma_start3A_355 = tpu.memref_squeeze %dma_start3A_354 : memref<1x1000x8xf32, #tpu.memory_space<vmem>> -> memref<1000x8xf32, #tpu.memory_space<vmem>>
    %dma_start3A_356 = arith.constant 0 : i32
    %dma_start3A_357 = tpu.memref_slice %arg7[%dma_start3A_351, %dma_start3A_356] : memref<10x1000xi32, #tpu.memory_space<vmem>> -> memref<1x1000xi32, #tpu.memory_space<vmem>>
    %dma_start3A_358 = tpu.memref_squeeze %dma_start3A_357 : memref<1x1000xi32, #tpu.memory_space<vmem>> -> memref<1000xi32, #tpu.memory_space<vmem>>
    %dma_start3A_359 = arith.constant 0 : i32
    %dma_start3A_360 = arith.constant 0 : i32
    %dma_start3A_361 = tpu.memref_slice %arg10[%dma_start3A_359, %dma_start3A_360] : memref<10000x8xf32, #tpu.memory_space<vmem_shared>> -> memref<10000x8xf32, #tpu.memory_space<vmem_shared>>
    tpu.enqueue_indirect_dma source(%dma_start3A_355 : memref<1000x8xf32, #tpu.memory_space<vmem>>) target(%dma_start3A_361 : memref<10000x8xf32, #tpu.memory_space<vmem_shared>>) offsets(%dma_start3A_358 : memref<1000xi32, #tpu.memory_space<vmem>>) semaphore(%arg14 : memref<!tpu.dma_semaphore, #tpu.memory_space<semaphore_mem>>) {add = true}
    %dma_wait3A_362 = arith.constant 0 : i32
    %dma_wait3A_363 = arith.constant 6 : i32
    %dma_wait3A_364 = arith.constant 0 : i32
    %dma_wait3A_365 = arith.constant 0 : i32
    %dma_wait3A_366 = tpu.memref_slice %arg8[%dma_wait3A_362, %dma_wait3A_364, %dma_wait3A_365] : memref<2x1000x8xf32, #tpu.memory_space<vmem>> -> memref<1x1000x8xf32, #tpu.memory_space<vmem>>
    %dma_wait3A_367 = tpu.memref_squeeze %dma_wait3A_366 : memref<1x1000x8xf32, #tpu.memory_space<vmem>> -> memref<1000x8xf32, #tpu.memory_space<vmem>>
    %dma_wait3A_368 = arith.constant 0 : i32
    %dma_wait3A_369 = tpu.memref_slice %arg7[%dma_wait3A_363, %dma_wait3A_368] : memref<10x1000xi32, #tpu.memory_space<vmem>> -> memref<1x1000xi32, #tpu.memory_space<vmem>>
    %dma_wait3A_370 = tpu.memref_squeeze %dma_wait3A_369 : memref<1x1000xi32, #tpu.memory_space<vmem>> -> memref<1000xi32, #tpu.memory_space<vmem>>
    %dma_wait3A_371 = arith.constant 0 : i32
    %dma_wait3A_372 = arith.constant 0 : i32
    %dma_wait3A_373 = tpu.memref_slice %arg10[%dma_wait3A_371, %dma_wait3A_372] : memref<10000x8xf32, #tpu.memory_space<vmem_shared>> -> memref<10000x8xf32, #tpu.memory_space<vmem_shared>>
    tpu.wait_indirect_dma semaphore(%arg13 : memref<!tpu.dma_semaphore, #tpu.memory_space<semaphore_mem>>) src(%dma_wait3A_367 : memref<1000x8xf32, #tpu.memory_space<vmem>>) dst(%dma_wait3A_373 : memref<10000x8xf32, #tpu.memory_space<vmem_shared>>)
    %dma_start3A_374 = arith.constant 8 : i32
    %dma_start3A_375 = arith.constant 0 : i32
    %dma_start3A_376 = arith.constant 0 : i32
    %dma_start3A_377 = arith.constant 0 : i32
    %dma_start3A_378 = tpu.memref_slice %arg8[%dma_start3A_375, %dma_start3A_376, %dma_start3A_377] : memref<2x1000x8xf32, #tpu.memory_space<vmem>> -> memref<1x1000x8xf32, #tpu.memory_space<vmem>>
    %dma_start3A_379 = tpu.memref_squeeze %dma_start3A_378 : memref<1x1000x8xf32, #tpu.memory_space<vmem>> -> memref<1000x8xf32, #tpu.memory_space<vmem>>
    %dma_start3A_380 = arith.constant 0 : i32
    %dma_start3A_381 = tpu.memref_slice %arg6[%dma_start3A_374, %dma_start3A_380] : memref<10x1000xi32, #tpu.memory_space<vmem>> -> memref<1x1000xi32, #tpu.memory_space<vmem>>
    %dma_start3A_382 = tpu.memref_squeeze %dma_start3A_381 : memref<1x1000xi32, #tpu.memory_space<vmem>> -> memref<1000xi32, #tpu.memory_space<vmem>>
    %dma_start3A_383 = arith.constant 0 : i32
    %dma_start3A_384 = arith.constant 0 : i32
    %dma_start3A_385 = tpu.memref_slice %arg9[%dma_start3A_383, %dma_start3A_384] : memref<10000x8xf32, #tpu.memory_space<vmem_shared>> -> memref<10000x8xf32, #tpu.memory_space<vmem_shared>>
    tpu.enqueue_indirect_dma source(%dma_start3A_385 : memref<10000x8xf32, #tpu.memory_space<vmem_shared>>) target(%dma_start3A_379 : memref<1000x8xf32, #tpu.memory_space<vmem>>) offsets(%dma_start3A_382 : memref<1000xi32, #tpu.memory_space<vmem>>) semaphore(%arg11 : memref<!tpu.dma_semaphore, #tpu.memory_space<semaphore_mem>>)
    %dma_wait3A_386 = arith.constant 8 : i32
    %dma_wait3A_387 = arith.constant 0 : i32
    %dma_wait3A_388 = arith.constant 0 : i32
    %dma_wait3A_389 = arith.constant 0 : i32
    %dma_wait3A_390 = tpu.memref_slice %arg8[%dma_wait3A_387, %dma_wait3A_388, %dma_wait3A_389] : memref<2x1000x8xf32, #tpu.memory_space<vmem>> -> memref<1x1000x8xf32, #tpu.memory_space<vmem>>
    %dma_wait3A_391 = tpu.memref_squeeze %dma_wait3A_390 : memref<1x1000x8xf32, #tpu.memory_space<vmem>> -> memref<1000x8xf32, #tpu.memory_space<vmem>>
    %dma_wait3A_392 = arith.constant 0 : i32
    %dma_wait3A_393 = tpu.memref_slice %arg6[%dma_wait3A_386, %dma_wait3A_392] : memref<10x1000xi32, #tpu.memory_space<vmem>> -> memref<1x1000xi32, #tpu.memory_space<vmem>>
    %dma_wait3A_394 = tpu.memref_squeeze %dma_wait3A_393 : memref<1x1000xi32, #tpu.memory_space<vmem>> -> memref<1000xi32, #tpu.memory_space<vmem>>
    %dma_wait3A_395 = arith.constant 0 : i32
    %dma_wait3A_396 = arith.constant 0 : i32
    %dma_wait3A_397 = tpu.memref_slice %arg9[%dma_wait3A_395, %dma_wait3A_396] : memref<10000x8xf32, #tpu.memory_space<vmem_shared>> -> memref<10000x8xf32, #tpu.memory_space<vmem_shared>>
    tpu.wait_indirect_dma semaphore(%arg11 : memref<!tpu.dma_semaphore, #tpu.memory_space<semaphore_mem>>) src(%dma_wait3A_397 : memref<10000x8xf32, #tpu.memory_space<vmem_shared>>) dst(%dma_wait3A_391 : memref<1000x8xf32, #tpu.memory_space<vmem>>)
    %dma_start3A_398 = arith.constant 0 : i32
    %dma_start3A_399 = arith.constant 8 : i32
    %dma_start3A_400 = arith.constant 0 : i32
    %dma_start3A_401 = arith.constant 0 : i32
    %dma_start3A_402 = tpu.memref_slice %arg8[%dma_start3A_398, %dma_start3A_400, %dma_start3A_401] : memref<2x1000x8xf32, #tpu.memory_space<vmem>> -> memref<1x1000x8xf32, #tpu.memory_space<vmem>>
    %dma_start3A_403 = tpu.memref_squeeze %dma_start3A_402 : memref<1x1000x8xf32, #tpu.memory_space<vmem>> -> memref<1000x8xf32, #tpu.memory_space<vmem>>
    %dma_start3A_404 = arith.constant 0 : i32
    %dma_start3A_405 = tpu.memref_slice %arg7[%dma_start3A_399, %dma_start3A_404] : memref<10x1000xi32, #tpu.memory_space<vmem>> -> memref<1x1000xi32, #tpu.memory_space<vmem>>
    %dma_start3A_406 = tpu.memref_squeeze %dma_start3A_405 : memref<1x1000xi32, #tpu.memory_space<vmem>> -> memref<1000xi32, #tpu.memory_space<vmem>>
    %dma_start3A_407 = arith.constant 0 : i32
    %dma_start3A_408 = arith.constant 0 : i32
    %dma_start3A_409 = tpu.memref_slice %arg10[%dma_start3A_407, %dma_start3A_408] : memref<10000x8xf32, #tpu.memory_space<vmem_shared>> -> memref<10000x8xf32, #tpu.memory_space<vmem_shared>>
    tpu.enqueue_indirect_dma source(%dma_start3A_403 : memref<1000x8xf32, #tpu.memory_space<vmem>>) target(%dma_start3A_409 : memref<10000x8xf32, #tpu.memory_space<vmem_shared>>) offsets(%dma_start3A_406 : memref<1000xi32, #tpu.memory_space<vmem>>) semaphore(%arg13 : memref<!tpu.dma_semaphore, #tpu.memory_space<semaphore_mem>>) {add = true}
    %dma_wait3A_410 = arith.constant 1 : i32
    %dma_wait3A_411 = arith.constant 7 : i32
    %dma_wait3A_412 = arith.constant 0 : i32
    %dma_wait3A_413 = arith.constant 0 : i32
    %dma_wait3A_414 = tpu.memref_slice %arg8[%dma_wait3A_410, %dma_wait3A_412, %dma_wait3A_413] : memref<2x1000x8xf32, #tpu.memory_space<vmem>> -> memref<1x1000x8xf32, #tpu.memory_space<vmem>>
    %dma_wait3A_415 = tpu.memref_squeeze %dma_wait3A_414 : memref<1x1000x8xf32, #tpu.memory_space<vmem>> -> memref<1000x8xf32, #tpu.memory_space<vmem>>
    %dma_wait3A_416 = arith.constant 0 : i32
    %dma_wait3A_417 = tpu.memref_slice %arg7[%dma_wait3A_411, %dma_wait3A_416] : memref<10x1000xi32, #tpu.memory_space<vmem>> -> memref<1x1000xi32, #tpu.memory_space<vmem>>
    %dma_wait3A_418 = tpu.memref_squeeze %dma_wait3A_417 : memref<1x1000xi32, #tpu.memory_space<vmem>> -> memref<1000xi32, #tpu.memory_space<vmem>>
    %dma_wait3A_419 = arith.constant 0 : i32
    %dma_wait3A_420 = arith.constant 0 : i32
    %dma_wait3A_421 = tpu.memref_slice %arg10[%dma_wait3A_419, %dma_wait3A_420] : memref<10000x8xf32, #tpu.memory_space<vmem_shared>> -> memref<10000x8xf32, #tpu.memory_space<vmem_shared>>
    tpu.wait_indirect_dma semaphore(%arg14 : memref<!tpu.dma_semaphore, #tpu.memory_space<semaphore_mem>>) src(%dma_wait3A_415 : memref<1000x8xf32, #tpu.memory_space<vmem>>) dst(%dma_wait3A_421 : memref<10000x8xf32, #tpu.memory_space<vmem_shared>>)
    %dma_start3A_422 = arith.constant 9 : i32
    %dma_start3A_423 = arith.constant 1 : i32
    %dma_start3A_424 = arith.constant 0 : i32
    %dma_start3A_425 = arith.constant 0 : i32
    %dma_start3A_426 = tpu.memref_slice %arg8[%dma_start3A_423, %dma_start3A_424, %dma_start3A_425] : memref<2x1000x8xf32, #tpu.memory_space<vmem>> -> memref<1x1000x8xf32, #tpu.memory_space<vmem>>
    %dma_start3A_427 = tpu.memref_squeeze %dma_start3A_426 : memref<1x1000x8xf32, #tpu.memory_space<vmem>> -> memref<1000x8xf32, #tpu.memory_space<vmem>>
    %dma_start3A_428 = arith.constant 0 : i32
    %dma_start3A_429 = tpu.memref_slice %arg6[%dma_start3A_422, %dma_start3A_428] : memref<10x1000xi32, #tpu.memory_space<vmem>> -> memref<1x1000xi32, #tpu.memory_space<vmem>>
    %dma_start3A_430 = tpu.memref_squeeze %dma_start3A_429 : memref<1x1000xi32, #tpu.memory_space<vmem>> -> memref<1000xi32, #tpu.memory_space<vmem>>
    %dma_start3A_431 = arith.constant 0 : i32
    %dma_start3A_432 = arith.constant 0 : i32
    %dma_start3A_433 = tpu.memref_slice %arg9[%dma_start3A_431, %dma_start3A_432] : memref<10000x8xf32, #tpu.memory_space<vmem_shared>> -> memref<10000x8xf32, #tpu.memory_space<vmem_shared>>
    tpu.enqueue_indirect_dma source(%dma_start3A_433 : memref<10000x8xf32, #tpu.memory_space<vmem_shared>>) target(%dma_start3A_427 : memref<1000x8xf32, #tpu.memory_space<vmem>>) offsets(%dma_start3A_430 : memref<1000xi32, #tpu.memory_space<vmem>>) semaphore(%arg12 : memref<!tpu.dma_semaphore, #tpu.memory_space<semaphore_mem>>)
    %dma_wait3A_434 = arith.constant 9 : i32
    %dma_wait3A_435 = arith.constant 1 : i32
    %dma_wait3A_436 = arith.constant 0 : i32
    %dma_wait3A_437 = arith.constant 0 : i32
    %dma_wait3A_438 = tpu.memref_slice %arg8[%dma_wait3A_435, %dma_wait3A_436, %dma_wait3A_437] : memref<2x1000x8xf32, #tpu.memory_space<vmem>> -> memref<1x1000x8xf32, #tpu.memory_space<vmem>>
    %dma_wait3A_439 = tpu.memref_squeeze %dma_wait3A_438 : memref<1x1000x8xf32, #tpu.memory_space<vmem>> -> memref<1000x8xf32, #tpu.memory_space<vmem>>
    %dma_wait3A_440 = arith.constant 0 : i32
    %dma_wait3A_441 = tpu.memref_slice %arg6[%dma_wait3A_434, %dma_wait3A_440] : memref<10x1000xi32, #tpu.memory_space<vmem>> -> memref<1x1000xi32, #tpu.memory_space<vmem>>
    %dma_wait3A_442 = tpu.memref_squeeze %dma_wait3A_441 : memref<1x1000xi32, #tpu.memory_space<vmem>> -> memref<1000xi32, #tpu.memory_space<vmem>>
    %dma_wait3A_443 = arith.constant 0 : i32
    %dma_wait3A_444 = arith.constant 0 : i32
    %dma_wait3A_445 = tpu.memref_slice %arg9[%dma_wait3A_443, %dma_wait3A_444] : memref<10000x8xf32, #tpu.memory_space<vmem_shared>> -> memref<10000x8xf32, #tpu.memory_space<vmem_shared>>
    tpu.wait_indirect_dma semaphore(%arg12 : memref<!tpu.dma_semaphore, #tpu.memory_space<semaphore_mem>>) src(%dma_wait3A_445 : memref<10000x8xf32, #tpu.memory_space<vmem_shared>>) dst(%dma_wait3A_439 : memref<1000x8xf32, #tpu.memory_space<vmem>>)
    %dma_start3A_446 = arith.constant 1 : i32
    %dma_start3A_447 = arith.constant 9 : i32
    %dma_start3A_448 = arith.constant 0 : i32
    %dma_start3A_449 = arith.constant 0 : i32
    %dma_start3A_450 = tpu.memref_slice %arg8[%dma_start3A_446, %dma_start3A_448, %dma_start3A_449] : memref<2x1000x8xf32, #tpu.memory_space<vmem>> -> memref<1x1000x8xf32, #tpu.memory_space<vmem>>
    %dma_start3A_451 = tpu.memref_squeeze %dma_start3A_450 : memref<1x1000x8xf32, #tpu.memory_space<vmem>> -> memref<1000x8xf32, #tpu.memory_space<vmem>>
    %dma_start3A_452 = arith.constant 0 : i32
    %dma_start3A_453 = tpu.memref_slice %arg7[%dma_start3A_447, %dma_start3A_452] : memref<10x1000xi32, #tpu.memory_space<vmem>> -> memref<1x1000xi32, #tpu.memory_space<vmem>>
    %dma_start3A_454 = tpu.memref_squeeze %dma_start3A_453 : memref<1x1000xi32, #tpu.memory_space<vmem>> -> memref<1000xi32, #tpu.memory_space<vmem>>
    %dma_start3A_455 = arith.constant 0 : i32
    %dma_start3A_456 = arith.constant 0 : i32
    %dma_start3A_457 = tpu.memref_slice %arg10[%dma_start3A_455, %dma_start3A_456] : memref<10000x8xf32, #tpu.memory_space<vmem_shared>> -> memref<10000x8xf32, #tpu.memory_space<vmem_shared>>
    tpu.enqueue_indirect_dma source(%dma_start3A_451 : memref<1000x8xf32, #tpu.memory_space<vmem>>) target(%dma_start3A_457 : memref<10000x8xf32, #tpu.memory_space<vmem_shared>>) offsets(%dma_start3A_454 : memref<1000xi32, #tpu.memory_space<vmem>>) semaphore(%arg14 : memref<!tpu.dma_semaphore, #tpu.memory_space<semaphore_mem>>) {add = true}
    %dma_wait3A_458 = arith.constant 1 : i32
    %dma_wait3A_459 = arith.constant 9 : i32
    %dma_wait3A_460 = arith.constant 0 : i32
    %dma_wait3A_461 = arith.constant 0 : i32
    %dma_wait3A_462 = tpu.memref_slice %arg8[%dma_wait3A_458, %dma_wait3A_460, %dma_wait3A_461] : memref<2x1000x8xf32, #tpu.memory_space<vmem>> -> memref<1x1000x8xf32, #tpu.memory_space<vmem>>
    %dma_wait3A_463 = tpu.memref_squeeze %dma_wait3A_462 : memref<1x1000x8xf32, #tpu.memory_space<vmem>> -> memref<1000x8xf32, #tpu.memory_space<vmem>>
    %dma_wait3A_464 = arith.constant 0 : i32
    %dma_wait3A_465 = tpu.memref_slice %arg7[%dma_wait3A_459, %dma_wait3A_464] : memref<10x1000xi32, #tpu.memory_space<vmem>> -> memref<1x1000xi32, #tpu.memory_space<vmem>>
    %dma_wait3A_466 = tpu.memref_squeeze %dma_wait3A_465 : memref<1x1000xi32, #tpu.memory_space<vmem>> -> memref<1000xi32, #tpu.memory_space<vmem>>
    %dma_wait3A_467 = arith.constant 0 : i32
    %dma_wait3A_468 = arith.constant 0 : i32
    %dma_wait3A_469 = tpu.memref_slice %arg10[%dma_wait3A_467, %dma_wait3A_468] : memref<10000x8xf32, #tpu.memory_space<vmem_shared>> -> memref<10000x8xf32, #tpu.memory_space<vmem_shared>>
    tpu.wait_indirect_dma semaphore(%arg14 : memref<!tpu.dma_semaphore, #tpu.memory_space<semaphore_mem>>) src(%dma_wait3A_463 : memref<1000x8xf32, #tpu.memory_space<vmem>>) dst(%dma_wait3A_469 : memref<10000x8xf32, #tpu.memory_space<vmem_shared>>)
    %dma_wait3A_470 = arith.constant 0 : i32
    %dma_wait3A_471 = arith.constant 8 : i32
    %dma_wait3A_472 = arith.constant 0 : i32
    %dma_wait3A_473 = arith.constant 0 : i32
    %dma_wait3A_474 = tpu.memref_slice %arg8[%dma_wait3A_470, %dma_wait3A_472, %dma_wait3A_473] : memref<2x1000x8xf32, #tpu.memory_space<vmem>> -> memref<1x1000x8xf32, #tpu.memory_space<vmem>>
    %dma_wait3A_475 = tpu.memref_squeeze %dma_wait3A_474 : memref<1x1000x8xf32, #tpu.memory_space<vmem>> -> memref<1000x8xf32, #tpu.memory_space<vmem>>
    %dma_wait3A_476 = arith.constant 0 : i32
    %dma_wait3A_477 = tpu.memref_slice %arg7[%dma_wait3A_471, %dma_wait3A_476] : memref<10x1000xi32, #tpu.memory_space<vmem>> -> memref<1x1000xi32, #tpu.memory_space<vmem>>
    %dma_wait3A_478 = tpu.memref_squeeze %dma_wait3A_477 : memref<1x1000xi32, #tpu.memory_space<vmem>> -> memref<1000xi32, #tpu.memory_space<vmem>>
    %dma_wait3A_479 = arith.constant 0 : i32
    %dma_wait3A_480 = arith.constant 0 : i32
    %dma_wait3A_481 = tpu.memref_slice %arg10[%dma_wait3A_479, %dma_wait3A_480] : memref<10000x8xf32, #tpu.memory_space<vmem_shared>> -> memref<10000x8xf32, #tpu.memory_space<vmem_shared>>
    tpu.wait_indirect_dma semaphore(%arg13 : memref<!tpu.dma_semaphore, #tpu.memory_space<semaphore_mem>>) src(%dma_wait3A_475 : memref<1000x8xf32, #tpu.memory_space<vmem>>) dst(%dma_wait3A_481 : memref<10000x8xf32, #tpu.memory_space<vmem_shared>>)
    %barrier3A_482 = arith.constant 0 : index
    tpu.barrier barrier_id(%barrier3A_482)
    "tpu.region"() ({
      %run_scoped3A_483 = tpu.sem_alloc : memref<!tpu.dma_semaphore, #tpu.memory_space<semaphore_mem>>
      %dma_start3A_484 = arith.constant 0 : i32
      %dma_start3A_485 = arith.constant 0 : i32
      %dma_start3A_486 = tpu.memref_slice %arg5[%arg0, %dma_start3A_484, %dma_start3A_485] : memref<2x10000x8xf32, #tpu.memory_space<hbm>> -> memref<1x10000x8xf32, #tpu.memory_space<hbm>>
      %dma_start3A_487 = tpu.memref_squeeze %dma_start3A_486 : memref<1x10000x8xf32, #tpu.memory_space<hbm>> -> memref<10000x8xf32, #tpu.memory_space<hbm>>
      %dma_start3A_488 = arith.constant 0 : i32
      %dma_start3A_489 = tpu.memref_slice %dma_start3A_487[%mul3A_2, %dma_start3A_488] : memref<10000x8xf32, #tpu.memory_space<hbm>> -> memref<625x8xf32, #tpu.memory_space<hbm>>
      %dma_start3A_490 = arith.constant 0 : i32
      %dma_start3A_491 = tpu.memref_slice %arg10[%mul3A_2, %dma_start3A_490] : memref<10000x8xf32, #tpu.memory_space<vmem_shared>> -> memref<625x8xf32, #tpu.memory_space<vmem_shared>>
      tpu.enqueue_dma source(%dma_start3A_491 : memref<625x8xf32, #tpu.memory_space<vmem_shared>>) target(%dma_start3A_489 : memref<625x8xf32, #tpu.memory_space<hbm>>) target_semaphore(%run_scoped3A_483 : memref<!tpu.dma_semaphore, #tpu.memory_space<semaphore_mem>>)
      %dma_wait3A_492 = arith.constant 0 : i32
      %dma_wait3A_493 = arith.constant 0 : i32
      %dma_wait3A_494 = tpu.memref_slice %arg5[%arg0, %dma_wait3A_492, %dma_wait3A_493] : memref<2x10000x8xf32, #tpu.memory_space<hbm>> -> memref<1x10000x8xf32, #tpu.memory_space<hbm>>
      %dma_wait3A_495 = tpu.memref_squeeze %dma_wait3A_494 : memref<1x10000x8xf32, #tpu.memory_space<hbm>> -> memref<10000x8xf32, #tpu.memory_space<hbm>>
      %dma_wait3A_496 = arith.constant 0 : i32
      %dma_wait3A_497 = tpu.memref_slice %dma_wait3A_495[%mul3A_2, %dma_wait3A_496] : memref<10000x8xf32, #tpu.memory_space<hbm>> -> memref<625x8xf32, #tpu.memory_space<hbm>>
      %dma_wait3A_498 = arith.constant 0 : i32
      %dma_wait3A_499 = tpu.memref_slice %arg10[%mul3A_2, %dma_wait3A_498] : memref<10000x8xf32, #tpu.memory_space<vmem_shared>> -> memref<625x8xf32, #tpu.memory_space<vmem_shared>>
      tpu.wait_dma2 semaphore(%run_scoped3A_483 : memref<!tpu.dma_semaphore, #tpu.memory_space<semaphore_mem>>) src(%dma_wait3A_499 : memref<625x8xf32, #tpu.memory_space<vmem_shared>>) dst(%dma_wait3A_497 : memref<625x8xf32, #tpu.memory_space<hbm>>)
      tpu.yield
    }) : () -> ()
    return
  }
}

module attributes {stable_mosaic.version = 14 : i64} {
  func.func @body(%arg0: memref<10000x128xf32, #tpu.memory_space<vmem>>, %arg1: memref<128x4xf32, #tpu.memory_space<vmem>>, %arg2: memref<2x10000x8xf32, #tpu.memory_space<vmem>>, %arg3: memref<10000x1xf32, #tpu.memory_space<vmem>>, %arg4: memref<10000x8xf32, #tpu.memory_space<vmem>>) attributes {dimension_semantics = [], scalar_prefetch = 0 : i64, scratch_operands = 0 : i64, tpu.core_type = #tpu.core_type<tc>} {
    %get3A = arith.constant 0 : index
    %get3A_0 = arith.constant 0 : index
    %get3A_1 = vector.load %arg0[%get3A, %get3A_0] : memref<10000x128xf32, #tpu.memory_space<vmem>>, vector<10000x128xf32>
    %get3A_2 = arith.constant 0 : index
    %get3A_3 = arith.constant 0 : index
    %get3A_4 = vector.load %arg1[%get3A_2, %get3A_3] : memref<128x4xf32, #tpu.memory_space<vmem>>, vector<128x4xf32>
    %dot_general3A = arith.constant dense<0.000000e+00> : vector<10000x4xf32>
    %dot_general3A_5 = tpu.matmul %get3A_1, %get3A_4, %dot_general3A {dimension_numbers = #tpu.dot_dimension_numbers<[1], [0], [0], [1], [0, 0, 1, 1], [], []>, transpose_lhs_hint = false} : vector<10000x128xf32>, vector<128x4xf32>, vector<10000x4xf32> -> vector<10000x4xf32>
    %get3A_6 = arith.constant 0 : index
    %get3A_7 = arith.constant 0 : index
    %get3A_8 = arith.constant 0 : index
    %get3A_9 = vector.load %arg2[%get3A_6, %get3A_7, %get3A_8] : memref<2x10000x8xf32, #tpu.memory_space<vmem>>, vector<1x10000x8xf32>
    %get3A_10 = vector.shape_cast %get3A_9 : vector<1x10000x8xf32> to vector<10000x8xf32>
    %slice3A = vector.extract_strided_slice %get3A_10 {offsets = [0, 0], sizes = [10000, 1], strides = [1, 1]} : vector<10000x8xf32> to vector<10000x1xf32>
    %get3A_11 = arith.constant 1 : index
    %get3A_12 = arith.constant 0 : index
    %get3A_13 = arith.constant 0 : index
    %get3A_14 = vector.load %arg2[%get3A_11, %get3A_12, %get3A_13] : memref<2x10000x8xf32, #tpu.memory_space<vmem>>, vector<1x10000x8xf32>
    %get3A_15 = vector.shape_cast %get3A_14 : vector<1x10000x8xf32> to vector<10000x8xf32>
    %slice3A_16 = vector.extract_strided_slice %get3A_15 {offsets = [0, 0], sizes = [10000, 1], strides = [1, 1]} : vector<10000x8xf32> to vector<10000x1xf32>
    %add3A = arith.addf %slice3A, %slice3A_16 : vector<10000x1xf32>
    %add3A_17 = arith.constant 1.000000e+00 : f32
    %add3A_18 = vector.broadcast %add3A_17 : f32 to vector<10000x1xf32>
    %add3A_19 = arith.addf %add3A, %add3A_18 : vector<10000x1xf32>
    %rsqrt3A = math.rsqrt %add3A_19 : vector<10000x1xf32>
    %swap3A = arith.constant 0 : index
    %swap3A_20 = arith.constant 0 : index
    %swap3A_21 = vector.load %arg3[%swap3A, %swap3A_20] : memref<10000x1xf32, #tpu.memory_space<vmem>>, vector<10000x1xf32>
    tpu.vector_store %arg3[%swap3A, %swap3A_20], %rsqrt3A {strides = array<i32>} : memref<10000x1xf32, #tpu.memory_space<vmem>>, vector<10000x1xf32>,
    %mul3A = vector.broadcast %rsqrt3A : vector<10000x1xf32> to vector<10000x4xf32>
    %mul3A_22 = arith.mulf %dot_general3A_5, %mul3A : vector<10000x4xf32>
    %broadcast_in_dim3A = arith.constant 0.000000e+00 : f32
    %broadcast_in_dim3A_23 = vector.broadcast %broadcast_in_dim3A : f32 to vector<10000x4xf32>
    %concatenate3A = tpu.concatenate %mul3A_22, %broadcast_in_dim3A_23 in 1 : vector<10000x4xf32>, vector<10000x4xf32> -> vector<10000x8xf32>
    %swap3A_24 = arith.constant 0 : index
    %swap3A_25 = arith.constant 0 : index
    %swap3A_26 = vector.load %arg4[%swap3A_24, %swap3A_25] : memref<10000x8xf32, #tpu.memory_space<vmem>>, vector<10000x8xf32>
    tpu.vector_store %arg4[%swap3A_24, %swap3A_25], %concatenate3A {strides = array<i32>} : memref<10000x8xf32, #tpu.memory_space<vmem>>, vector<10000x8xf32>,
    return
  }
}

module attributes {stable_mosaic.version = 14 : i64} {
  func.func @body(%arg0: memref<10000x1xf32, #tpu.memory_space<vmem>>, %arg1: memref<10000x8xf32, #tpu.memory_space<vmem>>, %arg2: memref<2x10000x8xf32, #tpu.memory_space<vmem>>, %arg3: memref<1x4xf32, #tpu.memory_space<vmem>>, %arg4: memref<4x2xf32, #tpu.memory_space<vmem>>, %arg5: memref<10000x8xf32, #tpu.memory_space<vmem>>) attributes {dimension_semantics = [], scalar_prefetch = 0 : i64, scratch_operands = 0 : i64, tpu.core_type = #tpu.core_type<tc>} {
    %get3A = arith.constant 0 : index
    %get3A_0 = arith.constant 0 : index
    %get3A_1 = vector.load %arg1[%get3A, %get3A_0] : memref<10000x8xf32, #tpu.memory_space<vmem>>, vector<10000x4xf32>
    %get3A_2 = arith.constant 0 : index
    %get3A_3 = arith.constant 0 : index
    %get3A_4 = arith.constant 0 : index
    %get3A_5 = vector.load %arg2[%get3A_2, %get3A_3, %get3A_4] : memref<2x10000x8xf32, #tpu.memory_space<vmem>>, vector<1x10000x8xf32>
    %get3A_6 = vector.shape_cast %get3A_5 : vector<1x10000x8xf32> to vector<10000x8xf32>
    %slice3A = vector.extract_strided_slice %get3A_6 {offsets = [0, 0], sizes = [10000, 4], strides = [1, 1]} : vector<10000x8xf32> to vector<10000x4xf32>
    %add3A = arith.addf %get3A_1, %slice3A : vector<10000x4xf32>
    %get3A_7 = arith.constant 1 : index
    %get3A_8 = arith.constant 0 : index
    %get3A_9 = arith.constant 0 : index
    %get3A_10 = vector.load %arg2[%get3A_7, %get3A_8, %get3A_9] : memref<2x10000x8xf32, #tpu.memory_space<vmem>>, vector<1x10000x8xf32>
    %get3A_11 = vector.shape_cast %get3A_10 : vector<1x10000x8xf32> to vector<10000x8xf32>
    %slice3A_12 = vector.extract_strided_slice %get3A_11 {offsets = [0, 0], sizes = [10000, 4], strides = [1, 1]} : vector<10000x8xf32> to vector<10000x4xf32>
    %add3A_13 = arith.addf %add3A, %slice3A_12 : vector<10000x4xf32>
    %get3A_14 = arith.constant 0 : index
    %get3A_15 = arith.constant 0 : index
    %get3A_16 = vector.load %arg0[%get3A_14, %get3A_15] : memref<10000x1xf32, #tpu.memory_space<vmem>>, vector<10000x1xf32>
    %mul3A = vector.broadcast %get3A_16 : vector<10000x1xf32> to vector<10000x4xf32>
    %mul3A_17 = arith.mulf %mul3A, %add3A_13 : vector<10000x4xf32>
    %get3A_18 = arith.constant 0 : index
    %get3A_19 = arith.constant 0 : index
    %get3A_20 = vector.load %arg3[%get3A_18, %get3A_19] : memref<1x4xf32, #tpu.memory_space<vmem>>, vector<1x4xf32>
    %add3A_21 = vector.broadcast %get3A_20 : vector<1x4xf32> to vector<10000x4xf32>
    %add3A_22 = arith.addf %mul3A_17, %add3A_21 : vector<10000x4xf32>
    %max3A = arith.constant 0.000000e+00 : f32
    %max3A_23 = vector.broadcast %max3A : f32 to vector<10000x4xf32>
    %max3A_24 = arith.maximumf %add3A_22, %max3A_23 : vector<10000x4xf32>
    %get3A_25 = arith.constant 0 : index
    %get3A_26 = arith.constant 0 : index
    %get3A_27 = vector.load %arg4[%get3A_25, %get3A_26] : memref<4x2xf32, #tpu.memory_space<vmem>>, vector<4x2xf32>
    %dot_general3A = arith.constant dense<0.000000e+00> : vector<10000x2xf32>
    %dot_general3A_28 = tpu.matmul %max3A_24, %get3A_27, %dot_general3A {dimension_numbers = #tpu.dot_dimension_numbers<[1], [0], [0], [1], [0, 0, 1, 1], [], []>, transpose_lhs_hint = false} : vector<10000x4xf32>, vector<4x2xf32>, vector<10000x2xf32> -> vector<10000x2xf32>
    %get3A_29 = arith.constant 0 : index
    %get3A_30 = arith.constant 0 : index
    %get3A_31 = vector.load %arg0[%get3A_29, %get3A_30] : memref<10000x1xf32, #tpu.memory_space<vmem>>, vector<10000x1xf32>
    %mul3A_32 = vector.broadcast %get3A_31 : vector<10000x1xf32> to vector<10000x2xf32>
    %mul3A_33 = arith.mulf %dot_general3A_28, %mul3A_32 : vector<10000x2xf32>
    %broadcast_in_dim3A = arith.constant 0.000000e+00 : f32
    %broadcast_in_dim3A_34 = vector.broadcast %broadcast_in_dim3A : f32 to vector<10000x6xf32>
    %concatenate3A = tpu.concatenate %mul3A_33, %broadcast_in_dim3A_34 in 1 : vector<10000x2xf32>, vector<10000x6xf32> -> vector<10000x8xf32>
    %swap3A = arith.constant 0 : index
    %swap3A_35 = arith.constant 0 : index
    %swap3A_36 = vector.load %arg5[%swap3A, %swap3A_35] : memref<10000x8xf32, #tpu.memory_space<vmem>>, vector<10000x8xf32>
    tpu.vector_store %arg5[%swap3A, %swap3A_35], %concatenate3A {strides = array<i32>} : memref<10000x8xf32, #tpu.memory_space<vmem>>, vector<10000x8xf32>,
    return
  }
}

module attributes {stable_mosaic.version = 14 : i64} {
  func.func @body(%arg0: memref<10000x1xf32, #tpu.memory_space<vmem>>, %arg1: memref<10000x8xf32, #tpu.memory_space<vmem>>, %arg2: memref<2x10000x8xf32, #tpu.memory_space<vmem>>, %arg3: memref<1x2xf32, #tpu.memory_space<vmem>>, %arg4: memref<10000x2xf32, #tpu.memory_space<vmem>>) attributes {dimension_semantics = [], scalar_prefetch = 0 : i64, scratch_operands = 0 : i64, tpu.core_type = #tpu.core_type<tc>} {
    %get3A = arith.constant 0 : index
    %get3A_0 = arith.constant 0 : index
    %get3A_1 = vector.load %arg1[%get3A, %get3A_0] : memref<10000x8xf32, #tpu.memory_space<vmem>>, vector<10000x2xf32>
    %get3A_2 = arith.constant 0 : index
    %get3A_3 = arith.constant 0 : index
    %get3A_4 = arith.constant 0 : index
    %get3A_5 = vector.load %arg2[%get3A_2, %get3A_3, %get3A_4] : memref<2x10000x8xf32, #tpu.memory_space<vmem>>, vector<1x10000x8xf32>
    %get3A_6 = vector.shape_cast %get3A_5 : vector<1x10000x8xf32> to vector<10000x8xf32>
    %slice3A = vector.extract_strided_slice %get3A_6 {offsets = [0, 0], sizes = [10000, 2], strides = [1, 1]} : vector<10000x8xf32> to vector<10000x2xf32>
    %add3A = arith.addf %get3A_1, %slice3A : vector<10000x2xf32>
    %get3A_7 = arith.constant 1 : index
    %get3A_8 = arith.constant 0 : index
    %get3A_9 = arith.constant 0 : index
    %get3A_10 = vector.load %arg2[%get3A_7, %get3A_8, %get3A_9] : memref<2x10000x8xf32, #tpu.memory_space<vmem>>, vector<1x10000x8xf32>
    %get3A_11 = vector.shape_cast %get3A_10 : vector<1x10000x8xf32> to vector<10000x8xf32>
    %slice3A_12 = vector.extract_strided_slice %get3A_11 {offsets = [0, 0], sizes = [10000, 2], strides = [1, 1]} : vector<10000x8xf32> to vector<10000x2xf32>
    %add3A_13 = arith.addf %add3A, %slice3A_12 : vector<10000x2xf32>
    %get3A_14 = arith.constant 0 : index
    %get3A_15 = arith.constant 0 : index
    %get3A_16 = vector.load %arg0[%get3A_14, %get3A_15] : memref<10000x1xf32, #tpu.memory_space<vmem>>, vector<10000x1xf32>
    %mul3A = vector.broadcast %get3A_16 : vector<10000x1xf32> to vector<10000x2xf32>
    %mul3A_17 = arith.mulf %mul3A, %add3A_13 : vector<10000x2xf32>
    %get3A_18 = arith.constant 0 : index
    %get3A_19 = arith.constant 0 : index
    %get3A_20 = vector.load %arg3[%get3A_18, %get3A_19] : memref<1x2xf32, #tpu.memory_space<vmem>>, vector<1x2xf32>
    %add3A_21 = vector.broadcast %get3A_20 : vector<1x2xf32> to vector<10000x2xf32>
    %add3A_22 = arith.addf %mul3A_17, %add3A_21 : vector<10000x2xf32>
    %swap3A = arith.constant 0 : index
    %swap3A_23 = arith.constant 0 : index
    %swap3A_24 = vector.load %arg4[%swap3A, %swap3A_23] : memref<10000x2xf32, #tpu.memory_space<vmem>>, vector<10000x2xf32>
    tpu.vector_store %arg4[%swap3A, %swap3A_23], %add3A_22 {strides = array<i32>} : memref<10000x2xf32, #tpu.memory_space<vmem>>, vector<10000x2xf32>,
    return
  }
}

</mosaic_0001>

<sc_bundles>
// kernel: kernel.11.cloned.1.call-start
scs
__scs_entry_jumppad:
0x0: {  	(pc) =	sbr.rel $0x88, $3  }
0x1: {  	(tag) =	ssettag $0x0;
	lr =	simm.s32 $0x1  }
0x2: {  	[smem:$0x3F9B] =	sst lr;
	_ =	strace $0xD0000000  }
0x3: {  	_ = 	snop  }
0x4: {  	_ = 	snop  }
0x5: {  	_ = 	snop  }
0x6: {  	_ = 	snop  }
0x7: {  	_ = 	snop  }
__scs_overlays_trampoline_lowered:
0x8: {  	[smem:$0x3FAA] =	sst s0  }
0x9: {  	[smem:$0x3FAB] =	sst s1  }
0xa: {  	[smem:$0x3FAC] =	sst s2  }
0xb: {  	[smem:$0x3FAD] =	sst s3  }
0xc: {  	[smem:$0x3FAE] =	sst s4  }
0xd: {  	[smem:$0x3FAF] =	sst s5  }
0xe: {  	[smem:$0x3FB0] =	sst s6  }
0xf: {  	[smem:$0x3FB1] =	sst s7  }
0x10: {  	[smem:$0x3FB2] =	sst s8  }
0x11: {  	[smem:$0x3FB3] =	sst s9;
	s0 =	simm.s32 @!p0 $0x0  }
0x12: {  	s1 =	sld [smem:$0x3F99];
	s0 =	simm.s32 @p0 $0x1  }
0x13: {  	[smem:$0x3FB4] =	sst s0;
	s0 =	simm.s32 @!p1 $0x0  }
0x14: {  	s2 =	sld [smem:$0x3F98];
	s0 =	simm.s32 @p1 $0x1  }
0x15: {  	[smem:$0x3FB5] =	sst s0;
	s0 =	simm.s32 @!p2 $0x0  }
0x16: {  	s3 =	sld [smem:$0x3FDB];
	s0 =	simm.s32 @p2 $0x1  }
0x17: {  	s4 =	simm.s32 $0x1BF5;
	[smem:$0x3FB7] =	sst s0  }
0x18: {  	s0 =	sld [smem:$0x3F9A];
	_ =	swait.ge [sflag:s4], $0x0  }
0x19: {  	s7 =	sld [smem:$0x3F9B]  }
0x1a: {  	s8 =	sadd.s32 $0xFFFFE003, lr  }
0x1b: {  	s9 =	sadd.s32 $0xFFFFFEF7, lr;
	s5 =	simm.s32 $0xFFFFFFFF;
	p2 =	slt.u32 s8, $0xFFFFF086  }
0x1c: {  	p1 =	slt.u32 s9, $0xF7A;
	s5 =	simm.s32 @!p2 $0x0  }
0x1d: {  	s5 =	simm.s32 @p1 $0x1;
	p0 =	seq.s32 s7, s2  }
0x1e: {  	s7 =	smul.u32 @!p0 $0xF7A, s2;
	p2 =	seq.s32 @!p0 s5, $0x0  }
0x1f: {  	s9 =	smul.u32 $0xF7A, s1;
	s8 =	simm.s32 @!p0 $0x1BF5;
	p2 =	por !p2, p0  }
0x20: {  	[sflag:s8] =	ssyncset.s32 @!p0 $0xFFFFF086;
	s6 =	sadd.s32 @!p0 s3, s7;
	s7 =	simm.s32 @!p0 $0x108  }
0x21: {  	s3 =	sadd.s32 s3, s9;
	s6 =	sadd.s32 @!p0 $0x88, s6;
	s7 =	simm.s32 @p2 $0x1082  }
0x22: {  	[simem:s7], [sflag:s8] =	dma.local @!p0 [hbm:s6], $0xF7A  }
0x23: {  	s9 =	sor.u32 $0xD0000000, s2;
	s6 =	simm.s32 $0x108;
	_ =	swait.ge @!p0 [sflag:s8], $0x0  }
0x24: {  	s3 =	sadd.s32 $0x88, s3;
	s6 =	simm.s32 @!p1 $0x1082;
	[sflag:s4] =	ssyncset.s32 $0xFFFFF086  }
0x25: {  	[simem:s6], [sflag:s4] =	dma.local [hbm:s3], $0xF7A  }
0x26: {  	[smem:$0x3F9B] =	sst s1;
	(tag) =	ssettag s2;
	_ =	strace s9  }
0x27: {  	s1 =	sld [smem:$0x3FAB]  }
0x28: {  	s2 =	sld [smem:$0x3FAC]  }
0x29: {  	s4 =	sld [smem:$0x3FAE]  }
0x2a: {  	p0 =	seq.s32 s5, $0x0;
	s5 =	sld [smem:$0x3FAF]  }
0x2b: {  	s6 =	sld [smem:$0x3FB0]  }
0x2c: {  	s7 =	sld [smem:$0x3FB1]  }
0x2d: {  	s3 =	simm.s32 $0x108;
	s8 =	sld [smem:$0x3FB2]  }
0x2e: {  	s3 =	simm.s32 @!p0 $0x1082;
	s9 =	sld [smem:$0x3FB3]  }
0x2f: {  	lr =	sadd.s32 s0, s3;
	s0 =	sld [smem:$0x3FAA]  }
0x30: {  	s3 =	sld [smem:$0x3FAD]  }
0x31: {  	[smem:$0x3FB6] =	sst s10  }
0x32: {  	s10 =	sld [smem:$0x3FB4];
	_ =	sdelay $0x3  }
0x33: {  	p0 =	seq.s32 s10, $0x1;
	s10 =	sld [smem:$0x3FB6];
	_ =	sdelay $0x3  }
0x34: {  	[smem:$0x3FB6] =	sst s10  }
0x35: {  	s10 =	sld [smem:$0x3FB5];
	_ =	sdelay $0x3  }
0x36: {  	p1 =	seq.s32 s10, $0x1;
	s10 =	sld [smem:$0x3FB6];
	_ =	sdelay $0x3  }
0x37: {  	[smem:$0x3FB6] =	sst s10  }
0x38: {  	s10 =	sld [smem:$0x3FB7]  }
0x39: {  	_ = 	snop;
	(pc) =	sbr.ind lr, $3  }
0x3a: {  	_ = 	snop  }
0x3b: {  	_ = 	snop  }
0x3c: {  	p2 =	seq.s32 s10, $0x1;
	s10 =	sld [smem:$0x3FB6]  }
0x3d: {  	_ =	shalt  }
0x3e: {  	_ =	shalt  }
0x3f: {  	_ =	shalt  }
0x40: {  	_ =	shalt  }
0x41: {  	_ =	shalt  }
0x42: {  	_ =	shalt  }
0x43: {  	_ =	shalt  }
0x44: {  	_ =	shalt  }
0x45: {  	_ =	shalt  }
0x46: {  	_ =	shalt  }
0x47: {  	_ =	shalt  }
0x48: {  	_ =	shalt  }
0x49: {  	_ =	shalt  }
0x4a: {  	_ =	shalt  }
0x4b: {  	_ =	shalt  }
0x4c: {  	_ =	shalt  }
0x4d: {  	_ =	shalt  }
0x4e: {  	_ =	shalt  }
0x4f: {  	_ =	shalt  }
0x50: {  	_ =	shalt  }
0x51: {  	_ =	shalt  }
0x52: {  	_ =	shalt  }
0x53: {  	_ =	shalt  }
0x54: {  	_ =	shalt  }
0x55: {  	_ =	shalt  }
0x56: {  	_ =	shalt  }
0x57: {  	_ =	shalt  }
0x58: {  	_ =	shalt  }
0x59: {  	_ =	shalt  }
0x5a: {  	_ =	shalt  }
0x5b: {  	_ =	shalt  }
0x5c: {  	_ =	shalt  }
0x5d: {  	_ =	shalt  }
0x5e: {  	_ =	shalt  }
0x5f: {  	_ =	shalt  }
0x60: {  	_ =	shalt  }
0x61: {  	_ =	shalt  }
0x62: {  	_ =	shalt  }
0x63: {  	_ =	shalt  }
0x64: {  	_ =	shalt  }
0x65: {  	_ =	shalt  }
0x66: {  	_ =	shalt  }
0x67: {  	_ =	shalt  }
0x68: {  	_ =	shalt  }
0x69: {  	_ =	shalt  }
0x6a: {  	_ =	shalt  }
0x6b: {  	_ =	shalt  }
0x6c: {  	_ =	shalt  }
0x6d: {  	_ =	shalt  }
0x6e: {  	_ =	shalt  }
0x6f: {  	_ =	shalt  }
0x70: {  	_ =	shalt  }
0x71: {  	_ =	shalt  }
0x72: {  	_ =	shalt  }
0x73: {  	_ =	shalt  }
0x74: {  	_ =	shalt  }
0x75: {  	_ =	shalt  }
0x76: {  	_ =	shalt  }
0x77: {  	_ =	shalt  }
0x78: {  	_ =	shalt  }
0x79: {  	_ =	shalt  }
0x7a: {  	_ =	shalt  }
0x7b: {  	_ =	shalt  }
0x7c: {  	_ =	shalt  }
0x7d: {  	_ =	shalt  }
0x7e: {  	_ =	shalt  }
0x7f: {  	_ =	shalt  }
0x80: {  	_ =	shalt  }
0x81: {  	_ =	shalt  }
0x82: {  	_ =	shalt  }
0x83: {  	_ =	shalt  }
0x84: {  	_ =	shalt  }
0x85: {  	_ =	shalt  }
0x86: {  	_ =	shalt  }
0x87: {  	_ =	shalt  }
.Lfunc_end0:
.L_simem_size_0:
called_computation.1_lowered:
.L_overlay_start_0:
0x88: {  	s2 =	sld [smem:$0x3FD9]  }
0x89: {  	s3 =	sld [smem:$0x3FFE];
	_ =	sdelay $0x1  }
0x8a: {  	s1 =	srdreg.scid  }
0x8b: {  	s0 =	sand.u32 $0x1, s1  }
0x8c: {  	s16 =	sshll.u32 s0, $0xA;
	s2 =	sadd.s32 s3, s2  }
0x8d: {  	s2 =	sadd.s32 s2, s16  }
0x8e: {  	[smem:$0x3FC2] =	sst s2  }
0x8f: {  	_ = 	snop  }
0x90: {  	(tm) =	ssettm $0x1  }
0x91: {  	s17 =	sld [smem:$0x3FFB];
	_ =	sdelay $0x3  }
0x92: {  	_ =	strace s17  }
0x93: {  	s2 =	sld [smem:$0x3FFC];
	_ =	sdelay $0x3  }
0x94: {  	_ =	strace s2  }
0x95: {  	s2 =	sld [smem:$0x3FFD];
	_ =	sdelay $0x3  }
0x96: {  	_ =	strace s2  }
0x97: {  	_ =	strace $0x8FFFFFFF  }
0x98: {  	s18 =	sld [smem:$0x3FDB];
	_ =	sdelay $0x1  }
0x99: {  	s19 =	simm.s32 $_scs_section_size  }
0x9a: {  	s4 =	simm.s32 $_size__tile_overlayer_lowered;
	s5 =	simm.s32 $_tile_overlayer_lowered  }
0x9b: {  	s22 =	simm.s32 $0x1BFF;
	s21 =	sshll.u32 s5, $0x1;
	s2 =	sadd.s32 s19, s18  }
0x9c: {  	s6 =	simm.s32 $0x0;
	s20 =	sshll.u32 s4, $0x1;
	s4 =	sadd.s32 s21, s2  }
0x9d: {  	[timem:s6], [sflag:s22] =	dma.local [hbm:s4], s20  }
0x9e: {  	_ =	swait.ge [sflag:s22], s20  }
0x9f: {  	s3 =	ssub.s32 $0x0, s20;
	[sflag:s22] =	ssyncset.done $0x0  }
0xa0: {  	[sflag:s22] =	ssyncadd.s32 s3;
	_ =	sdelay $0x1  }
0xa1: {  	s23 =	simm.s32 $0x1B8B  }
0xa2: {  	_ =	swait.ge [sflag:s23], $0x1  }
0xa3: {  	[sflag:s23] =	ssyncset.done $0x0  }
0xa4: {  	s25 =	simm.s32 $0x1B8E;
	s24 =	sld [smem:$0x3FFE];
	[sflag:s23] =	ssyncadd.s32 $0xFFFFFFFF  }
0xa5: {  	s26 =	simm.s32 $execute0_lowered;
	[smem:$0x3FD2] =	sst s25  }
0xa6: {  	s4 =	sshll.u32 s26, $0x1;
	_ =	strace $0x80000049;
	[dreg:$0x1] =	wrdreg $0xFFFFFFFF  }
0xa7: {  	s28 =	simm.s32 $_size_execute0_lowered;
	s2 =	sadd.s32 s2, s4;
	[dreg:$0x0] =	wrdreg $0x0  }
0xa8: {  	s4 =	sshll.u32 s28, $0x1;
	[dreg:$0x2] =	wrdreg s2  }
0xa9: {  	[dreg:$0x3] =	wrdreg s4  }
0xaa: {  	[dreg:$0x4] =	wrdreg $0xC0  }
0xab: {  	_ =	task [dreg:s6], $0x5FFFF  }
0xac: {  	[dreg:$0x1] =	wrdreg $0xFFFFFFFF  }
0xad: {  	[dreg:$0x0] =	wrdreg $0x60  }
0xae: {  	[dreg:$0x2] =	wrdreg s24  }
0xaf: {  	[dreg:$0x3] =	wrdreg $0xA0280  }
0xb0: {  	[dreg:$0x4] =	wrdreg $0x8CA00  }
0xb1: {  	[dreg:$0x5] =	wrdreg $0x9  }
0xb2: {  	_ =	task.clear_ibuf [dreg:s6], $0x6FFFF;
	_ =	strace $0x90000049  }
0xb3: {  	s29 =	simm.s32 $0x9;
	_ =	strace $0x8000004B  }
0xb4: {  	_ =	swait.ge [sflag:s29], $0x1  }
0xb5: {  	[sflag:s29] =	ssyncadd.s32 $0xFFFFFFFF  }
0xb6: {  	_ =	strace $0x9000004B  }
0xb7: {  	_ =	sfence  }
0xb8: {  	s30 =	sld [smem:$0x0];
	_ =	sdelay $0x2  }
0xb9: {  	s31 =	sshll.u32 s1, $0xD;
	s1 =	sshrl.u32 s1, $0x2  }
0xba: {  	s3 =	sand.u32 $0x4000, s31;
	s1 =	sadd.s32 s1, s30  }
0xbb: {  	s0 =	sor.u32 s3, s0;
	s1 =	sshll.u32 s1, $0x11  }
0xbc: {  	s0 =	sor.u32 s1, s0  }
0xbd: {  	s0 =	sadd.s32 $0x8F2B, s0  }
0xbe: {  	[sflag:s0] =	ssyncadd.remote.s32 $0x1  }
0xbf: {  	_ =	sfence.sel $0xFFFF  }
0xc0: {  	[dreg:$0x0] =	wrdreg $0xFFFFFFFF;
	(pc) =	sbr.abs _section_cstart, $3  }
0xc1: {  	[dreg:$0x1] =	wrdreg $0xFFFFFFFF  }
0xc2: {  	_ =	task.clear_ibuf [dreg:s6], $0x2FFFF;
	_ =	strace $0x9FFFFFFF  }
0xc3: {  	(tm) =	ssettm $0x7FFFFFFF  }
tec
execute0_lowered:
.L_overlay_start_1:
0x0: {  	(tag) =	ssettag $0x1  }
0x1: {  	s31 =	rddreg [dreg:$0x0]  }
0x2: {  	s2 =	rddreg [dreg:$0x1];
	s10 =	stileid.u32  }
0x3: {  	s3 =	rddreg [dreg:$0x2];
	s5 =	smul.u32 $0x1388, s10  }
0x4: {  	s0 =	srdreg.scid;
	s4 =	simm.s32 $0x0;
	s15 =	simm.s32 $0x2AF8  }
0x5: {  	s18 =	simm.s32 $0x7D0;
	[smem:$0x7FF] =	sst s4;
	s11 =	sshrl.u32 s5, $0x3  }
0x6: {  	s20 =	simm.s32 $0x2EE0;
	s1 =	sand.u32 $0x1, s0;
	[dreg:$0xc] =	wrdreg s11  }
0x7: {  	s6 =	sshll.u32 s10, $0x1;
	_ =	strace $0x8000004A;
	[dreg:$0x9] =	wrdreg s15  }
0x8: {  	s6 =	sor.u32 s1, s6;
	s7 =	sadd.s32 s11, s31;
	[dreg:$0xa] =	wrdreg s18  }
0x9: {  	s6 =	smul.u32 $0x4E2, s6;
	s8 =	sadd.s32 $0x15800, s7;
	[dreg:$0xb] =	wrdreg s20  }
0xa: {  	s14 =	sadd.s32 $0xBA40, s31;
	s7 =	sadd.s32 $0x18000, s7;
	[dreg:$0x4] =	wrdreg s8  }
0xb: {  	s9 =	sadd.s32 s6, s31;
	s6 =	sadd.s32 s6, s14;
	[dreg:$0x5] =	wrdreg s7  }
0xc: {  	s12 =	sadd.s32 s5, s3;
	s13 =	sadd.s32 $0x1E00, s9;
	[dreg:$0x8] =	wrdreg s6  }
0xd: {  	s17 =	sshll.u32 s10, $0x6;
	s8 =	sshrl.u32 s12, $0x3;
	[dreg:$0x6] =	wrdreg s13  }
0xe: {  	s16 =	sadd.s32 s5, s2;
	s5 =	sor.u32 $0x1C05, s17;
	[dreg:$0x7] =	wrdreg s8  }
0xf: {  	s7 =	sshrl.u32 s16, $0x3;
	s6 =	simm.s32 $0x5;
	s19 =	rddreg [dreg:$0x4]  }
0x10: {  	[spmem:s7], [sflag:s5] =	dma.local [hbm:s19], $0x271  }
0x11: {  	_ =	swait.ge [sflag:s6], $0x271  }
0x12: {  	s21 =	rddreg [dreg:$0x5];
	[sflag:s6] =	ssyncset.done $0x0  }
0x13: {  	s22 =	rddreg [dreg:$0x7];
	[sflag:s6] =	ssyncadd.s32 $0xFFFFFD8F  }
0x14: {  	[spmem:s22], [sflag:s5] =	dma.local [hbm:s21], $0x271  }
0x15: {  	_ =	swait.ge [sflag:s6], $0x271  }
0x16: {  	[sflag:s6] =	ssyncset.done $0x0  }
0x17: {  	s23 =	rddreg [dreg:$0x6];
	[sflag:s6] =	ssyncadd.s32 $0xFFFFFD8F  }
0x18: {  	[tilespmem:s4], [sflag:$0x5] =	stream.linear.gather [hbm4b:s23+s4], $0x2710, $0x38;
	[tilespmem:$0xB3B0] =	vst v63  }
0x19: {  	_ =	swait.ge [sflag:s6], $0x2710  }
0x1a: {  	[sflag:s6] =	ssyncset.done $0x0  }
0x1b: {  	s8 =	simm.s32 $0x2710;
	s24 =	rddreg [dreg:$0x8];
	[sflag:s6] =	ssyncadd.s32 $0xFFFFD8F0  }
0x1c: {  	[tilespmem:s8], [sflag:$0x5] =	stream.linear.gather [hbm4b:s24+s4], $0x2710, $0x38;
	[tilespmem:$0xB3B0] =	vst v63  }
0x1d: {  	_ =	swait.ge [sflag:s6], $0x2710  }
0x1e: {  	[sflag:s6] =	ssyncset.done $0x0  }
0x1f: {  	s10 =	simm.s32 $0x4E20;
	[sflag:s6] =	ssyncadd.s32 $0xFFFFD8F0  }
0x20: {  	s11 =	simm.s32 $0x1;
	s9 =	simm.s32 $0x3E8;
	[bflag:$0x0] =	sbarrier.arrive $0xFFFF  }
0x21: {  	[tilespmem:s10], [sflag:$0x1] =	stream.indirect.gather [spmem:s3], $0x8, s4, s9, $0xb8;
	[tilespmem:$0xB3B0] =	vst v63  }
0x22: {  	_ =	swait.ge [sflag:s11], $0x1F40  }
0x23: {  	[sflag:s11] =	ssyncset.done $0x0  }
0x24: {  	[sflag:s11] =	ssyncadd.s32 $0xFFFFE0C0  }
0x25: {  	[spmem:s2] =	stream.indirect.scatter.add.f32 [tilespmem:s10], [sflag:$0x3], $0x8, s8, s9, $0xb8;
	[tilespmem:$0xB3B0] =	vst v63  }
0x26: {  	s12 =	simm.s32 $0x6D60;
	s13 =	simm.s32 $0x2  }
0x27: {  	[tilespmem:s12], [sflag:$0x2] =	stream.indirect.gather [spmem:s3], $0x8, s9, s9, $0xb8;
	[tilespmem:$0xB3B0] =	vst v63  }
0x28: {  	_ =	swait.ge [sflag:s13], $0x1F40  }
0x29: {  	[sflag:s13] =	ssyncset.done $0x0  }
0x2a: {  	s14 =	simm.s32 $0x3;
	s15 =	rddreg [dreg:$0x9];
	[sflag:s13] =	ssyncadd.s32 $0xFFFFE0C0  }
0x2b: {  	[spmem:s2] =	stream.indirect.scatter.add.f32 [tilespmem:s12], [sflag:$0x4], $0x8, s15, s9, $0xb8;
	[tilespmem:$0xB3B0] =	vst v63  }
0x2c: {  	_ =	swait.ge [sflag:s14], $0x1F40  }
0x2d: {  	[sflag:s14] =	ssyncset.done $0x0  }
0x2e: {  	s25 =	rddreg [dreg:$0xa];
	[sflag:s14] =	ssyncadd.s32 $0xFFFFE0C0  }
0x2f: {  	[tilespmem:s10], [sflag:$0x1] =	stream.indirect.gather [spmem:s3], $0x8, s25, s9, $0xb8;
	[tilespmem:$0xB3B0] =	vst v63  }
0x30: {  	_ =	swait.ge [sflag:s11], $0x1F40  }
0x31: {  	[sflag:s11] =	ssyncset.done $0x0  }
0x32: {  	s15 =	simm.s32 $0x4;
	s16 =	rddreg [dreg:$0xb];
	[sflag:s11] =	ssyncadd.s32 $0xFFFFE0C0  }
0x33: {  	[spmem:s2] =	stream.indirect.scatter.add.f32 [tilespmem:s10], [sflag:$0x3], $0x8, s16, s9, $0xb8;
	[tilespmem:$0xB3B0] =	vst v63  }
0x34: {  	_ =	swait.ge [sflag:s15], $0x1F40  }
0x35: {  	[sflag:s15] =	ssyncset.done $0x0  }
0x36: {  	s26 =	simm.s32 $0xBB8;
	[sflag:s15] =	ssyncadd.s32 $0xFFFFE0C0  }
0x37: {  	[tilespmem:s12], [sflag:$0x2] =	stream.indirect.gather [spmem:s3], $0x8, s26, s9, $0xb8;
	[tilespmem:$0xB3B0] =	vst v63  }
0x38: {  	_ =	swait.ge [sflag:s13], $0x1F40  }
0x39: {  	[sflag:s13] =	ssyncset.done $0x0  }
0x3a: {  	s17 =	simm.s32 $0x32C8;
	[sflag:s13] =	ssyncadd.s32 $0xFFFFE0C0  }
0x3b: {  	[spmem:s2] =	stream.indirect.scatter.add.f32 [tilespmem:s12], [sflag:$0x4], $0x8, s17, s9, $0xb8;
	[tilespmem:$0xB3B0] =	vst v63  }
0x3c: {  	_ =	swait.ge [sflag:s14], $0x1F40  }
0x3d: {  	[sflag:s14] =	ssyncset.done $0x0  }
0x3e: {  	s18 =	simm.s32 $0xFA0;
	[sflag:s14] =	ssyncadd.s32 $0xFFFFE0C0  }
0x3f: {  	[tilespmem:s10], [sflag:$0x1] =	stream.indirect.gather [spmem:s3], $0x8, s18, s9, $0xb8;
	[tilespmem:$0xB3B0] =	vst v63  }
0x40: {  	_ =	swait.ge [sflag:s11], $0x1F40  }
0x41: {  	[sflag:s11] =	ssyncset.done $0x0  }
0x42: {  	s19 =	simm.s32 $0x36B0;
	[sflag:s11] =	ssyncadd.s32 $0xFFFFE0C0  }
0x43: {  	[spmem:s2] =	stream.indirect.scatter.add.f32 [tilespmem:s10], [sflag:$0x3], $0x8, s19, s9, $0xb8;
	[tilespmem:$0xB3B0] =	vst v63  }
0x44: {  	_ =	swait.ge [sflag:s15], $0x1F40  }
0x45: {  	[sflag:s15] =	ssyncset.done $0x0  }
0x46: {  	s20 =	simm.s32 $0x1388;
	[sflag:s15] =	ssyncadd.s32 $0xFFFFE0C0  }
0x47: {  	[tilespmem:s12], [sflag:$0x2] =	stream.indirect.gather [spmem:s3], $0x8, s20, s9, $0xb8;
	[tilespmem:$0xB3B0] =	vst v63  }
0x48: {  	_ =	swait.ge [sflag:s13], $0x1F40  }
0x49: {  	[sflag:s13] =	ssyncset.done $0x0  }
0x4a: {  	s21 =	simm.s32 $0x3A98;
	[sflag:s13] =	ssyncadd.s32 $0xFFFFE0C0  }
0x4b: {  	[spmem:s2] =	stream.indirect.scatter.add.f32 [tilespmem:s12], [sflag:$0x4], $0x8, s21, s9, $0xb8;
	[tilespmem:$0xB3B0] =	vst v63  }
0x4c: {  	_ =	swait.ge [sflag:s14], $0x1F40  }
0x4d: {  	[sflag:s14] =	ssyncset.done $0x0  }
0x4e: {  	s22 =	simm.s32 $0x1770;
	[sflag:s14] =	ssyncadd.s32 $0xFFFFE0C0  }
0x4f: {  	[tilespmem:s10], [sflag:$0x1] =	stream.indirect.gather [spmem:s3], $0x8, s22, s9, $0xb8;
	[tilespmem:$0xB3B0] =	vst v63  }
0x50: {  	_ =	swait.ge [sflag:s11], $0x1F40  }
0x51: {  	[sflag:s11] =	ssyncset.done $0x0  }
0x52: {  	s23 =	simm.s32 $0x3E80;
	[sflag:s11] =	ssyncadd.s32 $0xFFFFE0C0  }
0x53: {  	[spmem:s2] =	stream.indirect.scatter.add.f32 [tilespmem:s10], [sflag:$0x3], $0x8, s23, s9, $0xb8;
	[tilespmem:$0xB3B0] =	vst v63  }
0x54: {  	_ =	swait.ge [sflag:s15], $0x1F40  }
0x55: {  	[sflag:s15] =	ssyncset.done $0x0  }
0x56: {  	s24 =	simm.s32 $0x1B58;
	[sflag:s15] =	ssyncadd.s32 $0xFFFFE0C0  }
0x57: {  	[tilespmem:s12], [sflag:$0x2] =	stream.indirect.gather [spmem:s3], $0x8, s24, s9, $0xb8;
	[tilespmem:$0xB3B0] =	vst v63  }
0x58: {  	_ =	swait.ge [sflag:s13], $0x1F40  }
0x59: {  	[sflag:s13] =	ssyncset.done $0x0  }
0x5a: {  	s25 =	simm.s32 $0x4268;
	[sflag:s13] =	ssyncadd.s32 $0xFFFFE0C0  }
0x5b: {  	[spmem:s2] =	stream.indirect.scatter.add.f32 [tilespmem:s12], [sflag:$0x4], $0x8, s25, s9, $0xb8;
	[tilespmem:$0xB3B0] =	vst v63  }
0x5c: {  	_ =	swait.ge [sflag:s14], $0x1F40  }
0x5d: {  	[sflag:s14] =	ssyncset.done $0x0  }
0x5e: {  	s26 =	simm.s32 $0x1F40;
	[sflag:s14] =	ssyncadd.s32 $0xFFFFE0C0  }
0x5f: {  	[tilespmem:s10], [sflag:$0x1] =	stream.indirect.gather [spmem:s3], $0x8, s26, s9, $0xb8;
	[tilespmem:$0xB3B0] =	vst v63  }
0x60: {  	_ =	swait.ge [sflag:s11], $0x1F40  }
0x61: {  	[sflag:s11] =	ssyncset.done $0x0  }
0x62: {  	s28 =	simm.s32 $0x4650;
	[sflag:s11] =	ssyncadd.s32 $0xFFFFE0C0  }
0x63: {  	[spmem:s2] =	stream.indirect.scatter.add.f32 [tilespmem:s10], [sflag:$0x3], $0x8, s28, s9, $0xb8;
	[tilespmem:$0xB3B0] =	vst v63  }
0x64: {  	_ =	swait.ge [sflag:s15], $0x1F40  }
0x65: {  	[sflag:s15] =	ssyncset.done $0x0  }
0x66: {  	s29 =	simm.s32 $0x2328;
	[sflag:s15] =	ssyncadd.s32 $0xFFFFE0C0  }
0x67: {  	[tilespmem:s12], [sflag:$0x2] =	stream.indirect.gather [spmem:s3], $0x8, s29, s9, $0xb8;
	[tilespmem:$0xB3B0] =	vst v63  }
0x68: {  	_ =	swait.ge [sflag:s13], $0x1F40  }
0x69: {  	[sflag:s13] =	ssyncset.done $0x0  }
0x6a: {  	s30 =	simm.s32 $0x4A38;
	[sflag:s13] =	ssyncadd.s32 $0xFFFFE0C0  }
0x6b: {  	[spmem:s2] =	stream.indirect.scatter.add.f32 [tilespmem:s12], [sflag:$0x4], $0x8, s30, s9, $0xb8;
	[tilespmem:$0xB3B0] =	vst v63  }
0x6c: {  	_ =	swait.ge [sflag:s15], $0x1F40  }
0x6d: {  	s16 =	smul.u32 $0x2710, s1;
	[sflag:s15] =	ssyncset.done $0x0  }
0x6e: {  	s1 =	ssub.s32 $0x2, s1;
	[sflag:s15] =	ssyncadd.s32 $0xFFFFE0C0  }
0x6f: {  	s0 =	sadd.s32 s16, s31;
	s31 =	sshrl.u32 s1, $0x1;
	_ =	swait.ge [sflag:s14], $0x1F40  }
0x70: {  	s1 =	ssub.s32 s1, s31;
	s0 =	sadd.s32 $0x1A800, s0;
	s16 =	rddreg [dreg:$0xc]  }
0x71: {  	s31 =	sadd.s32 s16, s0;
	s16 =	smax.u32 s1, $0x1  }
0x72: {  	p0 =	sne.s32 s16, $0x1  }
.Ltmp0:
0x73: {  	[sflag:s14] =	ssyncset.done $0x0;
	(pc) =	sbr.rel @!p0 .LBB2_2-.Ltmp0, $4  }
0x74: {  	[sflag:s14] =	ssyncadd.s32 $0xFFFFE0C0  }
0x75: {  	[bflag:$0x0] =	sbarrier.arrive $0xFFFF  }
0x76: {  	[hbm:s31], [sflag:s5] =	dma.local [spmem:s7], $0x271  }
0x77: {  	s1 =	sadd.s32 $0xFFFFFFFF, s16;
	_ =	swait.ge [sflag:s6], $0x271  }
.LBB2_1:
0x78: {  	[sflag:s6] =	ssyncset.done $0x0  }
0x79: {  	s0 =	rddreg [dreg:$0x4];
	[sflag:s6] =	ssyncadd.s32 $0xFFFFFD8F  }
0x7a: {  	[spmem:s7], [sflag:s5] =	dma.local [hbm:s0], $0x271  }
0x7b: {  	_ =	swait.ge [sflag:s6], $0x271  }
0x7c: {  	[sflag:s6] =	ssyncset.done $0x0;
	s0 =	rddreg [dreg:$0x5]  }
0x7d: {  	s16 =	rddreg [dreg:$0x7];
	[sflag:s6] =	ssyncadd.s32 $0xFFFFFD8F  }
0x7e: {  	[spmem:s16], [sflag:s5] =	dma.local [hbm:s0], $0x271  }
0x7f: {  	_ =	swait.ge [sflag:s6], $0x271  }
0x80: {  	[sflag:s6] =	ssyncset.done $0x0  }
0x81: {  	s16 =	rddreg [dreg:$0x6];
	[sflag:s6] =	ssyncadd.s32 $0xFFFFFD8F  }
0x82: {  	[tilespmem:s4], [sflag:$0x5] =	stream.linear.gather [hbm4b:s16+s4], $0x2710, $0x38;
	[tilespmem:$0xB3B0] =	vst v63  }
0x83: {  	_ =	swait.ge [sflag:s6], $0x2710  }
0x84: {  	[sflag:s6] =	ssyncset.done $0x0  }
0x85: {  	s16 =	rddreg [dreg:$0x8];
	[sflag:s6] =	ssyncadd.s32 $0xFFFFD8F0  }
0x86: {  	[tilespmem:s8], [sflag:$0x5] =	stream.linear.gather [hbm4b:s16+s4], $0x2710, $0x38;
	[tilespmem:$0xB3B0] =	vst v63  }
0x87: {  	_ =	swait.ge [sflag:s6], $0x2710  }
0x88: {  	[sflag:s6] =	ssyncset.done $0x0  }
0x89: {  	[sflag:s6] =	ssyncadd.s32 $0xFFFFD8F0  }
0x8a: {  	[bflag:$0x0] =	sbarrier.arrive $0xFFFF  }
0x8b: {  	[tilespmem:s10], [sflag:$0x1] =	stream.indirect.gather [spmem:s3], $0x8, s4, s9, $0xb8;
	[tilespmem:$0xB3B0] =	vst v63  }
0x8c: {  	_ =	swait.ge [sflag:s11], $0x1F40  }
0x8d: {  	[sflag:s11] =	ssyncset.done $0x0  }
0x8e: {  	[sflag:s11] =	ssyncadd.s32 $0xFFFFE0C0  }
0x8f: {  	[spmem:s2] =	stream.indirect.scatter.add.f32 [tilespmem:s10], [sflag:$0x3], $0x8, s8, s9, $0xb8;
	[tilespmem:$0xB3B0] =	vst v63  }
0x90: {  	_ = 	snop  }
0x91: {  	[tilespmem:s12], [sflag:$0x2] =	stream.indirect.gather [spmem:s3], $0x8, s9, s9, $0xb8;
	[tilespmem:$0xB3B0] =	vst v63  }
0x92: {  	_ =	swait.ge [sflag:s13], $0x1F40  }
0x93: {  	[sflag:s13] =	ssyncset.done $0x0  }
0x94: {  	s16 =	rddreg [dreg:$0x9];
	[sflag:s13] =	ssyncadd.s32 $0xFFFFE0C0  }
0x95: {  	[spmem:s2] =	stream.indirect.scatter.add.f32 [tilespmem:s12], [sflag:$0x4], $0x8, s16, s9, $0xb8;
	[tilespmem:$0xB3B0] =	vst v63  }
0x96: {  	_ =	swait.ge [sflag:s14], $0x1F40  }
0x97: {  	[sflag:s14] =	ssyncset.done $0x0  }
0x98: {  	s16 =	rddreg [dreg:$0xa];
	[sflag:s14] =	ssyncadd.s32 $0xFFFFE0C0  }
0x99: {  	[tilespmem:s10], [sflag:$0x1] =	stream.indirect.gather [spmem:s3], $0x8, s16, s9, $0xb8;
	[tilespmem:$0xB3B0] =	vst v63  }
0x9a: {  	_ =	swait.ge [sflag:s11], $0x1F40  }
0x9b: {  	[sflag:s11] =	ssyncset.done $0x0  }
0x9c: {  	s16 =	rddreg [dreg:$0xb];
	[sflag:s11] =	ssyncadd.s32 $0xFFFFE0C0  }
0x9d: {  	[spmem:s2] =	stream.indirect.scatter.add.f32 [tilespmem:s10], [sflag:$0x3], $0x8, s16, s9, $0xb8;
	[tilespmem:$0xB3B0] =	vst v63  }
0x9e: {  	_ =	swait.ge [sflag:s15], $0x1F40  }
0x9f: {  	[sflag:s15] =	ssyncset.done $0x0  }
0xa0: {  	s16 =	simm.s32 $0xBB8;
	[sflag:s15] =	ssyncadd.s32 $0xFFFFE0C0  }
0xa1: {  	[tilespmem:s12], [sflag:$0x2] =	stream.indirect.gather [spmem:s3], $0x8, s16, s9, $0xb8;
	[tilespmem:$0xB3B0] =	vst v63  }
0xa2: {  	_ =	swait.ge [sflag:s13], $0x1F40  }
0xa3: {  	[sflag:s13] =	ssyncset.done $0x0  }
0xa4: {  	[sflag:s13] =	ssyncadd.s32 $0xFFFFE0C0  }
0xa5: {  	[spmem:s2] =	stream.indirect.scatter.add.f32 [tilespmem:s12], [sflag:$0x4], $0x8, s17, s9, $0xb8;
	[tilespmem:$0xB3B0] =	vst v63  }
0xa6: {  	_ =	swait.ge [sflag:s14], $0x1F40  }
0xa7: {  	[sflag:s14] =	ssyncset.done $0x0  }
0xa8: {  	[sflag:s14] =	ssyncadd.s32 $0xFFFFE0C0  }
0xa9: {  	[tilespmem:s10], [sflag:$0x1] =	stream.indirect.gather [spmem:s3], $0x8, s18, s9, $0xb8;
	[tilespmem:$0xB3B0] =	vst v63  }
0xaa: {  	_ =	swait.ge [sflag:s11], $0x1F40  }
0xab: {  	[sflag:s11] =	ssyncset.done $0x0  }
0xac: {  	[sflag:s11] =	ssyncadd.s32 $0xFFFFE0C0  }
0xad: {  	[spmem:s2] =	stream.indirect.scatter.add.f32 [tilespmem:s10], [sflag:$0x3], $0x8, s19, s9, $0xb8;
	[tilespmem:$0xB3B0] =	vst v63  }
0xae: {  	_ =	swait.ge [sflag:s15], $0x1F40  }
0xaf: {  	[sflag:s15] =	ssyncset.done $0x0  }
0xb0: {  	[sflag:s15] =	ssyncadd.s32 $0xFFFFE0C0  }
0xb1: {  	[tilespmem:s12], [sflag:$0x2] =	stream.indirect.gather [spmem:s3], $0x8, s20, s9, $0xb8;
	[tilespmem:$0xB3B0] =	vst v63  }
0xb2: {  	_ =	swait.ge [sflag:s13], $0x1F40  }
0xb3: {  	[sflag:s13] =	ssyncset.done $0x0  }
0xb4: {  	[sflag:s13] =	ssyncadd.s32 $0xFFFFE0C0  }
0xb5: {  	[spmem:s2] =	stream.indirect.scatter.add.f32 [tilespmem:s12], [sflag:$0x4], $0x8, s21, s9, $0xb8;
	[tilespmem:$0xB3B0] =	vst v63  }
0xb6: {  	_ =	swait.ge [sflag:s14], $0x1F40  }
0xb7: {  	[sflag:s14] =	ssyncset.done $0x0  }
0xb8: {  	[sflag:s14] =	ssyncadd.s32 $0xFFFFE0C0  }
0xb9: {  	[tilespmem:s10], [sflag:$0x1] =	stream.indirect.gather [spmem:s3], $0x8, s22, s9, $0xb8;
	[tilespmem:$0xB3B0] =	vst v63  }
0xba: {  	_ =	swait.ge [sflag:s11], $0x1F40  }
0xbb: {  	[sflag:s11] =	ssyncset.done $0x0  }
0xbc: {  	[sflag:s11] =	ssyncadd.s32 $0xFFFFE0C0  }
0xbd: {  	[spmem:s2] =	stream.indirect.scatter.add.f32 [tilespmem:s10], [sflag:$0x3], $0x8, s23, s9, $0xb8;
	[tilespmem:$0xB3B0] =	vst v63  }
0xbe: {  	_ =	swait.ge [sflag:s15], $0x1F40  }
0xbf: {  	[sflag:s15] =	ssyncset.done $0x0  }
0xc0: {  	[sflag:s15] =	ssyncadd.s32 $0xFFFFE0C0  }
0xc1: {  	[tilespmem:s12], [sflag:$0x2] =	stream.indirect.gather [spmem:s3], $0x8, s24, s9, $0xb8;
	[tilespmem:$0xB3B0] =	vst v63  }
0xc2: {  	_ =	swait.ge [sflag:s13], $0x1F40  }
0xc3: {  	[sflag:s13] =	ssyncset.done $0x0  }
0xc4: {  	[sflag:s13] =	ssyncadd.s32 $0xFFFFE0C0  }
0xc5: {  	[spmem:s2] =	stream.indirect.scatter.add.f32 [tilespmem:s12], [sflag:$0x4], $0x8, s25, s9, $0xb8;
	[tilespmem:$0xB3B0] =	vst v63  }
0xc6: {  	_ =	swait.ge [sflag:s14], $0x1F40  }
0xc7: {  	[sflag:s14] =	ssyncset.done $0x0  }
0xc8: {  	[sflag:s14] =	ssyncadd.s32 $0xFFFFE0C0  }
0xc9: {  	[tilespmem:s10], [sflag:$0x1] =	stream.indirect.gather [spmem:s3], $0x8, s26, s9, $0xb8;
	[tilespmem:$0xB3B0] =	vst v63  }
0xca: {  	_ =	swait.ge [sflag:s11], $0x1F40  }
0xcb: {  	[sflag:s11] =	ssyncset.done $0x0  }
0xcc: {  	[sflag:s11] =	ssyncadd.s32 $0xFFFFE0C0  }
0xcd: {  	[spmem:s2] =	stream.indirect.scatter.add.f32 [tilespmem:s10], [sflag:$0x3], $0x8, s28, s9, $0xb8;
	[tilespmem:$0xB3B0] =	vst v63  }
0xce: {  	_ =	swait.ge [sflag:s15], $0x1F40  }
0xcf: {  	[sflag:s15] =	ssyncset.done $0x0  }
0xd0: {  	[sflag:s15] =	ssyncadd.s32 $0xFFFFE0C0  }
0xd1: {  	[tilespmem:s12], [sflag:$0x2] =	stream.indirect.gather [spmem:s3], $0x8, s29, s9, $0xb8;
	[tilespmem:$0xB3B0] =	vst v63  }
0xd2: {  	_ =	swait.ge [sflag:s13], $0x1F40  }
0xd3: {  	[sflag:s13] =	ssyncset.done $0x0  }
0xd4: {  	[sflag:s13] =	ssyncadd.s32 $0xFFFFE0C0  }
0xd5: {  	[spmem:s2] =	stream.indirect.scatter.add.f32 [tilespmem:s12], [sflag:$0x4], $0x8, s30, s9, $0xb8;
	[tilespmem:$0xB3B0] =	vst v63  }
0xd6: {  	_ =	swait.ge [sflag:s15], $0x1F40  }
0xd7: {  	[sflag:s15] =	ssyncset.done $0x0  }
0xd8: {  	[sflag:s15] =	ssyncadd.s32 $0xFFFFE0C0  }
0xd9: {  	p0 =	sne.s32 s1, $0x1;
	_ =	swait.ge [sflag:s14], $0x1F40  }
.Ltmp1:
0xda: {  	[sflag:s14] =	ssyncset.done $0x0;
	(pc) =	sbr.rel @p0 .LBB2_1-.Ltmp1, $4  }
0xdb: {  	[sflag:s14] =	ssyncadd.s32 $0xFFFFE0C0  }
0xdc: {  	[bflag:$0x0] =	sbarrier.arrive $0xFFFF  }
0xdd: {  	[hbm:s31], [sflag:s5] =	dma.local [spmem:s7], $0x271  }
0xde: {  	s1 =	sadd.s32 $0xFFFFFFFF, s1;
	_ =	swait.ge [sflag:s6], $0x271  }
.LBB2_2:
0xdf: {  	[sflag:s6] =	ssyncset.done $0x0  }
0xe0: {  	[sflag:s6] =	ssyncadd.s32 $0xFFFFFD8F  }
0xe1: {  	_ =	sfence.sel $0x180000  }
0xe2: {  	[bflag:$0x0] =	sbarrier.arrive $0xFFFF  }
0xe3: {  	_ =	strace $0x9000004A  }
0xe4: {  	s0 =	stileid.u32;
	[bflag:$0x2] =	sbarrier.arrive $0xFFFF  }
0xe5: {  	p0 =	sne.s32 s0, $0x0;
	s0 =	rddreg [dreg:$0x3]  }
0xe6: {  	s0 =	sadd.s32 @!p0 $0x100000, s0  }
0xe7: {  	[sflag:s0] =	ssyncadd.tile.s32 @!p0 $0x1;
	_ =	shalt  }
.Lfunc_end2:
_tile_overlayer_lowered:
.L_overlay_start_2:
0xe8: {  	(tag) =	ssettag $0x2  }
0xe9: {  	s0 =	rddreg [dreg:$0x0];
	s2 =	stileid.u32  }
0xea: {  	s1 =	rddreg [dreg:$0x1];
	p0 =	sne.s32 s2, $0x0  }
0xeb: {  	s3 =	rddreg [dreg:$0x2];
	[bflag:$0x3] =	sbarrier.arrive $0xFFFF;
	s2 =	simm.s32 @!p0 $0x1C05  }
0xec: {  	[timem:s3], [sflag:s2] =	dma.local @!p0 [hbm:s0], s1  }
0xed: {  	s0 =	simm.s32 @!p0 $0x5  }
0xee: {  	_ =	swait.ge @!p0 [sflag:s0], s1  }
0xef: {  	s1 =	ssub.s32 @!p0 $0x0, s1;
	[sflag:s0] =	ssyncset.done @!p0 $0x0  }
0xf0: {  	[sflag:s0] =	ssyncadd.s32 @!p0 s1  }
0xf1: {  	[bflag:$0x3] =	sbarrier.arrive $0xFFFF  }
0xf2: {  	_ =	shalt  }

// kernel: kernel.14.cloned.1.call-start
scs
__scs_entry_jumppad:
0x0: {  	(pc) =	sbr.rel $0x88, $3  }
0x1: {  	(tag) =	ssettag $0x0;
	lr =	simm.s32 $0x1  }
0x2: {  	[smem:$0x3F9B] =	sst lr;
	_ =	strace $0xD0000000  }
0x3: {  	_ = 	snop  }
0x4: {  	_ = 	snop  }
0x5: {  	_ = 	snop  }
0x6: {  	_ = 	snop  }
0x7: {  	_ = 	snop  }
__scs_overlays_trampoline_lowered:
0x8: {  	[smem:$0x3FAA] =	sst s0  }
0x9: {  	[smem:$0x3FAB] =	sst s1  }
0xa: {  	[smem:$0x3FAC] =	sst s2  }
0xb: {  	[smem:$0x3FAD] =	sst s3  }
0xc: {  	[smem:$0x3FAE] =	sst s4  }
0xd: {  	[smem:$0x3FAF] =	sst s5  }
0xe: {  	[smem:$0x3FB0] =	sst s6  }
0xf: {  	[smem:$0x3FB1] =	sst s7  }
0x10: {  	[smem:$0x3FB2] =	sst s8  }
0x11: {  	[smem:$0x3FB3] =	sst s9;
	s0 =	simm.s32 @!p0 $0x0  }
0x12: {  	s1 =	sld [smem:$0x3F99];
	s0 =	simm.s32 @p0 $0x1  }
0x13: {  	[smem:$0x3FB4] =	sst s0;
	s0 =	simm.s32 @!p1 $0x0  }
0x14: {  	s2 =	sld [smem:$0x3F98];
	s0 =	simm.s32 @p1 $0x1  }
0x15: {  	[smem:$0x3FB5] =	sst s0;
	s0 =	simm.s32 @!p2 $0x0  }
0x16: {  	s3 =	sld [smem:$0x3FDB];
	s0 =	simm.s32 @p2 $0x1  }
0x17: {  	s4 =	simm.s32 $0x1BF5;
	[smem:$0x3FB7] =	sst s0  }
0x18: {  	s0 =	sld [smem:$0x3F9A];
	_ =	swait.ge [sflag:s4], $0x0  }
0x19: {  	s7 =	sld [smem:$0x3F9B]  }
0x1a: {  	s8 =	sadd.s32 $0xFFFFE003, lr  }
0x1b: {  	s9 =	sadd.s32 $0xFFFFFEF7, lr;
	s5 =	simm.s32 $0xFFFFFFFF;
	p2 =	slt.u32 s8, $0xFFFFF086  }
0x1c: {  	p1 =	slt.u32 s9, $0xF7A;
	s5 =	simm.s32 @!p2 $0x0  }
0x1d: {  	s5 =	simm.s32 @p1 $0x1;
	p0 =	seq.s32 s7, s2  }
0x1e: {  	s7 =	smul.u32 @!p0 $0xF7A, s2;
	p2 =	seq.s32 @!p0 s5, $0x0  }
0x1f: {  	s9 =	smul.u32 $0xF7A, s1;
	s8 =	simm.s32 @!p0 $0x1BF5;
	p2 =	por !p2, p0  }
0x20: {  	[sflag:s8] =	ssyncset.s32 @!p0 $0xFFFFF086;
	s6 =	sadd.s32 @!p0 s3, s7;
	s7 =	simm.s32 @!p0 $0x108  }
0x21: {  	s3 =	sadd.s32 s3, s9;
	s6 =	sadd.s32 @!p0 $0x88, s6;
	s7 =	simm.s32 @p2 $0x1082  }
0x22: {  	[simem:s7], [sflag:s8] =	dma.local @!p0 [hbm:s6], $0xF7A  }
0x23: {  	s9 =	sor.u32 $0xD0000000, s2;
	s6 =	simm.s32 $0x108;
	_ =	swait.ge @!p0 [sflag:s8], $0x0  }
0x24: {  	s3 =	sadd.s32 $0x88, s3;
	s6 =	simm.s32 @!p1 $0x1082;
	[sflag:s4] =	ssyncset.s32 $0xFFFFF086  }
0x25: {  	[simem:s6], [sflag:s4] =	dma.local [hbm:s3], $0xF7A  }
0x26: {  	[smem:$0x3F9B] =	sst s1;
	(tag) =	ssettag s2;
	_ =	strace s9  }
0x27: {  	s1 =	sld [smem:$0x3FAB]  }
0x28: {  	s2 =	sld [smem:$0x3FAC]  }
0x29: {  	s4 =	sld [smem:$0x3FAE]  }
0x2a: {  	p0 =	seq.s32 s5, $0x0;
	s5 =	sld [smem:$0x3FAF]  }
0x2b: {  	s6 =	sld [smem:$0x3FB0]  }
0x2c: {  	s7 =	sld [smem:$0x3FB1]  }
0x2d: {  	s3 =	simm.s32 $0x108;
	s8 =	sld [smem:$0x3FB2]  }
0x2e: {  	s3 =	simm.s32 @!p0 $0x1082;
	s9 =	sld [smem:$0x3FB3]  }
0x2f: {  	lr =	sadd.s32 s0, s3;
	s0 =	sld [smem:$0x3FAA]  }
0x30: {  	s3 =	sld [smem:$0x3FAD]  }
0x31: {  	[smem:$0x3FB6] =	sst s10  }
0x32: {  	s10 =	sld [smem:$0x3FB4];
	_ =	sdelay $0x3  }
0x33: {  	p0 =	seq.s32 s10, $0x1;
	s10 =	sld [smem:$0x3FB6];
	_ =	sdelay $0x3  }
0x34: {  	[smem:$0x3FB6] =	sst s10  }
0x35: {  	s10 =	sld [smem:$0x3FB5];
	_ =	sdelay $0x3  }
0x36: {  	p1 =	seq.s32 s10, $0x1;
	s10 =	sld [smem:$0x3FB6];
	_ =	sdelay $0x3  }
0x37: {  	[smem:$0x3FB6] =	sst s10  }
0x38: {  	s10 =	sld [smem:$0x3FB7]  }
0x39: {  	_ = 	snop;
	(pc) =	sbr.ind lr, $3  }
0x3a: {  	_ = 	snop  }
0x3b: {  	_ = 	snop  }
0x3c: {  	p2 =	seq.s32 s10, $0x1;
	s10 =	sld [smem:$0x3FB6]  }
0x3d: {  	_ =	shalt  }
0x3e: {  	_ =	shalt  }
0x3f: {  	_ =	shalt  }
0x40: {  	_ =	shalt  }
0x41: {  	_ =	shalt  }
0x42: {  	_ =	shalt  }
0x43: {  	_ =	shalt  }
0x44: {  	_ =	shalt  }
0x45: {  	_ =	shalt  }
0x46: {  	_ =	shalt  }
0x47: {  	_ =	shalt  }
0x48: {  	_ =	shalt  }
0x49: {  	_ =	shalt  }
0x4a: {  	_ =	shalt  }
0x4b: {  	_ =	shalt  }
0x4c: {  	_ =	shalt  }
0x4d: {  	_ =	shalt  }
0x4e: {  	_ =	shalt  }
0x4f: {  	_ =	shalt  }
0x50: {  	_ =	shalt  }
0x51: {  	_ =	shalt  }
0x52: {  	_ =	shalt  }
0x53: {  	_ =	shalt  }
0x54: {  	_ =	shalt  }
0x55: {  	_ =	shalt  }
0x56: {  	_ =	shalt  }
0x57: {  	_ =	shalt  }
0x58: {  	_ =	shalt  }
0x59: {  	_ =	shalt  }
0x5a: {  	_ =	shalt  }
0x5b: {  	_ =	shalt  }
0x5c: {  	_ =	shalt  }
0x5d: {  	_ =	shalt  }
0x5e: {  	_ =	shalt  }
0x5f: {  	_ =	shalt  }
0x60: {  	_ =	shalt  }
0x61: {  	_ =	shalt  }
0x62: {  	_ =	shalt  }
0x63: {  	_ =	shalt  }
0x64: {  	_ =	shalt  }
0x65: {  	_ =	shalt  }
0x66: {  	_ =	shalt  }
0x67: {  	_ =	shalt  }
0x68: {  	_ =	shalt  }
0x69: {  	_ =	shalt  }
0x6a: {  	_ =	shalt  }
0x6b: {  	_ =	shalt  }
0x6c: {  	_ =	shalt  }
0x6d: {  	_ =	shalt  }
0x6e: {  	_ =	shalt  }
0x6f: {  	_ =	shalt  }
0x70: {  	_ =	shalt  }
0x71: {  	_ =	shalt  }
0x72: {  	_ =	shalt  }
0x73: {  	_ =	shalt  }
0x74: {  	_ =	shalt  }
0x75: {  	_ =	shalt  }
0x76: {  	_ =	shalt  }
0x77: {  	_ =	shalt  }
0x78: {  	_ =	shalt  }
0x79: {  	_ =	shalt  }
0x7a: {  	_ =	shalt  }
0x7b: {  	_ =	shalt  }
0x7c: {  	_ =	shalt  }
0x7d: {  	_ =	shalt  }
0x7e: {  	_ =	shalt  }
0x7f: {  	_ =	shalt  }
0x80: {  	_ =	shalt  }
0x81: {  	_ =	shalt  }
0x82: {  	_ =	shalt  }
0x83: {  	_ =	shalt  }
0x84: {  	_ =	shalt  }
0x85: {  	_ =	shalt  }
0x86: {  	_ =	shalt  }
0x87: {  	_ =	shalt  }
.Lfunc_end0:
.L_simem_size_0:
called_computation.2_lowered:
.L_overlay_start_0:
0x88: {  	s2 =	sld [smem:$0x3FD9]  }
0x89: {  	s3 =	sld [smem:$0x3FFE];
	_ =	sdelay $0x1  }
0x8a: {  	s1 =	srdreg.scid  }
0x8b: {  	s0 =	sand.u32 $0x1, s1  }
0x8c: {  	s16 =	sshll.u32 s0, $0xA;
	s2 =	sadd.s32 s3, s2  }
0x8d: {  	s2 =	sadd.s32 s2, s16  }
0x8e: {  	[smem:$0x3FC2] =	sst s2  }
0x8f: {  	_ = 	snop  }
0x90: {  	(tm) =	ssettm $0x1  }
0x91: {  	s17 =	sld [smem:$0x3FFB];
	_ =	sdelay $0x3  }
0x92: {  	_ =	strace s17  }
0x93: {  	s2 =	sld [smem:$0x3FFC];
	_ =	sdelay $0x3  }
0x94: {  	_ =	strace s2  }
0x95: {  	s2 =	sld [smem:$0x3FFD];
	_ =	sdelay $0x3  }
0x96: {  	_ =	strace s2  }
0x97: {  	_ =	strace $0x8FFFFFFF  }
0x98: {  	s18 =	sld [smem:$0x3FDB];
	_ =	sdelay $0x1  }
0x99: {  	s19 =	simm.s32 $_scs_section_size  }
0x9a: {  	s4 =	simm.s32 $_size__tile_overlayer_lowered;
	s5 =	simm.s32 $_tile_overlayer_lowered  }
0x9b: {  	s22 =	simm.s32 $0x1BFF;
	s21 =	sshll.u32 s5, $0x1;
	s2 =	sadd.s32 s19, s18  }
0x9c: {  	s6 =	simm.s32 $0x0;
	s20 =	sshll.u32 s4, $0x1;
	s4 =	sadd.s32 s21, s2  }
0x9d: {  	[timem:s6], [sflag:s22] =	dma.local [hbm:s4], s20  }
0x9e: {  	_ =	swait.ge [sflag:s22], s20  }
0x9f: {  	s3 =	ssub.s32 $0x0, s20;
	[sflag:s22] =	ssyncset.done $0x0  }
0xa0: {  	[sflag:s22] =	ssyncadd.s32 s3;
	_ =	sdelay $0x1  }
0xa1: {  	s23 =	simm.s32 $0x1B8B  }
0xa2: {  	_ =	swait.ge [sflag:s23], $0x1  }
0xa3: {  	[sflag:s23] =	ssyncset.done $0x0  }
0xa4: {  	s25 =	simm.s32 $0x1B8E;
	s24 =	sld [smem:$0x3FFE];
	[sflag:s23] =	ssyncadd.s32 $0xFFFFFFFF  }
0xa5: {  	s26 =	simm.s32 $execute0_lowered;
	[smem:$0x3FD2] =	sst s25  }
0xa6: {  	s4 =	sshll.u32 s26, $0x1;
	_ =	strace $0x8000004C;
	[dreg:$0x1] =	wrdreg $0xFFFFFFFF  }
0xa7: {  	s28 =	simm.s32 $_size_execute0_lowered;
	s2 =	sadd.s32 s2, s4;
	[dreg:$0x0] =	wrdreg $0x0  }
0xa8: {  	s4 =	sshll.u32 s28, $0x1;
	[dreg:$0x2] =	wrdreg s2  }
0xa9: {  	[dreg:$0x3] =	wrdreg s4  }
0xaa: {  	[dreg:$0x4] =	wrdreg $0xC0  }
0xab: {  	_ =	task [dreg:s6], $0x5FFFF  }
0xac: {  	[dreg:$0x1] =	wrdreg $0xFFFFFFFF  }
0xad: {  	[dreg:$0x0] =	wrdreg $0x60  }
0xae: {  	[dreg:$0x2] =	wrdreg s24  }
0xaf: {  	[dreg:$0x3] =	wrdreg $0xA0280  }
0xb0: {  	[dreg:$0x4] =	wrdreg $0x8CA00  }
0xb1: {  	[dreg:$0x5] =	wrdreg $0x9  }
0xb2: {  	_ =	task.clear_ibuf [dreg:s6], $0x6FFFF;
	_ =	strace $0x9000004C  }
0xb3: {  	s29 =	simm.s32 $0x9;
	_ =	strace $0x8000004E  }
0xb4: {  	_ =	swait.ge [sflag:s29], $0x1  }
0xb5: {  	[sflag:s29] =	ssyncadd.s32 $0xFFFFFFFF  }
0xb6: {  	_ =	strace $0x9000004E  }
0xb7: {  	_ =	sfence  }
0xb8: {  	s30 =	sld [smem:$0x0];
	_ =	sdelay $0x2  }
0xb9: {  	s31 =	sshll.u32 s1, $0xD;
	s1 =	sshrl.u32 s1, $0x2  }
0xba: {  	s3 =	sand.u32 $0x4000, s31;
	s1 =	sadd.s32 s1, s30  }
0xbb: {  	s0 =	sor.u32 s3, s0;
	s1 =	sshll.u32 s1, $0x11  }
0xbc: {  	s0 =	sor.u32 s1, s0  }
0xbd: {  	s0 =	sadd.s32 $0x8F2B, s0  }
0xbe: {  	[sflag:s0] =	ssyncadd.remote.s32 $0x1  }
0xbf: {  	_ =	sfence.sel $0xFFFF  }
0xc0: {  	[dreg:$0x0] =	wrdreg $0xFFFFFFFF;
	(pc) =	sbr.abs _section_cstart, $3  }
0xc1: {  	[dreg:$0x1] =	wrdreg $0xFFFFFFFF  }
0xc2: {  	_ =	task.clear_ibuf [dreg:s6], $0x2FFFF;
	_ =	strace $0x9FFFFFFF  }
0xc3: {  	(tm) =	ssettm $0x7FFFFFFF  }
tec
execute0_lowered:
.L_overlay_start_1:
0x0: {  	(tag) =	ssettag $0x1  }
0x1: {  	s31 =	rddreg [dreg:$0x0]  }
0x2: {  	s2 =	rddreg [dreg:$0x1];
	s10 =	stileid.u32  }
0x3: {  	s3 =	rddreg [dreg:$0x2];
	s5 =	smul.u32 $0x1388, s10  }
0x4: {  	s0 =	srdreg.scid;
	s4 =	simm.s32 $0x0;
	s15 =	simm.s32 $0x2AF8  }
0x5: {  	s18 =	simm.s32 $0x7D0;
	[smem:$0x7FF] =	sst s4;
	s11 =	sshrl.u32 s5, $0x3  }
0x6: {  	s20 =	simm.s32 $0x2EE0;
	s1 =	sand.u32 $0x1, s0;
	[dreg:$0xc] =	wrdreg s11  }
0x7: {  	s6 =	sshll.u32 s10, $0x1;
	_ =	strace $0x8000004D;
	[dreg:$0x9] =	wrdreg s15  }
0x8: {  	s6 =	sor.u32 s1, s6;
	s7 =	sadd.s32 s11, s31;
	[dreg:$0xa] =	wrdreg s18  }
0x9: {  	s6 =	smul.u32 $0x4E2, s6;
	s8 =	sadd.s32 $0x15800, s7;
	[dreg:$0xb] =	wrdreg s20  }
0xa: {  	s14 =	sadd.s32 $0xBA40, s31;
	s7 =	sadd.s32 $0x18000, s7;
	[dreg:$0x4] =	wrdreg s8  }
0xb: {  	s9 =	sadd.s32 s6, s31;
	s6 =	sadd.s32 s6, s14;
	[dreg:$0x5] =	wrdreg s7  }
0xc: {  	s12 =	sadd.s32 s5, s3;
	s13 =	sadd.s32 $0x1E00, s9;
	[dreg:$0x8] =	wrdreg s6  }
0xd: {  	s17 =	sshll.u32 s10, $0x6;
	s8 =	sshrl.u32 s12, $0x3;
	[dreg:$0x6] =	wrdreg s13  }
0xe: {  	s16 =	sadd.s32 s5, s2;
	s5 =	sor.u32 $0x1C05, s17;
	[dreg:$0x7] =	wrdreg s8  }
0xf: {  	s7 =	sshrl.u32 s16, $0x3;
	s6 =	simm.s32 $0x5;
	s19 =	rddreg [dreg:$0x4]  }
0x10: {  	[spmem:s7], [sflag:s5] =	dma.local [hbm:s19], $0x271  }
0x11: {  	_ =	swait.ge [sflag:s6], $0x271  }
0x12: {  	s21 =	rddreg [dreg:$0x5];
	[sflag:s6] =	ssyncset.done $0x0  }
0x13: {  	s22 =	rddreg [dreg:$0x7];
	[sflag:s6] =	ssyncadd.s32 $0xFFFFFD8F  }
0x14: {  	[spmem:s22], [sflag:s5] =	dma.local [hbm:s21], $0x271  }
0x15: {  	_ =	swait.ge [sflag:s6], $0x271  }
0x16: {  	[sflag:s6] =	ssyncset.done $0x0  }
0x17: {  	s23 =	rddreg [dreg:$0x6];
	[sflag:s6] =	ssyncadd.s32 $0xFFFFFD8F  }
0x18: {  	[tilespmem:s4], [sflag:$0x5] =	stream.linear.gather [hbm4b:s23+s4], $0x2710, $0x38;
	[tilespmem:$0xB3B0] =	vst v63  }
0x19: {  	_ =	swait.ge [sflag:s6], $0x2710  }
0x1a: {  	[sflag:s6] =	ssyncset.done $0x0  }
0x1b: {  	s8 =	simm.s32 $0x2710;
	s24 =	rddreg [dreg:$0x8];
	[sflag:s6] =	ssyncadd.s32 $0xFFFFD8F0  }
0x1c: {  	[tilespmem:s8], [sflag:$0x5] =	stream.linear.gather [hbm4b:s24+s4], $0x2710, $0x38;
	[tilespmem:$0xB3B0] =	vst v63  }
0x1d: {  	_ =	swait.ge [sflag:s6], $0x2710  }
0x1e: {  	[sflag:s6] =	ssyncset.done $0x0  }
0x1f: {  	s10 =	simm.s32 $0x4E20;
	[sflag:s6] =	ssyncadd.s32 $0xFFFFD8F0  }
0x20: {  	s11 =	simm.s32 $0x1;
	s9 =	simm.s32 $0x3E8;
	[bflag:$0x0] =	sbarrier.arrive $0xFFFF  }
0x21: {  	[tilespmem:s10], [sflag:$0x1] =	stream.indirect.gather [spmem:s3], $0x8, s4, s9, $0xb8;
	[tilespmem:$0xB3B0] =	vst v63  }
0x22: {  	_ =	swait.ge [sflag:s11], $0x1F40  }
0x23: {  	[sflag:s11] =	ssyncset.done $0x0  }
0x24: {  	[sflag:s11] =	ssyncadd.s32 $0xFFFFE0C0  }
0x25: {  	[spmem:s2] =	stream.indirect.scatter.add.f32 [tilespmem:s10], [sflag:$0x3], $0x8, s8, s9, $0xb8;
	[tilespmem:$0xB3B0] =	vst v63  }
0x26: {  	s12 =	simm.s32 $0x6D60;
	s13 =	simm.s32 $0x2  }
0x27: {  	[tilespmem:s12], [sflag:$0x2] =	stream.indirect.gather [spmem:s3], $0x8, s9, s9, $0xb8;
	[tilespmem:$0xB3B0] =	vst v63  }
0x28: {  	_ =	swait.ge [sflag:s13], $0x1F40  }
0x29: {  	[sflag:s13] =	ssyncset.done $0x0  }
0x2a: {  	s14 =	simm.s32 $0x3;
	s15 =	rddreg [dreg:$0x9];
	[sflag:s13] =	ssyncadd.s32 $0xFFFFE0C0  }
0x2b: {  	[spmem:s2] =	stream.indirect.scatter.add.f32 [tilespmem:s12], [sflag:$0x4], $0x8, s15, s9, $0xb8;
	[tilespmem:$0xB3B0] =	vst v63  }
0x2c: {  	_ =	swait.ge [sflag:s14], $0x1F40  }
0x2d: {  	[sflag:s14] =	ssyncset.done $0x0  }
0x2e: {  	s25 =	rddreg [dreg:$0xa];
	[sflag:s14] =	ssyncadd.s32 $0xFFFFE0C0  }
0x2f: {  	[tilespmem:s10], [sflag:$0x1] =	stream.indirect.gather [spmem:s3], $0x8, s25, s9, $0xb8;
	[tilespmem:$0xB3B0] =	vst v63  }
0x30: {  	_ =	swait.ge [sflag:s11], $0x1F40  }
0x31: {  	[sflag:s11] =	ssyncset.done $0x0  }
0x32: {  	s15 =	simm.s32 $0x4;
	s16 =	rddreg [dreg:$0xb];
	[sflag:s11] =	ssyncadd.s32 $0xFFFFE0C0  }
0x33: {  	[spmem:s2] =	stream.indirect.scatter.add.f32 [tilespmem:s10], [sflag:$0x3], $0x8, s16, s9, $0xb8;
	[tilespmem:$0xB3B0] =	vst v63  }
0x34: {  	_ =	swait.ge [sflag:s15], $0x1F40  }
0x35: {  	[sflag:s15] =	ssyncset.done $0x0  }
0x36: {  	s26 =	simm.s32 $0xBB8;
	[sflag:s15] =	ssyncadd.s32 $0xFFFFE0C0  }
0x37: {  	[tilespmem:s12], [sflag:$0x2] =	stream.indirect.gather [spmem:s3], $0x8, s26, s9, $0xb8;
	[tilespmem:$0xB3B0] =	vst v63  }
0x38: {  	_ =	swait.ge [sflag:s13], $0x1F40  }
0x39: {  	[sflag:s13] =	ssyncset.done $0x0  }
0x3a: {  	s17 =	simm.s32 $0x32C8;
	[sflag:s13] =	ssyncadd.s32 $0xFFFFE0C0  }
0x3b: {  	[spmem:s2] =	stream.indirect.scatter.add.f32 [tilespmem:s12], [sflag:$0x4], $0x8, s17, s9, $0xb8;
	[tilespmem:$0xB3B0] =	vst v63  }
0x3c: {  	_ =	swait.ge [sflag:s14], $0x1F40  }
0x3d: {  	[sflag:s14] =	ssyncset.done $0x0  }
0x3e: {  	s18 =	simm.s32 $0xFA0;
	[sflag:s14] =	ssyncadd.s32 $0xFFFFE0C0  }
0x3f: {  	[tilespmem:s10], [sflag:$0x1] =	stream.indirect.gather [spmem:s3], $0x8, s18, s9, $0xb8;
	[tilespmem:$0xB3B0] =	vst v63  }
0x40: {  	_ =	swait.ge [sflag:s11], $0x1F40  }
0x41: {  	[sflag:s11] =	ssyncset.done $0x0  }
0x42: {  	s19 =	simm.s32 $0x36B0;
	[sflag:s11] =	ssyncadd.s32 $0xFFFFE0C0  }
0x43: {  	[spmem:s2] =	stream.indirect.scatter.add.f32 [tilespmem:s10], [sflag:$0x3], $0x8, s19, s9, $0xb8;
	[tilespmem:$0xB3B0] =	vst v63  }
0x44: {  	_ =	swait.ge [sflag:s15], $0x1F40  }
0x45: {  	[sflag:s15] =	ssyncset.done $0x0  }
0x46: {  	s20 =	simm.s32 $0x1388;
	[sflag:s15] =	ssyncadd.s32 $0xFFFFE0C0  }
0x47: {  	[tilespmem:s12], [sflag:$0x2] =	stream.indirect.gather [spmem:s3], $0x8, s20, s9, $0xb8;
	[tilespmem:$0xB3B0] =	vst v63  }
0x48: {  	_ =	swait.ge [sflag:s13], $0x1F40  }
0x49: {  	[sflag:s13] =	ssyncset.done $0x0  }
0x4a: {  	s21 =	simm.s32 $0x3A98;
	[sflag:s13] =	ssyncadd.s32 $0xFFFFE0C0  }
0x4b: {  	[spmem:s2] =	stream.indirect.scatter.add.f32 [tilespmem:s12], [sflag:$0x4], $0x8, s21, s9, $0xb8;
	[tilespmem:$0xB3B0] =	vst v63  }
0x4c: {  	_ =	swait.ge [sflag:s14], $0x1F40  }
0x4d: {  	[sflag:s14] =	ssyncset.done $0x0  }
0x4e: {  	s22 =	simm.s32 $0x1770;
	[sflag:s14] =	ssyncadd.s32 $0xFFFFE0C0  }
0x4f: {  	[tilespmem:s10], [sflag:$0x1] =	stream.indirect.gather [spmem:s3], $0x8, s22, s9, $0xb8;
	[tilespmem:$0xB3B0] =	vst v63  }
0x50: {  	_ =	swait.ge [sflag:s11], $0x1F40  }
0x51: {  	[sflag:s11] =	ssyncset.done $0x0  }
0x52: {  	s23 =	simm.s32 $0x3E80;
	[sflag:s11] =	ssyncadd.s32 $0xFFFFE0C0  }
0x53: {  	[spmem:s2] =	stream.indirect.scatter.add.f32 [tilespmem:s10], [sflag:$0x3], $0x8, s23, s9, $0xb8;
	[tilespmem:$0xB3B0] =	vst v63  }
0x54: {  	_ =	swait.ge [sflag:s15], $0x1F40  }
0x55: {  	[sflag:s15] =	ssyncset.done $0x0  }
0x56: {  	s24 =	simm.s32 $0x1B58;
	[sflag:s15] =	ssyncadd.s32 $0xFFFFE0C0  }
0x57: {  	[tilespmem:s12], [sflag:$0x2] =	stream.indirect.gather [spmem:s3], $0x8, s24, s9, $0xb8;
	[tilespmem:$0xB3B0] =	vst v63  }
0x58: {  	_ =	swait.ge [sflag:s13], $0x1F40  }
0x59: {  	[sflag:s13] =	ssyncset.done $0x0  }
0x5a: {  	s25 =	simm.s32 $0x4268;
	[sflag:s13] =	ssyncadd.s32 $0xFFFFE0C0  }
0x5b: {  	[spmem:s2] =	stream.indirect.scatter.add.f32 [tilespmem:s12], [sflag:$0x4], $0x8, s25, s9, $0xb8;
	[tilespmem:$0xB3B0] =	vst v63  }
0x5c: {  	_ =	swait.ge [sflag:s14], $0x1F40  }
0x5d: {  	[sflag:s14] =	ssyncset.done $0x0  }
0x5e: {  	s26 =	simm.s32 $0x1F40;
	[sflag:s14] =	ssyncadd.s32 $0xFFFFE0C0  }
0x5f: {  	[tilespmem:s10], [sflag:$0x1] =	stream.indirect.gather [spmem:s3], $0x8, s26, s9, $0xb8;
	[tilespmem:$0xB3B0] =	vst v63  }
0x60: {  	_ =	swait.ge [sflag:s11], $0x1F40  }
0x61: {  	[sflag:s11] =	ssyncset.done $0x0  }
0x62: {  	s28 =	simm.s32 $0x4650;
	[sflag:s11] =	ssyncadd.s32 $0xFFFFE0C0  }
0x63: {  	[spmem:s2] =	stream.indirect.scatter.add.f32 [tilespmem:s10], [sflag:$0x3], $0x8, s28, s9, $0xb8;
	[tilespmem:$0xB3B0] =	vst v63  }
0x64: {  	_ =	swait.ge [sflag:s15], $0x1F40  }
0x65: {  	[sflag:s15] =	ssyncset.done $0x0  }
0x66: {  	s29 =	simm.s32 $0x2328;
	[sflag:s15] =	ssyncadd.s32 $0xFFFFE0C0  }
0x67: {  	[tilespmem:s12], [sflag:$0x2] =	stream.indirect.gather [spmem:s3], $0x8, s29, s9, $0xb8;
	[tilespmem:$0xB3B0] =	vst v63  }
0x68: {  	_ =	swait.ge [sflag:s13], $0x1F40  }
0x69: {  	[sflag:s13] =	ssyncset.done $0x0  }
0x6a: {  	s30 =	simm.s32 $0x4A38;
	[sflag:s13] =	ssyncadd.s32 $0xFFFFE0C0  }
0x6b: {  	[spmem:s2] =	stream.indirect.scatter.add.f32 [tilespmem:s12], [sflag:$0x4], $0x8, s30, s9, $0xb8;
	[tilespmem:$0xB3B0] =	vst v63  }
0x6c: {  	_ =	swait.ge [sflag:s15], $0x1F40  }
0x6d: {  	s16 =	smul.u32 $0x2710, s1;
	[sflag:s15] =	ssyncset.done $0x0  }
0x6e: {  	s1 =	ssub.s32 $0x2, s1;
	[sflag:s15] =	ssyncadd.s32 $0xFFFFE0C0  }
0x6f: {  	s0 =	sadd.s32 s16, s31;
	s31 =	sshrl.u32 s1, $0x1;
	_ =	swait.ge [sflag:s14], $0x1F40  }
0x70: {  	s1 =	ssub.s32 s1, s31;
	s0 =	sadd.s32 $0x1A800, s0;
	s16 =	rddreg [dreg:$0xc]  }
0x71: {  	s31 =	sadd.s32 s16, s0;
	s16 =	smax.u32 s1, $0x1  }
0x72: {  	p0 =	sne.s32 s16, $0x1  }
.Ltmp0:
0x73: {  	[sflag:s14] =	ssyncset.done $0x0;
	(pc) =	sbr.rel @!p0 .LBB2_2-.Ltmp0, $4  }
0x74: {  	[sflag:s14] =	ssyncadd.s32 $0xFFFFE0C0  }
0x75: {  	[bflag:$0x0] =	sbarrier.arrive $0xFFFF  }
0x76: {  	[hbm:s31], [sflag:s5] =	dma.local [spmem:s7], $0x271  }
0x77: {  	s1 =	sadd.s32 $0xFFFFFFFF, s16;
	_ =	swait.ge [sflag:s6], $0x271  }
.LBB2_1:
0x78: {  	[sflag:s6] =	ssyncset.done $0x0  }
0x79: {  	s0 =	rddreg [dreg:$0x4];
	[sflag:s6] =	ssyncadd.s32 $0xFFFFFD8F  }
0x7a: {  	[spmem:s7], [sflag:s5] =	dma.local [hbm:s0], $0x271  }
0x7b: {  	_ =	swait.ge [sflag:s6], $0x271  }
0x7c: {  	[sflag:s6] =	ssyncset.done $0x0;
	s0 =	rddreg [dreg:$0x5]  }
0x7d: {  	s16 =	rddreg [dreg:$0x7];
	[sflag:s6] =	ssyncadd.s32 $0xFFFFFD8F  }
0x7e: {  	[spmem:s16], [sflag:s5] =	dma.local [hbm:s0], $0x271  }
0x7f: {  	_ =	swait.ge [sflag:s6], $0x271  }
0x80: {  	[sflag:s6] =	ssyncset.done $0x0  }
0x81: {  	s16 =	rddreg [dreg:$0x6];
	[sflag:s6] =	ssyncadd.s32 $0xFFFFFD8F  }
0x82: {  	[tilespmem:s4], [sflag:$0x5] =	stream.linear.gather [hbm4b:s16+s4], $0x2710, $0x38;
	[tilespmem:$0xB3B0] =	vst v63  }
0x83: {  	_ =	swait.ge [sflag:s6], $0x2710  }
0x84: {  	[sflag:s6] =	ssyncset.done $0x0  }
0x85: {  	s16 =	rddreg [dreg:$0x8];
	[sflag:s6] =	ssyncadd.s32 $0xFFFFD8F0  }
0x86: {  	[tilespmem:s8], [sflag:$0x5] =	stream.linear.gather [hbm4b:s16+s4], $0x2710, $0x38;
	[tilespmem:$0xB3B0] =	vst v63  }
0x87: {  	_ =	swait.ge [sflag:s6], $0x2710  }
0x88: {  	[sflag:s6] =	ssyncset.done $0x0  }
0x89: {  	[sflag:s6] =	ssyncadd.s32 $0xFFFFD8F0  }
0x8a: {  	[bflag:$0x0] =	sbarrier.arrive $0xFFFF  }
0x8b: {  	[tilespmem:s10], [sflag:$0x1] =	stream.indirect.gather [spmem:s3], $0x8, s4, s9, $0xb8;
	[tilespmem:$0xB3B0] =	vst v63  }
0x8c: {  	_ =	swait.ge [sflag:s11], $0x1F40  }
0x8d: {  	[sflag:s11] =	ssyncset.done $0x0  }
0x8e: {  	[sflag:s11] =	ssyncadd.s32 $0xFFFFE0C0  }
0x8f: {  	[spmem:s2] =	stream.indirect.scatter.add.f32 [tilespmem:s10], [sflag:$0x3], $0x8, s8, s9, $0xb8;
	[tilespmem:$0xB3B0] =	vst v63  }
0x90: {  	_ = 	snop  }
0x91: {  	[tilespmem:s12], [sflag:$0x2] =	stream.indirect.gather [spmem:s3], $0x8, s9, s9, $0xb8;
	[tilespmem:$0xB3B0] =	vst v63  }
0x92: {  	_ =	swait.ge [sflag:s13], $0x1F40  }
0x93: {  	[sflag:s13] =	ssyncset.done $0x0  }
0x94: {  	s16 =	rddreg [dreg:$0x9];
	[sflag:s13] =	ssyncadd.s32 $0xFFFFE0C0  }
0x95: {  	[spmem:s2] =	stream.indirect.scatter.add.f32 [tilespmem:s12], [sflag:$0x4], $0x8, s16, s9, $0xb8;
	[tilespmem:$0xB3B0] =	vst v63  }
0x96: {  	_ =	swait.ge [sflag:s14], $0x1F40  }
0x97: {  	[sflag:s14] =	ssyncset.done $0x0  }
0x98: {  	s16 =	rddreg [dreg:$0xa];
	[sflag:s14] =	ssyncadd.s32 $0xFFFFE0C0  }
0x99: {  	[tilespmem:s10], [sflag:$0x1] =	stream.indirect.gather [spmem:s3], $0x8, s16, s9, $0xb8;
	[tilespmem:$0xB3B0] =	vst v63  }
0x9a: {  	_ =	swait.ge [sflag:s11], $0x1F40  }
0x9b: {  	[sflag:s11] =	ssyncset.done $0x0  }
0x9c: {  	s16 =	rddreg [dreg:$0xb];
	[sflag:s11] =	ssyncadd.s32 $0xFFFFE0C0  }
0x9d: {  	[spmem:s2] =	stream.indirect.scatter.add.f32 [tilespmem:s10], [sflag:$0x3], $0x8, s16, s9, $0xb8;
	[tilespmem:$0xB3B0] =	vst v63  }
0x9e: {  	_ =	swait.ge [sflag:s15], $0x1F40  }
0x9f: {  	[sflag:s15] =	ssyncset.done $0x0  }
0xa0: {  	s16 =	simm.s32 $0xBB8;
	[sflag:s15] =	ssyncadd.s32 $0xFFFFE0C0  }
0xa1: {  	[tilespmem:s12], [sflag:$0x2] =	stream.indirect.gather [spmem:s3], $0x8, s16, s9, $0xb8;
	[tilespmem:$0xB3B0] =	vst v63  }
0xa2: {  	_ =	swait.ge [sflag:s13], $0x1F40  }
0xa3: {  	[sflag:s13] =	ssyncset.done $0x0  }
0xa4: {  	[sflag:s13] =	ssyncadd.s32 $0xFFFFE0C0  }
0xa5: {  	[spmem:s2] =	stream.indirect.scatter.add.f32 [tilespmem:s12], [sflag:$0x4], $0x8, s17, s9, $0xb8;
	[tilespmem:$0xB3B0] =	vst v63  }
0xa6: {  	_ =	swait.ge [sflag:s14], $0x1F40  }
0xa7: {  	[sflag:s14] =	ssyncset.done $0x0  }
0xa8: {  	[sflag:s14] =	ssyncadd.s32 $0xFFFFE0C0  }
0xa9: {  	[tilespmem:s10], [sflag:$0x1] =	stream.indirect.gather [spmem:s3], $0x8, s18, s9, $0xb8;
	[tilespmem:$0xB3B0] =	vst v63  }
0xaa: {  	_ =	swait.ge [sflag:s11], $0x1F40  }
0xab: {  	[sflag:s11] =	ssyncset.done $0x0  }
0xac: {  	[sflag:s11] =	ssyncadd.s32 $0xFFFFE0C0  }
0xad: {  	[spmem:s2] =	stream.indirect.scatter.add.f32 [tilespmem:s10], [sflag:$0x3], $0x8, s19, s9, $0xb8;
	[tilespmem:$0xB3B0] =	vst v63  }
0xae: {  	_ =	swait.ge [sflag:s15], $0x1F40  }
0xaf: {  	[sflag:s15] =	ssyncset.done $0x0  }
0xb0: {  	[sflag:s15] =	ssyncadd.s32 $0xFFFFE0C0  }
0xb1: {  	[tilespmem:s12], [sflag:$0x2] =	stream.indirect.gather [spmem:s3], $0x8, s20, s9, $0xb8;
	[tilespmem:$0xB3B0] =	vst v63  }
0xb2: {  	_ =	swait.ge [sflag:s13], $0x1F40  }
0xb3: {  	[sflag:s13] =	ssyncset.done $0x0  }
0xb4: {  	[sflag:s13] =	ssyncadd.s32 $0xFFFFE0C0  }
0xb5: {  	[spmem:s2] =	stream.indirect.scatter.add.f32 [tilespmem:s12], [sflag:$0x4], $0x8, s21, s9, $0xb8;
	[tilespmem:$0xB3B0] =	vst v63  }
0xb6: {  	_ =	swait.ge [sflag:s14], $0x1F40  }
0xb7: {  	[sflag:s14] =	ssyncset.done $0x0  }
0xb8: {  	[sflag:s14] =	ssyncadd.s32 $0xFFFFE0C0  }
0xb9: {  	[tilespmem:s10], [sflag:$0x1] =	stream.indirect.gather [spmem:s3], $0x8, s22, s9, $0xb8;
	[tilespmem:$0xB3B0] =	vst v63  }
0xba: {  	_ =	swait.ge [sflag:s11], $0x1F40  }
0xbb: {  	[sflag:s11] =	ssyncset.done $0x0  }
0xbc: {  	[sflag:s11] =	ssyncadd.s32 $0xFFFFE0C0  }
0xbd: {  	[spmem:s2] =	stream.indirect.scatter.add.f32 [tilespmem:s10], [sflag:$0x3], $0x8, s23, s9, $0xb8;
	[tilespmem:$0xB3B0] =	vst v63  }
0xbe: {  	_ =	swait.ge [sflag:s15], $0x1F40  }
0xbf: {  	[sflag:s15] =	ssyncset.done $0x0  }
0xc0: {  	[sflag:s15] =	ssyncadd.s32 $0xFFFFE0C0  }
0xc1: {  	[tilespmem:s12], [sflag:$0x2] =	stream.indirect.gather [spmem:s3], $0x8, s24, s9, $0xb8;
	[tilespmem:$0xB3B0] =	vst v63  }
0xc2: {  	_ =	swait.ge [sflag:s13], $0x1F40  }
0xc3: {  	[sflag:s13] =	ssyncset.done $0x0  }
0xc4: {  	[sflag:s13] =	ssyncadd.s32 $0xFFFFE0C0  }
0xc5: {  	[spmem:s2] =	stream.indirect.scatter.add.f32 [tilespmem:s12], [sflag:$0x4], $0x8, s25, s9, $0xb8;
	[tilespmem:$0xB3B0] =	vst v63  }
0xc6: {  	_ =	swait.ge [sflag:s14], $0x1F40  }
0xc7: {  	[sflag:s14] =	ssyncset.done $0x0  }
0xc8: {  	[sflag:s14] =	ssyncadd.s32 $0xFFFFE0C0  }
0xc9: {  	[tilespmem:s10], [sflag:$0x1] =	stream.indirect.gather [spmem:s3], $0x8, s26, s9, $0xb8;
	[tilespmem:$0xB3B0] =	vst v63  }
0xca: {  	_ =	swait.ge [sflag:s11], $0x1F40  }
0xcb: {  	[sflag:s11] =	ssyncset.done $0x0  }
0xcc: {  	[sflag:s11] =	ssyncadd.s32 $0xFFFFE0C0  }
0xcd: {  	[spmem:s2] =	stream.indirect.scatter.add.f32 [tilespmem:s10], [sflag:$0x3], $0x8, s28, s9, $0xb8;
	[tilespmem:$0xB3B0] =	vst v63  }
0xce: {  	_ =	swait.ge [sflag:s15], $0x1F40  }
0xcf: {  	[sflag:s15] =	ssyncset.done $0x0  }
0xd0: {  	[sflag:s15] =	ssyncadd.s32 $0xFFFFE0C0  }
0xd1: {  	[tilespmem:s12], [sflag:$0x2] =	stream.indirect.gather [spmem:s3], $0x8, s29, s9, $0xb8;
	[tilespmem:$0xB3B0] =	vst v63  }
0xd2: {  	_ =	swait.ge [sflag:s13], $0x1F40  }
0xd3: {  	[sflag:s13] =	ssyncset.done $0x0  }
0xd4: {  	[sflag:s13] =	ssyncadd.s32 $0xFFFFE0C0  }
0xd5: {  	[spmem:s2] =	stream.indirect.scatter.add.f32 [tilespmem:s12], [sflag:$0x4], $0x8, s30, s9, $0xb8;
	[tilespmem:$0xB3B0] =	vst v63  }
0xd6: {  	_ =	swait.ge [sflag:s15], $0x1F40  }
0xd7: {  	[sflag:s15] =	ssyncset.done $0x0  }
0xd8: {  	[sflag:s15] =	ssyncadd.s32 $0xFFFFE0C0  }
0xd9: {  	p0 =	sne.s32 s1, $0x1;
	_ =	swait.ge [sflag:s14], $0x1F40  }
.Ltmp1:
0xda: {  	[sflag:s14] =	ssyncset.done $0x0;
	(pc) =	sbr.rel @p0 .LBB2_1-.Ltmp1, $4  }
0xdb: {  	[sflag:s14] =	ssyncadd.s32 $0xFFFFE0C0  }
0xdc: {  	[bflag:$0x0] =	sbarrier.arrive $0xFFFF  }
0xdd: {  	[hbm:s31], [sflag:s5] =	dma.local [spmem:s7], $0x271  }
0xde: {  	s1 =	sadd.s32 $0xFFFFFFFF, s1;
	_ =	swait.ge [sflag:s6], $0x271  }
.LBB2_2:
0xdf: {  	[sflag:s6] =	ssyncset.done $0x0  }
0xe0: {  	[sflag:s6] =	ssyncadd.s32 $0xFFFFFD8F  }
0xe1: {  	_ =	sfence.sel $0x180000  }
0xe2: {  	[bflag:$0x0] =	sbarrier.arrive $0xFFFF  }
0xe3: {  	_ =	strace $0x9000004D  }
0xe4: {  	s0 =	stileid.u32;
	[bflag:$0x2] =	sbarrier.arrive $0xFFFF  }
0xe5: {  	p0 =	sne.s32 s0, $0x0;
	s0 =	rddreg [dreg:$0x3]  }
0xe6: {  	s0 =	sadd.s32 @!p0 $0x100000, s0  }
0xe7: {  	[sflag:s0] =	ssyncadd.tile.s32 @!p0 $0x1;
	_ =	shalt  }
.Lfunc_end2:
_tile_overlayer_lowered:
.L_overlay_start_2:
0xe8: {  	(tag) =	ssettag $0x2  }
0xe9: {  	s0 =	rddreg [dreg:$0x0];
	s2 =	stileid.u32  }
0xea: {  	s1 =	rddreg [dreg:$0x1];
	p0 =	sne.s32 s2, $0x0  }
0xeb: {  	s3 =	rddreg [dreg:$0x2];
	[bflag:$0x3] =	sbarrier.arrive $0xFFFF;
	s2 =	simm.s32 @!p0 $0x1C05  }
0xec: {  	[timem:s3], [sflag:s2] =	dma.local @!p0 [hbm:s0], s1  }
0xed: {  	s0 =	simm.s32 @!p0 $0x5  }
0xee: {  	_ =	swait.ge @!p0 [sflag:s0], s1  }
0xef: {  	s1 =	ssub.s32 @!p0 $0x0, s1;
	[sflag:s0] =	ssyncset.done @!p0 $0x0  }
0xf0: {  	[sflag:s0] =	ssyncadd.s32 @!p0 s1  }
0xf1: {  	[bflag:$0x3] =	sbarrier.arrive $0xFFFF  }
0xf2: {  	_ =	shalt  }

// kernel: kernel.8.cloned.1.call-start
scs
__scs_entry_jumppad:
0x0: {  	(pc) =	sbr.rel $0x88, $3  }
0x1: {  	(tag) =	ssettag $0x0;
	lr =	simm.s32 $0x1  }
0x2: {  	[smem:$0x3F9B] =	sst lr;
	_ =	strace $0xD0000000  }
0x3: {  	_ = 	snop  }
0x4: {  	_ = 	snop  }
0x5: {  	_ = 	snop  }
0x6: {  	_ = 	snop  }
0x7: {  	_ = 	snop  }
__scs_overlays_trampoline_lowered:
0x8: {  	[smem:$0x3FAA] =	sst s0  }
0x9: {  	[smem:$0x3FAB] =	sst s1  }
0xa: {  	[smem:$0x3FAC] =	sst s2  }
0xb: {  	[smem:$0x3FAD] =	sst s3  }
0xc: {  	[smem:$0x3FAE] =	sst s4  }
0xd: {  	[smem:$0x3FAF] =	sst s5  }
0xe: {  	[smem:$0x3FB0] =	sst s6  }
0xf: {  	[smem:$0x3FB1] =	sst s7  }
0x10: {  	[smem:$0x3FB2] =	sst s8  }
0x11: {  	[smem:$0x3FB3] =	sst s9;
	s0 =	simm.s32 @!p0 $0x0  }
0x12: {  	s1 =	sld [smem:$0x3F99];
	s0 =	simm.s32 @p0 $0x1  }
0x13: {  	[smem:$0x3FB4] =	sst s0;
	s0 =	simm.s32 @!p1 $0x0  }
0x14: {  	s2 =	sld [smem:$0x3F98];
	s0 =	simm.s32 @p1 $0x1  }
0x15: {  	[smem:$0x3FB5] =	sst s0;
	s0 =	simm.s32 @!p2 $0x0  }
0x16: {  	s3 =	sld [smem:$0x3FDB];
	s0 =	simm.s32 @p2 $0x1  }
0x17: {  	s4 =	simm.s32 $0x1BF5;
	[smem:$0x3FB7] =	sst s0  }
0x18: {  	s0 =	sld [smem:$0x3F9A];
	_ =	swait.ge [sflag:s4], $0x0  }
0x19: {  	s7 =	sld [smem:$0x3F9B]  }
0x1a: {  	s8 =	sadd.s32 $0xFFFFE003, lr  }
0x1b: {  	s9 =	sadd.s32 $0xFFFFFEF7, lr;
	s5 =	simm.s32 $0xFFFFFFFF;
	p2 =	slt.u32 s8, $0xFFFFF086  }
0x1c: {  	p1 =	slt.u32 s9, $0xF7A;
	s5 =	simm.s32 @!p2 $0x0  }
0x1d: {  	s5 =	simm.s32 @p1 $0x1;
	p0 =	seq.s32 s7, s2  }
0x1e: {  	s7 =	smul.u32 @!p0 $0xF7A, s2;
	p2 =	seq.s32 @!p0 s5, $0x0  }
0x1f: {  	s9 =	smul.u32 $0xF7A, s1;
	s8 =	simm.s32 @!p0 $0x1BF5;
	p2 =	por !p2, p0  }
0x20: {  	[sflag:s8] =	ssyncset.s32 @!p0 $0xFFFFF086;
	s6 =	sadd.s32 @!p0 s3, s7;
	s7 =	simm.s32 @!p0 $0x108  }
0x21: {  	s3 =	sadd.s32 s3, s9;
	s6 =	sadd.s32 @!p0 $0x88, s6;
	s7 =	simm.s32 @p2 $0x1082  }
0x22: {  	[simem:s7], [sflag:s8] =	dma.local @!p0 [hbm:s6], $0xF7A  }
0x23: {  	s9 =	sor.u32 $0xD0000000, s2;
	s6 =	simm.s32 $0x108;
	_ =	swait.ge @!p0 [sflag:s8], $0x0  }
0x24: {  	s3 =	sadd.s32 $0x88, s3;
	s6 =	simm.s32 @!p1 $0x1082;
	[sflag:s4] =	ssyncset.s32 $0xFFFFF086  }
0x25: {  	[simem:s6], [sflag:s4] =	dma.local [hbm:s3], $0xF7A  }
0x26: {  	[smem:$0x3F9B] =	sst s1;
	(tag) =	ssettag s2;
	_ =	strace s9  }
0x27: {  	s1 =	sld [smem:$0x3FAB]  }
0x28: {  	s2 =	sld [smem:$0x3FAC]  }
0x29: {  	s4 =	sld [smem:$0x3FAE]  }
0x2a: {  	p0 =	seq.s32 s5, $0x0;
	s5 =	sld [smem:$0x3FAF]  }
0x2b: {  	s6 =	sld [smem:$0x3FB0]  }
0x2c: {  	s7 =	sld [smem:$0x3FB1]  }
0x2d: {  	s3 =	simm.s32 $0x108;
	s8 =	sld [smem:$0x3FB2]  }
0x2e: {  	s3 =	simm.s32 @!p0 $0x1082;
	s9 =	sld [smem:$0x3FB3]  }
0x2f: {  	lr =	sadd.s32 s0, s3;
	s0 =	sld [smem:$0x3FAA]  }
0x30: {  	s3 =	sld [smem:$0x3FAD]  }
0x31: {  	[smem:$0x3FB6] =	sst s10  }
0x32: {  	s10 =	sld [smem:$0x3FB4];
	_ =	sdelay $0x3  }
0x33: {  	p0 =	seq.s32 s10, $0x1;
	s10 =	sld [smem:$0x3FB6];
	_ =	sdelay $0x3  }
0x34: {  	[smem:$0x3FB6] =	sst s10  }
0x35: {  	s10 =	sld [smem:$0x3FB5];
	_ =	sdelay $0x3  }
0x36: {  	p1 =	seq.s32 s10, $0x1;
	s10 =	sld [smem:$0x3FB6];
	_ =	sdelay $0x3  }
0x37: {  	[smem:$0x3FB6] =	sst s10  }
0x38: {  	s10 =	sld [smem:$0x3FB7]  }
0x39: {  	_ = 	snop;
	(pc) =	sbr.ind lr, $3  }
0x3a: {  	_ = 	snop  }
0x3b: {  	_ = 	snop  }
0x3c: {  	p2 =	seq.s32 s10, $0x1;
	s10 =	sld [smem:$0x3FB6]  }
0x3d: {  	_ =	shalt  }
0x3e: {  	_ =	shalt  }
0x3f: {  	_ =	shalt  }
0x40: {  	_ =	shalt  }
0x41: {  	_ =	shalt  }
0x42: {  	_ =	shalt  }
0x43: {  	_ =	shalt  }
0x44: {  	_ =	shalt  }
0x45: {  	_ =	shalt  }
0x46: {  	_ =	shalt  }
0x47: {  	_ =	shalt  }
0x48: {  	_ =	shalt  }
0x49: {  	_ =	shalt  }
0x4a: {  	_ =	shalt  }
0x4b: {  	_ =	shalt  }
0x4c: {  	_ =	shalt  }
0x4d: {  	_ =	shalt  }
0x4e: {  	_ =	shalt  }
0x4f: {  	_ =	shalt  }
0x50: {  	_ =	shalt  }
0x51: {  	_ =	shalt  }
0x52: {  	_ =	shalt  }
0x53: {  	_ =	shalt  }
0x54: {  	_ =	shalt  }
0x55: {  	_ =	shalt  }
0x56: {  	_ =	shalt  }
0x57: {  	_ =	shalt  }
0x58: {  	_ =	shalt  }
0x59: {  	_ =	shalt  }
0x5a: {  	_ =	shalt  }
0x5b: {  	_ =	shalt  }
0x5c: {  	_ =	shalt  }
0x5d: {  	_ =	shalt  }
0x5e: {  	_ =	shalt  }
0x5f: {  	_ =	shalt  }
0x60: {  	_ =	shalt  }
0x61: {  	_ =	shalt  }
0x62: {  	_ =	shalt  }
0x63: {  	_ =	shalt  }
0x64: {  	_ =	shalt  }
0x65: {  	_ =	shalt  }
0x66: {  	_ =	shalt  }
0x67: {  	_ =	shalt  }
0x68: {  	_ =	shalt  }
0x69: {  	_ =	shalt  }
0x6a: {  	_ =	shalt  }
0x6b: {  	_ =	shalt  }
0x6c: {  	_ =	shalt  }
0x6d: {  	_ =	shalt  }
0x6e: {  	_ =	shalt  }
0x6f: {  	_ =	shalt  }
0x70: {  	_ =	shalt  }
0x71: {  	_ =	shalt  }
0x72: {  	_ =	shalt  }
0x73: {  	_ =	shalt  }
0x74: {  	_ =	shalt  }
0x75: {  	_ =	shalt  }
0x76: {  	_ =	shalt  }
0x77: {  	_ =	shalt  }
0x78: {  	_ =	shalt  }
0x79: {  	_ =	shalt  }
0x7a: {  	_ =	shalt  }
0x7b: {  	_ =	shalt  }
0x7c: {  	_ =	shalt  }
0x7d: {  	_ =	shalt  }
0x7e: {  	_ =	shalt  }
0x7f: {  	_ =	shalt  }
0x80: {  	_ =	shalt  }
0x81: {  	_ =	shalt  }
0x82: {  	_ =	shalt  }
0x83: {  	_ =	shalt  }
0x84: {  	_ =	shalt  }
0x85: {  	_ =	shalt  }
0x86: {  	_ =	shalt  }
0x87: {  	_ =	shalt  }
.Lfunc_end0:
.L_simem_size_0:
called_computation_lowered:
.L_overlay_start_0:
0x88: {  	s2 =	sld [smem:$0x3FD9]  }
0x89: {  	s3 =	sld [smem:$0x3FFE];
	_ =	sdelay $0x1  }
0x8a: {  	s1 =	srdreg.scid  }
0x8b: {  	s0 =	sand.u32 $0x1, s1  }
0x8c: {  	s17 =	sshll.u32 s0, $0xA;
	s2 =	sadd.s32 s3, s2  }
0x8d: {  	s2 =	sadd.s32 s2, s17  }
0x8e: {  	[smem:$0x3FC2] =	sst s2  }
0x8f: {  	_ = 	snop  }
0x90: {  	s2 =	sld [smem:$0x3FD0];
	(tm) =	ssettm $0x1  }
0x91: {  	s18 =	sld [smem:$0x3FFB];
	_ =	sdelay $0x3  }
0x92: {  	_ =	strace s18  }
0x93: {  	s3 =	sld [smem:$0x3FFC];
	_ =	sdelay $0x3  }
0x94: {  	_ =	strace s3  }
0x95: {  	s3 =	sld [smem:$0x3FFD];
	_ =	sdelay $0x3  }
0x96: {  	_ =	strace s3  }
0x97: {  	_ =	strace $0x8FFFFFFF  }
0x98: {  	s19 =	sld [smem:$0x3FDB];
	_ =	sdelay $0x1  }
0x99: {  	s4 =	simm.s32 $_scs_section_size  }
0x9a: {  	s5 =	simm.s32 $_size__tile_overlayer_lowered;
	s6 =	simm.s32 $_tile_overlayer_lowered  }
0x9b: {  	s22 =	simm.s32 $0x1BFF;
	s21 =	sshll.u32 s6, $0x1;
	s3 =	sadd.s32 s4, s19  }
0x9c: {  	s7 =	simm.s32 $0x0;
	s20 =	sshll.u32 s5, $0x1;
	s5 =	sadd.s32 s21, s3  }
0x9d: {  	[timem:s7], [sflag:s22] =	dma.local [hbm:s5], s20  }
0x9e: {  	_ =	swait.ge [sflag:s22], s20  }
0x9f: {  	s4 =	ssub.s32 $0x0, s20;
	[sflag:s22] =	ssyncset.done $0x0  }
0xa0: {  	[sflag:s22] =	ssyncadd.s32 s4;
	_ =	sdelay $0x1  }
0xa1: {  	s23 =	simm.s32 $0x1B8B  }
0xa2: {  	_ =	swait.ge [sflag:s23], $0x1  }
0xa3: {  	[sflag:s23] =	ssyncset.done $0x0  }
0xa4: {  	s25 =	simm.s32 $0x1B8E;
	s24 =	sld [smem:$0x3FFE];
	[sflag:s23] =	ssyncadd.s32 $0xFFFFFFFF  }
0xa5: {  	s26 =	simm.s32 $execute0_lowered;
	[smem:$0x3FD2] =	sst s25  }
0xa6: {  	s5 =	sshll.u32 s26, $0x1;
	_ =	strace $0x80000046;
	[dreg:$0x1] =	wrdreg $0xFFFFFFFF  }
0xa7: {  	s28 =	simm.s32 $_size_execute0_lowered;
	s3 =	sadd.s32 s3, s5;
	[dreg:$0x0] =	wrdreg $0x0  }
0xa8: {  	s5 =	sshll.u32 s28, $0x1;
	[dreg:$0x2] =	wrdreg s3  }
0xa9: {  	[dreg:$0x3] =	wrdreg s5  }
0xaa: {  	[dreg:$0x4] =	wrdreg $0xC0  }
0xab: {  	_ =	task [dreg:s7], $0x5FFFF  }
0xac: {  	[dreg:$0x1] =	wrdreg $0xFFFFFFFF  }
0xad: {  	[dreg:$0x0] =	wrdreg $0x60  }
0xae: {  	[dreg:$0x2] =	wrdreg s24  }
0xaf: {  	[dreg:$0x3] =	wrdreg s2  }
0xb0: {  	[dreg:$0x4] =	wrdreg $0x65900  }
0xb1: {  	[dreg:$0x5] =	wrdreg $0x9  }
0xb2: {  	_ =	task.clear_ibuf [dreg:s7], $0x6FFFF;
	_ =	strace $0x90000046  }
0xb3: {  	s29 =	simm.s32 $0x9;
	_ =	strace $0x80000048  }
0xb4: {  	_ =	swait.ge [sflag:s29], $0x1  }
0xb5: {  	[sflag:s29] =	ssyncadd.s32 $0xFFFFFFFF  }
0xb6: {  	_ =	strace $0x90000048  }
0xb7: {  	_ =	sfence  }
0xb8: {  	s30 =	sld [smem:$0x0];
	_ =	sdelay $0x2  }
0xb9: {  	s31 =	sshll.u32 s1, $0xD;
	s1 =	sshrl.u32 s1, $0x2  }
0xba: {  	s3 =	sand.u32 $0x4000, s31;
	s1 =	sadd.s32 s1, s30  }
0xbb: {  	s0 =	sor.u32 s3, s0;
	s1 =	sshll.u32 s1, $0x11  }
0xbc: {  	s0 =	sor.u32 s1, s0  }
0xbd: {  	s0 =	sadd.s32 $0x8F2B, s0  }
0xbe: {  	[sflag:s0] =	ssyncadd.remote.s32 $0x1  }
0xbf: {  	_ =	sfence.sel $0xFFFF  }
0xc0: {  	[dreg:$0x0] =	wrdreg $0xFFFFFFFF;
	(pc) =	sbr.abs _section_cstart, $3  }
0xc1: {  	[dreg:$0x1] =	wrdreg $0xFFFFFFFF  }
0xc2: {  	_ =	task.clear_ibuf [dreg:s7], $0x2FFFF;
	_ =	strace $0x9FFFFFFF  }
0xc3: {  	(tm) =	ssettm $0x7FFFFFFF  }
tec
execute0_lowered:
.L_overlay_start_1:
0x0: {  	(tag) =	ssettag $0x1  }
0x1: {  	s16 =	rddreg [dreg:$0x0]  }
0x2: {  	s2 =	rddreg [dreg:$0x1]  }
0x3: {  	s0 =	stileid.u32;
	s3 =	rddreg [dreg:$0x2]  }
0x4: {  	s1 =	rddreg [dreg:$0x3];
	s4 =	simm.s32 $0x0;
	s5 =	smul.u32 $0x1388, s0  }
0x5: {  	[smem:$0x7FF] =	sst s4  }
0x6: {  	s29 =	sshll.u32 s0, $0x6;
	s17 =	sshrl.u32 s5, $0x3;
	s7 =	sadd.s32 s5, s3  }
0x7: {  	_ =	strace $0x80000047;
	s6 =	sadd.s32 s17, s16;
	s8 =	sshrl.u32 s7, $0x3  }
0x8: {  	s7 =	simm.s32 $0x2;
	s5 =	sadd.s32 $0x15800, s6;
	s6 =	sor.u32 $0x1C02, s29  }
0x9: {  	[spmem:s8], [sflag:s6] =	dma.local [hbm:s5], $0x271  }
0xa: {  	s9 =	srdreg.scid;
	_ =	swait.ge [sflag:s7], $0x271  }
0xb: {  	s18 =	sand.u32 $0x1, s9;
	s30 =	sshll.u32 s0, $0x1;
	[sflag:s7] =	ssyncset.done $0x0  }
0xc: {  	s9 =	simm.s32 $0x2710;
	s10 =	sor.u32 s18, s30;
	[sflag:s7] =	ssyncadd.s32 $0xFFFFFD8F  }
0xd: {  	[tilespmem:s9], [sflag:$0x2] =	stream.linear.gather [hbm4b:s2+s4], $0x3E80, $0x38;
	[tilespmem:$0x7918] =	vst v63  }
0xe: {  	s10 =	smul.u32 $0x4E2, s10;
	_ =	swait.ge [sflag:s7], $0x3E80  }
0xf: {  	s11 =	sadd.s32 $0xBA40, s16;
	[sflag:s7] =	ssyncset.done $0x0  }
0x10: {  	s10 =	sadd.s32 s10, s11;
	[sflag:s7] =	ssyncadd.s32 $0xFFFFC180  }
0x11: {  	[tilespmem:s4], [sflag:$0x2] =	stream.linear.gather [hbm4b:s10+s4], $0x2710, $0x38;
	[tilespmem:$0x7918] =	vst v63  }
0x12: {  	_ =	swait.ge [sflag:s7], $0x2710  }
0x13: {  	[sflag:s7] =	ssyncset.done $0x0  }
0x14: {  	[sflag:s7] =	ssyncadd.s32 $0xFFFFD8F0  }
0x15: {  	s11 =	simm.s32 $0x7D0;
	[bflag:$0x0] =	sbarrier.arrive $0xFFFF  }
0x16: {  	[spmem:s3] =	stream.indirect.scatter.add.f32 [tilespmem:s9], [sflag:$0x1], $0x8, s4, s11, $0xb8;
	[tilespmem:$0x7918] =	vst v63  }
0x17: {  	_ = 	snop  }
0x18: {  	[spmem:s3] =	stream.indirect.scatter.add.f32 [tilespmem:s9], [sflag:$0x1], $0x8, s11, s11, $0xb8;
	[tilespmem:$0x7918] =	vst v63  }
0x19: {  	s12 =	simm.s32 $0xFA0  }
0x1a: {  	[spmem:s3] =	stream.indirect.scatter.add.f32 [tilespmem:s9], [sflag:$0x1], $0x8, s12, s11, $0xb8;
	[tilespmem:$0x7918] =	vst v63  }
0x1b: {  	s13 =	simm.s32 $0x1770  }
0x1c: {  	[spmem:s3] =	stream.indirect.scatter.add.f32 [tilespmem:s9], [sflag:$0x1], $0x8, s13, s11, $0xb8;
	[tilespmem:$0x7918] =	vst v63  }
0x1d: {  	s14 =	simm.s32 $0x1F40;
	s15 =	simm.s32 $0x1  }
0x1e: {  	[spmem:s3] =	stream.indirect.scatter.add.f32 [tilespmem:s9], [sflag:$0x1], $0x8, s14, s11, $0xb8;
	[tilespmem:$0x7918] =	vst v63  }
0x1f: {  	_ =	swait.ge [sflag:s15], $0x3E80  }
0x20: {  	[sflag:s15] =	ssyncset.done $0x0  }
0x21: {  	[sflag:s15] =	ssyncadd.s32 $0xFFFFC180  }
0x22: {  	_ =	swait.ge [sflag:s15], $0x3E80  }
0x23: {  	[sflag:s15] =	ssyncset.done $0x0  }
0x24: {  	[sflag:s15] =	ssyncadd.s32 $0xFFFFC180  }
0x25: {  	_ =	swait.ge [sflag:s15], $0x3E80  }
0x26: {  	[sflag:s15] =	ssyncset.done $0x0  }
0x27: {  	[sflag:s15] =	ssyncadd.s32 $0xFFFFC180  }
0x28: {  	s19 =	smul.u32 $0x2710, s18;
	s18 =	ssub.s32 $0x2, s18;
	_ =	swait.ge [sflag:s15], $0x3E80  }
0x29: {  	s31 =	sshrl.u32 s18, $0x1;
	[sflag:s15] =	ssyncset.done $0x0  }
0x2a: {  	s18 =	ssub.s32 s18, s31;
	[sflag:s15] =	ssyncadd.s32 $0xFFFFC180  }
0x2b: {  	s18 =	smax.u32 s18, $0x1;
	_ =	swait.ge [sflag:s15], $0x3E80  }
0x2c: {  	s16 =	sadd.s32 s19, s16;
	p0 =	sne.s32 s18, $0x1;
	[sflag:s15] =	ssyncset.done $0x0  }
.Ltmp0:
0x2d: {  	s16 =	sadd.s32 $0x18000, s16;
	[sflag:s15] =	ssyncadd.s32 $0xFFFFC180;
	(pc) =	sbr.rel @!p0 .LBB2_2-.Ltmp0, $4  }
0x2e: {  	s16 =	sadd.s32 s17, s16;
	[bflag:$0x0] =	sbarrier.arrive $0xFFFF  }
0x2f: {  	[hbm:s16], [sflag:s6] =	dma.local [spmem:s8], $0x271  }
0x30: {  	_ =	swait.ge [sflag:s7], $0x271  }
0x31: {  	s17 =	sadd.s32 $0xFFFFFFFF, s18;
	[sflag:s7] =	ssyncset.done $0x0  }
.LBB2_1:
0x32: {  	p0 =	sne.s32 s17, $0x1;
	s17 =	sadd.s32 $0xFFFFFFFF, s17;
	[sflag:s7] =	ssyncadd.s32 $0xFFFFFD8F  }
0x33: {  	[spmem:s8], [sflag:s6] =	dma.local [hbm:s5], $0x271  }
0x34: {  	_ =	swait.ge [sflag:s7], $0x271  }
0x35: {  	[sflag:s7] =	ssyncset.done $0x0  }
0x36: {  	[sflag:s7] =	ssyncadd.s32 $0xFFFFFD8F  }
0x37: {  	[tilespmem:s9], [sflag:$0x2] =	stream.linear.gather [hbm4b:s2+s4], $0x3E80, $0x38;
	[tilespmem:$0x7918] =	vst v63  }
0x38: {  	_ =	swait.ge [sflag:s7], $0x3E80  }
0x39: {  	[sflag:s7] =	ssyncset.done $0x0  }
0x3a: {  	[sflag:s7] =	ssyncadd.s32 $0xFFFFC180  }
0x3b: {  	[tilespmem:s4], [sflag:$0x2] =	stream.linear.gather [hbm4b:s10+s4], $0x2710, $0x38;
	[tilespmem:$0x7918] =	vst v63  }
0x3c: {  	_ =	swait.ge [sflag:s7], $0x2710  }
0x3d: {  	[sflag:s7] =	ssyncset.done $0x0  }
0x3e: {  	[sflag:s7] =	ssyncadd.s32 $0xFFFFD8F0  }
0x3f: {  	[bflag:$0x0] =	sbarrier.arrive $0xFFFF  }
0x40: {  	[spmem:s3] =	stream.indirect.scatter.add.f32 [tilespmem:s9], [sflag:$0x1], $0x8, s4, s11, $0xb8;
	[tilespmem:$0x7918] =	vst v63  }
0x41: {  	_ = 	snop  }
0x42: {  	[spmem:s3] =	stream.indirect.scatter.add.f32 [tilespmem:s9], [sflag:$0x1], $0x8, s11, s11, $0xb8;
	[tilespmem:$0x7918] =	vst v63  }
0x43: {  	_ = 	snop  }
0x44: {  	[spmem:s3] =	stream.indirect.scatter.add.f32 [tilespmem:s9], [sflag:$0x1], $0x8, s12, s11, $0xb8;
	[tilespmem:$0x7918] =	vst v63  }
0x45: {  	_ = 	snop  }
0x46: {  	[spmem:s3] =	stream.indirect.scatter.add.f32 [tilespmem:s9], [sflag:$0x1], $0x8, s13, s11, $0xb8;
	[tilespmem:$0x7918] =	vst v63  }
0x47: {  	_ = 	snop  }
0x48: {  	[spmem:s3] =	stream.indirect.scatter.add.f32 [tilespmem:s9], [sflag:$0x1], $0x8, s14, s11, $0xb8;
	[tilespmem:$0x7918] =	vst v63  }
0x49: {  	_ =	swait.ge [sflag:s15], $0x3E80  }
0x4a: {  	[sflag:s15] =	ssyncset.done $0x0  }
0x4b: {  	[sflag:s15] =	ssyncadd.s32 $0xFFFFC180  }
0x4c: {  	_ =	swait.ge [sflag:s15], $0x3E80  }
0x4d: {  	[sflag:s15] =	ssyncset.done $0x0  }
0x4e: {  	[sflag:s15] =	ssyncadd.s32 $0xFFFFC180  }
0x4f: {  	_ =	swait.ge [sflag:s15], $0x3E80  }
0x50: {  	[sflag:s15] =	ssyncset.done $0x0  }
0x51: {  	[sflag:s15] =	ssyncadd.s32 $0xFFFFC180  }
0x52: {  	_ =	swait.ge [sflag:s15], $0x3E80  }
0x53: {  	[sflag:s15] =	ssyncset.done $0x0  }
0x54: {  	[sflag:s15] =	ssyncadd.s32 $0xFFFFC180  }
0x55: {  	_ =	swait.ge [sflag:s15], $0x3E80  }
0x56: {  	[sflag:s15] =	ssyncset.done $0x0  }
.Ltmp1:
0x57: {  	[sflag:s15] =	ssyncadd.s32 $0xFFFFC180;
	(pc) =	sbr.rel @p0 .LBB2_1-.Ltmp1, $4  }
0x58: {  	[bflag:$0x0] =	sbarrier.arrive $0xFFFF  }
0x59: {  	[hbm:s16], [sflag:s6] =	dma.local [spmem:s8], $0x271  }
0x5a: {  	_ =	swait.ge [sflag:s7], $0x271  }
0x5b: {  	[sflag:s7] =	ssyncset.done $0x0  }
.LBB2_2:
0x5c: {  	[sflag:s7] =	ssyncadd.s32 $0xFFFFFD8F  }
0x5d: {  	_ =	sfence.sel $0x180000  }
0x5e: {  	[bflag:$0x0] =	sbarrier.arrive $0xFFFF  }
0x5f: {  	p0 =	sne.s32 s0, $0x0;
	_ =	strace $0x90000047  }
0x60: {  	s0 =	sadd.s32 @!p0 $0x100000, s1;
	[bflag:$0x2] =	sbarrier.arrive $0xFFFF  }
0x61: {  	[sflag:s0] =	ssyncadd.tile.s32 @!p0 $0x1;
	_ =	shalt  }
.Lfunc_end2:
_tile_overlayer_lowered:
.L_overlay_start_2:
0x62: {  	(tag) =	ssettag $0x2  }
0x63: {  	s0 =	rddreg [dreg:$0x0];
	s2 =	stileid.u32  }
0x64: {  	s1 =	rddreg [dreg:$0x1];
	p0 =	sne.s32 s2, $0x0  }
0x65: {  	s3 =	rddreg [dreg:$0x2];
	[bflag:$0x3] =	sbarrier.arrive $0xFFFF;
	s2 =	simm.s32 @!p0 $0x1C02  }
0x66: {  	[timem:s3], [sflag:s2] =	dma.local @!p0 [hbm:s0], s1  }
0x67: {  	s0 =	simm.s32 @!p0 $0x2  }
0x68: {  	_ =	swait.ge @!p0 [sflag:s0], s1  }
0x69: {  	s1 =	ssub.s32 @!p0 $0x0, s1;
	[sflag:s0] =	ssyncset.done @!p0 $0x0  }
0x6a: {  	[sflag:s0] =	ssyncadd.s32 @!p0 s1  }
0x6b: {  	[bflag:$0x3] =	sbarrier.arrive $0xFFFF  }
0x6c: {  	_ =	shalt  }

</sc_bundles>
